<compile_context>
chip_gen: v7x
topology: tpu7x:2x2x1
jax: 0.10.2.dev20260603
libtpu: 0.0.44.dev20260713+nightly
codegen_flags: <defaults>
</compile_context>

<pallas_src>
import functools

import numpy as np
import jax
import jax.numpy as jnp
from jax import lax
from jax.experimental import pallas as pl
from jax.experimental.pallas import tpu as pltpu
from jax.experimental.pallas import tpu_sc as plsc

_KS2 = np.int32(0x1BD11BDA)
_MANT_ONE = np.int32(0x3F800000)
_TINY = np.float32(np.finfo(np.float32).tiny)
_BIG = np.int32(np.iinfo(np.int32).max)

_WIDTH = 16384
_SUB = 256
_SC_WORKERS = 32
_SC_CHUNK = 16384


def _rotl(v, r):
    return (v << np.int32(r)) | lax.shift_right_logical(v, np.int32(32 - r))


def _threefry_bits(j):
    x0 = j
    x1 = _rotl(j, 13) ^ j
    for r in (15, 26, 6):
        x0 = x0 + x1
        x1 = _rotl(x1, r)
        x1 = x1 ^ x0
    x1 = x1 + np.int32(_KS2 + 1)
    for r in (17, 29, 16, 24):
        x0 = x0 + x1
        x1 = _rotl(x1, r)
        x1 = x1 ^ x0
    x0 = x0 + _KS2
    x1 = x1 + np.int32(2)
    for r in (13, 15, 26, 6):
        x0 = x0 + x1
        x1 = _rotl(x1, r)
        x1 = x1 ^ x0
    x1 = x1 + np.int32(3)
    for r in (17, 29, 16, 24):
        x0 = x0 + x1
        x1 = _rotl(x1, r)
        x1 = x1 ^ x0
    x1 = x1 + np.int32(_KS2 + 4)
    for r in (13, 15, 26, 6):
        x0 = x0 + x1
        x1 = _rotl(x1, r)
        x1 = x1 ^ x0
    x0 = x0 + _KS2
    x1 = x1 + np.int32(5)
    return x0 ^ x1


def _gumbel_from_bits(bits):
    mant = lax.shift_right_logical(bits, np.int32(9)) | _MANT_ONE
    u = lax.bitcast_convert_type(mant, jnp.float32) - np.float32(1.0)
    u = u * (np.float32(1.0) - _TINY) + _TINY
    u = jnp.maximum(_TINY, u)
    return -jnp.log(-jnp.log(u))


def _fold_step(k, loc_max, loc_idx, max_ref, idx_ref):
    @pl.when(k == 0)
    def _():
        max_ref[...] = loc_max
        idx_ref[...] = loc_idx

    @pl.when(k > 0)
    def _():
        upd = loc_max > max_ref[...]
        max_ref[...] = jnp.where(upd, loc_max, max_ref[...])
        idx_ref[...] = jnp.where(upd, loc_idx, idx_ref[...])


def _reduce_block(ymax, argj, rows, ncols):
    loc_max = jnp.max(ymax, axis=1, keepdims=True)
    loc_j = jnp.min(jnp.where(ymax == loc_max, argj, _BIG),
                    axis=1, keepdims=True)
    loc_idx = loc_j - (lax.broadcasted_iota(jnp.int32, (rows, 1), 0)
                       * np.int32(ncols))
    return loc_max, loc_idx


def _body_gen(x_ref, pmax_ref, pidx_ref, max_ref, idx_ref,
              *, ncols, width, sub, col_base):
    k = pl.program_id(0)
    nsteps = pl.num_programs(0)
    rows = x_ref.shape[0]
    c0 = np.int32(col_base) + k * np.int32(width)

    lane = lax.broadcasted_iota(jnp.int32, (rows, sub), 1)
    row_base = lax.broadcasted_iota(jnp.int32, (rows, sub), 0) * np.int32(ncols)
    j0 = row_base + (lane + c0)
    row_limit = row_base + np.int32(ncols)

    def inner(i, carry):
        ymax, argj = carry
        start = pl.multiple_of(i * sub, sub)
        xs = x_ref[:, pl.ds(start, sub)]
        jv = j0 + i * np.int32(sub)
        y = _gumbel_from_bits(_threefry_bits(jv)) + xs
        upd = (y > ymax) & (jv < row_limit)
        return jnp.where(upd, y, ymax), jnp.where(upd, jv, argj)

    init = (jnp.full((rows, sub), -jnp.inf, jnp.float32),
            jnp.zeros((rows, sub), jnp.int32))
    ymax, argj = lax.fori_loop(0, width // sub, inner, init)

    loc_max, loc_idx = _reduce_block(ymax, argj, rows, ncols)
    _fold_step(k, loc_max, loc_idx, max_ref, idx_ref)

    @pl.when(k == nsteps - 1)
    def _():
        pmax_ref[...] = max_ref[...]
        pidx_ref[...] = idx_ref[...]


def _body_bits(x_ref, bits_ref, bmax_ref, bidx_ref, out_ref,
               max_ref, idx_ref, *, ncols, width, sub):
    k = pl.program_id(0)
    nsteps = pl.num_programs(0)
    rows = x_ref.shape[0]
    c0 = k * np.int32(width)

    lane = lax.broadcasted_iota(jnp.int32, (rows, sub), 1)
    row_base = lax.broadcasted_iota(jnp.int32, (rows, sub), 0) * np.int32(ncols)
    j0 = row_base + (lane + c0)

    def inner(i, carry):
        ymax, argj = carry
        start = pl.multiple_of(i * sub, sub)
        xs = x_ref[:, pl.ds(start, sub)]
        bits = bits_ref[:, pl.ds(start, sub)]
        y = _gumbel_from_bits(bits) + xs
        jv = j0 + i * np.int32(sub)
        upd = y > ymax
        return jnp.where(upd, y, ymax), jnp.where(upd, jv, argj)

    init = (jnp.full((rows, sub), -jnp.inf, jnp.float32),
            jnp.zeros((rows, sub), jnp.int32))
    ymax, argj = lax.fori_loop(0, width // sub, inner, init)

    loc_max, loc_idx = _reduce_block(ymax, argj, rows, ncols)
    _fold_step(k, loc_max, loc_idx, max_ref, idx_ref)

    @pl.when(k == nsteps - 1)
    def _():
        take_b = bmax_ref[...] > max_ref[...]
        out_ref[...] = jnp.where(take_b, bidx_ref[...], idx_ref[...])


def _sc_bits(rows, ncols, ca):
    mesh = plsc.VectorSubcoreMesh(core_axis_name="c", subcore_axis_name="s")
    rows_per_w = rows // _SC_WORKERS
    nchunks = ca // _SC_CHUNK

    @functools.partial(
        pl.kernel,
        mesh=mesh,
        out_type=jax.ShapeDtypeStruct((rows, ca), jnp.int32),
        scratch_types=[pltpu.VMEM((_SC_CHUNK,), jnp.int32)],
    )
    def k(out_hbm, stage):
        wid = lax.axis_index("s") * np.int32(2) + lax.axis_index("c")
        iota = lax.broadcasted_iota(jnp.int32, (16,), 0)

        def row_body(rl, _):
            row = wid * np.int32(rows_per_w) + rl

            def chunk_body(cb, _):
                jbase = row * np.int32(ncols) + cb * np.int32(_SC_CHUNK)

                def vec_body(ci, _):
                    base = ci * np.int32(128)
                    for off in range(8):
                        o = base + np.int32(off * 16)
                        stage[pl.ds(o, 16)] = _threefry_bits(iota + (jbase + o))
                    return 0

                lax.fori_loop(0, _SC_CHUNK // 128, vec_body, 0)
                pltpu.sync_copy(
                    stage, out_hbm.at[row, pl.ds(cb * np.int32(_SC_CHUNK),
                                                 _SC_CHUNK)])
                return 0

            return lax.fori_loop(0, nchunks, chunk_body, 0)

        lax.fori_loop(0, rows_per_w, row_body, 0)

    return k


def _tc_partial(x, ncols, col_base, span):
    rows = x.shape[0]
    nsteps = pl.cdiv(span, _WIDTH)
    kb = col_base // _WIDTH
    return pl.pallas_call(
        functools.partial(_body_gen, ncols=ncols, width=_WIDTH, sub=_SUB,
                          col_base=col_base),
        grid=(nsteps,),
        in_specs=[pl.BlockSpec((rows, _WIDTH), lambda k: (0, k + kb))],
        out_specs=[pl.BlockSpec((rows, 1), lambda k: (0, 0)),
                   pl.BlockSpec((rows, 1), lambda k: (0, 0))],
        out_shape=[jax.ShapeDtypeStruct((rows, 1), jnp.float32),
                   jax.ShapeDtypeStruct((rows, 1), jnp.int32)],
        scratch_shapes=[
            pltpu.VMEM((rows, 1), jnp.float32),
            pltpu.VMEM((rows, 1), jnp.int32),
        ],
    )(x)


def kernel(x):
    rows, ncols = x.shape
    ca = 294912
    hybrid = (rows % _SC_WORKERS == 0 and ncols >= 2 * ca
              and ca % _WIDTH == 0 and ca % _SC_CHUNK == 0)

    if not hybrid:
        _, pidx = _tc_partial(x, ncols, 0, ncols)
        return pidx.reshape(rows)

    bmax, bidx = _tc_partial(x, ncols, ca, ncols - ca)
    bits = _sc_bits(rows, ncols, ca)()
    out = pl.pallas_call(
        functools.partial(_body_bits, ncols=ncols, width=_WIDTH, sub=_SUB),
        grid=(ca // _WIDTH,),
        in_specs=[pl.BlockSpec((rows, _WIDTH), lambda k: (0, k)),
                  pl.BlockSpec((rows, _WIDTH), lambda k: (0, k)),
                  pl.BlockSpec((rows, 1), lambda k: (0, 0)),
                  pl.BlockSpec((rows, 1), lambda k: (0, 0))],
        out_specs=pl.BlockSpec((rows, 1), lambda k: (0, 0)),
        out_shape=jax.ShapeDtypeStruct((rows, 1), jnp.int32),
        scratch_shapes=[
            pltpu.VMEM((rows, 1), jnp.float32),
            pltpu.VMEM((rows, 1), jnp.int32),
        ],
    )(x, bits, bmax, bidx)
    return out.reshape(rows)

# --- scband reference (transcript-rebuilt; emitter-appended) ---
"""Pipeline reference for scband-categorical-head-10728828306034 (READ-ONLY COPY).

The authoritative reference and input builder live on the scoring server;
editing this copy changes nothing except your own understanding.
"""

import jax, jax.numpy as jnp
import numpy as np


def setup_inputs(seed: int = 0) -> dict:
    key = jax.random.key(seed)
    x = jax.random.normal(jax.random.fold_in(key, 1), (64, 1000000), dtype=jnp.float32)
    return {"x": x}


def reference(x):
    # CategoricalHead.forward: sample one index per row from the logits.
    # The module stores its PRNG key at construction; we use a fixed key here
    # for determinism (init_kwargs rng seed = 0).
    rng = jax.random.key(0)
    return jax.random.categorical(rng, logits=x, axis=-1)

if __name__ == "__main__":
    import jax
    _d = setup_inputs()
    print(jax.jit(kernel)(*tuple(_d.values())))

</pallas_src>

<mosaic_0001>
#map = affine_map<(d0, d1) -> (0, 0)>
module attributes {stable_mosaic.version = 14 : i64} {
  func.func @k(%arg0: i32, %arg1: i32, %arg2: memref<64x294912xi32, #tpu.memory_space<hbm>>, %arg3: memref<16384xi32, #tpu.memory_space<vmem>>) attributes {dimension_semantics = [#tpu.dimension_semantics<core_parallel>, #tpu.dimension_semantics<subcore_parallel>], iteration_bounds = array<i64: 2, 16>, scalar_prefetch = 0 : i64, scratch_operands = 1 : i64, tpu.core_type = #tpu.core_type<sc_vector_subcore>, window_params = [{transform_indices = #map}]} {
    %mul3A = arith.constant 2 : i32
    %mul3A_0 = arith.muli %arg1, %mul3A : i32
    %add3A = arith.addi %mul3A_0, %arg0 : i32
    %iota3A = tpu.iota {dimensions = array<i32: 0>} : vector<16xi32>
    %scan3A = arith.constant 0 : i32
    %scan3A_1 = arith.constant 0 : i32
    %scan3A_2 = arith.constant 2 : i32
    %scan3A_3 = arith.addi %scan3A_1, %scan3A_2 : i32
    %scan3A_4 = arith.constant 1 : i32
    %scan3A_5 = scf.for %scan3A_7 = %scan3A_1 to %scan3A_3 step %scan3A_4 iter_args(%scan3A_8 = %scan3A) -> (i32)  : i32 {
      %mul3A_9 = arith.constant 2 : i32
      %mul3A_10 = arith.muli %add3A, %mul3A_9 : i32
      %add3A_11 = arith.addi %mul3A_10, %scan3A_7 : i32
      %scan3A_12 = arith.constant 0 : i32
      %scan3A_13 = arith.constant 0 : i32
      %scan3A_14 = arith.constant 18 : i32
      %scan3A_15 = arith.addi %scan3A_13, %scan3A_14 : i32
      %scan3A_16 = arith.constant 1 : i32
      %scan3A_17 = scf.for %scan3A_19 = %scan3A_13 to %scan3A_15 step %scan3A_16 iter_args(%scan3A_20 = %scan3A_12) -> (i32)  : i32 {
        %mul3A_21 = arith.constant 1000000 : i32
        %mul3A_22 = arith.muli %add3A_11, %mul3A_21 : i32
        %mul3A_23 = arith.constant 16384 : i32
        %mul3A_24 = arith.muli %scan3A_19, %mul3A_23 : i32
        %add3A_25 = arith.addi %mul3A_22, %mul3A_24 : i32
        %scan3A_26 = arith.constant 0 : i32
        %scan3A_27 = arith.constant 0 : i32
        %scan3A_28 = arith.constant 128 : i32
        %scan3A_29 = arith.addi %scan3A_27, %scan3A_28 : i32
        %scan3A_30 = arith.constant 1 : i32
        %scan3A_31 = scf.for %scan3A_36 = %scan3A_27 to %scan3A_29 step %scan3A_30 iter_args(%scan3A_37 = %scan3A_26) -> (i32)  : i32 {
          %mul3A_38 = arith.constant 128 : i32
          %mul3A_39 = arith.muli %scan3A_36, %mul3A_38 : i32
          %add3A_40 = arith.constant 0 : i32
          %add3A_41 = arith.addi %mul3A_39, %add3A_40 : i32
          %add3A_42 = arith.addi %add3A_25, %add3A_41 : i32
          %add3A_43 = vector.broadcast %add3A_42 : i32 to vector<16xi32>
          %add3A_44 = arith.addi %iota3A, %add3A_43 : vector<16xi32>
          %shift_left3A = arith.constant 13 : i32
          %shift_left3A_45 = vector.broadcast %shift_left3A : i32 to vector<16xi32>
          %shift_left3A_46 = arith.shli %add3A_44, %shift_left3A_45 : vector<16xi32>
          %shift_right_logical3A = arith.constant 19 : i32
          %shift_right_logical3A_47 = vector.broadcast %shift_right_logical3A : i32 to vector<16xi32>
          %shift_right_logical3A_48 = arith.shrui %add3A_44, %shift_right_logical3A_47 : vector<16xi32>
          %or3A = arith.ori %shift_left3A_46, %shift_right_logical3A_48 : vector<16xi32>
          %xor3A = arith.xori %or3A, %add3A_44 : vector<16xi32>
          %add3A_49 = arith.addi %add3A_44, %xor3A : vector<16xi32>
          %shift_left3A_50 = arith.constant 15 : i32
          %shift_left3A_51 = vector.broadcast %shift_left3A_50 : i32 to vector<16xi32>
          %shift_left3A_52 = arith.shli %xor3A, %shift_left3A_51 : vector<16xi32>
          %shift_right_logical3A_53 = arith.constant 17 : i32
          %shift_right_logical3A_54 = vector.broadcast %shift_right_logical3A_53 : i32 to vector<16xi32>
          %shift_right_logical3A_55 = arith.shrui %xor3A, %shift_right_logical3A_54 : vector<16xi32>
          %or3A_56 = arith.ori %shift_left3A_52, %shift_right_logical3A_55 : vector<16xi32>
          %xor3A_57 = arith.xori %or3A_56, %add3A_49 : vector<16xi32>
          %add3A_58 = arith.addi %add3A_49, %xor3A_57 : vector<16xi32>
          %shift_left3A_59 = arith.constant 26 : i32
          %shift_left3A_60 = vector.broadcast %shift_left3A_59 : i32 to vector<16xi32>
          %shift_left3A_61 = arith.shli %xor3A_57, %shift_left3A_60 : vector<16xi32>
          %shift_right_logical3A_62 = arith.constant 6 : i32
          %shift_right_logical3A_63 = vector.broadcast %shift_right_logical3A_62 : i32 to vector<16xi32>
          %shift_right_logical3A_64 = arith.shrui %xor3A_57, %shift_right_logical3A_63 : vector<16xi32>
          %or3A_65 = arith.ori %shift_left3A_61, %shift_right_logical3A_64 : vector<16xi32>
          %xor3A_66 = arith.xori %or3A_65, %add3A_58 : vector<16xi32>
          %add3A_67 = arith.addi %add3A_58, %xor3A_66 : vector<16xi32>
          %shift_left3A_68 = arith.constant 6 : i32
          %shift_left3A_69 = vector.broadcast %shift_left3A_68 : i32 to vector<16xi32>
          %shift_left3A_70 = arith.shli %xor3A_66, %shift_left3A_69 : vector<16xi32>
          %shift_right_logical3A_71 = arith.constant 26 : i32
          %shift_right_logical3A_72 = vector.broadcast %shift_right_logical3A_71 : i32 to vector<16xi32>
          %shift_right_logical3A_73 = arith.shrui %xor3A_66, %shift_right_logical3A_72 : vector<16xi32>
          %or3A_74 = arith.ori %shift_left3A_70, %shift_right_logical3A_73 : vector<16xi32>
          %xor3A_75 = arith.xori %or3A_74, %add3A_67 : vector<16xi32>
          %add3A_76 = arith.constant 466688987 : i32
          %add3A_77 = vector.broadcast %add3A_76 : i32 to vector<16xi32>
          %add3A_78 = arith.addi %xor3A_75, %add3A_77 : vector<16xi32>
          %add3A_79 = arith.addi %add3A_67, %add3A_78 : vector<16xi32>
          %shift_left3A_80 = arith.constant 17 : i32
          %shift_left3A_81 = vector.broadcast %shift_left3A_80 : i32 to vector<16xi32>
          %shift_left3A_82 = arith.shli %add3A_78, %shift_left3A_81 : vector<16xi32>
          %shift_right_logical3A_83 = arith.constant 15 : i32
          %shift_right_logical3A_84 = vector.broadcast %shift_right_logical3A_83 : i32 to vector<16xi32>
          %shift_right_logical3A_85 = arith.shrui %add3A_78, %shift_right_logical3A_84 : vector<16xi32>
          %or3A_86 = arith.ori %shift_left3A_82, %shift_right_logical3A_85 : vector<16xi32>
          %xor3A_87 = arith.xori %or3A_86, %add3A_79 : vector<16xi32>
          %add3A_88 = arith.addi %add3A_79, %xor3A_87 : vector<16xi32>
          %shift_left3A_89 = arith.constant 29 : i32
          %shift_left3A_90 = vector.broadcast %shift_left3A_89 : i32 to vector<16xi32>
          %shift_left3A_91 = arith.shli %xor3A_87, %shift_left3A_90 : vector<16xi32>
          %shift_right_logical3A_92 = arith.constant 3 : i32
          %shift_right_logical3A_93 = vector.broadcast %shift_right_logical3A_92 : i32 to vector<16xi32>
          %shift_right_logical3A_94 = arith.shrui %xor3A_87, %shift_right_logical3A_93 : vector<16xi32>
          %or3A_95 = arith.ori %shift_left3A_91, %shift_right_logical3A_94 : vector<16xi32>
          %xor3A_96 = arith.xori %or3A_95, %add3A_88 : vector<16xi32>
          %add3A_97 = arith.addi %add3A_88, %xor3A_96 : vector<16xi32>
          %shift_left3A_98 = arith.constant 16 : i32
          %shift_left3A_99 = vector.broadcast %shift_left3A_98 : i32 to vector<16xi32>
          %shift_left3A_100 = arith.shli %xor3A_96, %shift_left3A_99 : vector<16xi32>
          %shift_right_logical3A_101 = arith.constant 16 : i32
          %shift_right_logical3A_102 = vector.broadcast %shift_right_logical3A_101 : i32 to vector<16xi32>
          %shift_right_logical3A_103 = arith.shrui %xor3A_96, %shift_right_logical3A_102 : vector<16xi32>
          %or3A_104 = arith.ori %shift_left3A_100, %shift_right_logical3A_103 : vector<16xi32>
          %xor3A_105 = arith.xori %or3A_104, %add3A_97 : vector<16xi32>
          %add3A_106 = arith.addi %add3A_97, %xor3A_105 : vector<16xi32>
          %shift_left3A_107 = arith.constant 24 : i32
          %shift_left3A_108 = vector.broadcast %shift_left3A_107 : i32 to vector<16xi32>
          %shift_left3A_109 = arith.shli %xor3A_105, %shift_left3A_108 : vector<16xi32>
          %shift_right_logical3A_110 = arith.constant 8 : i32
          %shift_right_logical3A_111 = vector.broadcast %shift_right_logical3A_110 : i32 to vector<16xi32>
          %shift_right_logical3A_112 = arith.shrui %xor3A_105, %shift_right_logical3A_111 : vector<16xi32>
          %or3A_113 = arith.ori %shift_left3A_109, %shift_right_logical3A_112 : vector<16xi32>
          %xor3A_114 = arith.xori %or3A_113, %add3A_106 : vector<16xi32>
          %add3A_115 = arith.constant 466688986 : i32
          %add3A_116 = vector.broadcast %add3A_115 : i32 to vector<16xi32>
          %add3A_117 = arith.addi %add3A_106, %add3A_116 : vector<16xi32>
          %add3A_118 = arith.constant 2 : i32
          %add3A_119 = vector.broadcast %add3A_118 : i32 to vector<16xi32>
          %add3A_120 = arith.addi %xor3A_114, %add3A_119 : vector<16xi32>
          %add3A_121 = arith.addi %add3A_117, %add3A_120 : vector<16xi32>
          %shift_left3A_122 = arith.constant 13 : i32
          %shift_left3A_123 = vector.broadcast %shift_left3A_122 : i32 to vector<16xi32>
          %shift_left3A_124 = arith.shli %add3A_120, %shift_left3A_123 : vector<16xi32>
          %shift_right_logical3A_125 = arith.constant 19 : i32
          %shift_right_logical3A_126 = vector.broadcast %shift_right_logical3A_125 : i32 to vector<16xi32>
          %shift_right_logical3A_127 = arith.shrui %add3A_120, %shift_right_logical3A_126 : vector<16xi32>
          %or3A_128 = arith.ori %shift_left3A_124, %shift_right_logical3A_127 : vector<16xi32>
          %xor3A_129 = arith.xori %or3A_128, %add3A_121 : vector<16xi32>
          %add3A_130 = arith.addi %add3A_121, %xor3A_129 : vector<16xi32>
          %shift_left3A_131 = arith.constant 15 : i32
          %shift_left3A_132 = vector.broadcast %shift_left3A_131 : i32 to vector<16xi32>
          %shift_left3A_133 = arith.shli %xor3A_129, %shift_left3A_132 : vector<16xi32>
          %shift_right_logical3A_134 = arith.constant 17 : i32
          %shift_right_logical3A_135 = vector.broadcast %shift_right_logical3A_134 : i32 to vector<16xi32>
          %shift_right_logical3A_136 = arith.shrui %xor3A_129, %shift_right_logical3A_135 : vector<16xi32>
          %or3A_137 = arith.ori %shift_left3A_133, %shift_right_logical3A_136 : vector<16xi32>
          %xor3A_138 = arith.xori %or3A_137, %add3A_130 : vector<16xi32>
          %add3A_139 = arith.addi %add3A_130, %xor3A_138 : vector<16xi32>
          %shift_left3A_140 = arith.constant 26 : i32
          %shift_left3A_141 = vector.broadcast %shift_left3A_140 : i32 to vector<16xi32>
          %shift_left3A_142 = arith.shli %xor3A_138, %shift_left3A_141 : vector<16xi32>
          %shift_right_logical3A_143 = arith.constant 6 : i32
          %shift_right_logical3A_144 = vector.broadcast %shift_right_logical3A_143 : i32 to vector<16xi32>
          %shift_right_logical3A_145 = arith.shrui %xor3A_138, %shift_right_logical3A_144 : vector<16xi32>
          %or3A_146 = arith.ori %shift_left3A_142, %shift_right_logical3A_145 : vector<16xi32>
          %xor3A_147 = arith.xori %or3A_146, %add3A_139 : vector<16xi32>
          %add3A_148 = arith.addi %add3A_139, %xor3A_147 : vector<16xi32>
          %shift_left3A_149 = arith.constant 6 : i32
          %shift_left3A_150 = vector.broadcast %shift_left3A_149 : i32 to vector<16xi32>
          %shift_left3A_151 = arith.shli %xor3A_147, %shift_left3A_150 : vector<16xi32>
          %shift_right_logical3A_152 = arith.constant 26 : i32
          %shift_right_logical3A_153 = vector.broadcast %shift_right_logical3A_152 : i32 to vector<16xi32>
          %shift_right_logical3A_154 = arith.shrui %xor3A_147, %shift_right_logical3A_153 : vector<16xi32>
          %or3A_155 = arith.ori %shift_left3A_151, %shift_right_logical3A_154 : vector<16xi32>
          %xor3A_156 = arith.xori %or3A_155, %add3A_148 : vector<16xi32>
          %add3A_157 = arith.constant 3 : i32
          %add3A_158 = vector.broadcast %add3A_157 : i32 to vector<16xi32>
          %add3A_159 = arith.addi %xor3A_156, %add3A_158 : vector<16xi32>
          %add3A_160 = arith.addi %add3A_148, %add3A_159 : vector<16xi32>
          %shift_left3A_161 = arith.constant 17 : i32
          %shift_left3A_162 = vector.broadcast %shift_left3A_161 : i32 to vector<16xi32>
          %shift_left3A_163 = arith.shli %add3A_159, %shift_left3A_162 : vector<16xi32>
          %shift_right_logical3A_164 = arith.constant 15 : i32
          %shift_right_logical3A_165 = vector.broadcast %shift_right_logical3A_164 : i32 to vector<16xi32>
          %shift_right_logical3A_166 = arith.shrui %add3A_159, %shift_right_logical3A_165 : vector<16xi32>
          %or3A_167 = arith.ori %shift_left3A_163, %shift_right_logical3A_166 : vector<16xi32>
          %xor3A_168 = arith.xori %or3A_167, %add3A_160 : vector<16xi32>
          %add3A_169 = arith.addi %add3A_160, %xor3A_168 : vector<16xi32>
          %shift_left3A_170 = arith.constant 29 : i32
          %shift_left3A_171 = vector.broadcast %shift_left3A_170 : i32 to vector<16xi32>
          %shift_left3A_172 = arith.shli %xor3A_168, %shift_left3A_171 : vector<16xi32>
          %shift_right_logical3A_173 = arith.constant 3 : i32
          %shift_right_logical3A_174 = vector.broadcast %shift_right_logical3A_173 : i32 to vector<16xi32>
          %shift_right_logical3A_175 = arith.shrui %xor3A_168, %shift_right_logical3A_174 : vector<16xi32>
          %or3A_176 = arith.ori %shift_left3A_172, %shift_right_logical3A_175 : vector<16xi32>
          %xor3A_177 = arith.xori %or3A_176, %add3A_169 : vector<16xi32>
          %add3A_178 = arith.addi %add3A_169, %xor3A_177 : vector<16xi32>
          %shift_left3A_179 = arith.constant 16 : i32
          %shift_left3A_180 = vector.broadcast %shift_left3A_179 : i32 to vector<16xi32>
          %shift_left3A_181 = arith.shli %xor3A_177, %shift_left3A_180 : vector<16xi32>
          %shift_right_logical3A_182 = arith.constant 16 : i32
          %shift_right_logical3A_183 = vector.broadcast %shift_right_logical3A_182 : i32 to vector<16xi32>
          %shift_right_logical3A_184 = arith.shrui %xor3A_177, %shift_right_logical3A_183 : vector<16xi32>
          %or3A_185 = arith.ori %shift_left3A_181, %shift_right_logical3A_184 : vector<16xi32>
          %xor3A_186 = arith.xori %or3A_185, %add3A_178 : vector<16xi32>
          %add3A_187 = arith.addi %add3A_178, %xor3A_186 : vector<16xi32>
          %shift_left3A_188 = arith.constant 24 : i32
          %shift_left3A_189 = vector.broadcast %shift_left3A_188 : i32 to vector<16xi32>
          %shift_left3A_190 = arith.shli %xor3A_186, %shift_left3A_189 : vector<16xi32>
          %shift_right_logical3A_191 = arith.constant 8 : i32
          %shift_right_logical3A_192 = vector.broadcast %shift_right_logical3A_191 : i32 to vector<16xi32>
          %shift_right_logical3A_193 = arith.shrui %xor3A_186, %shift_right_logical3A_192 : vector<16xi32>
          %or3A_194 = arith.ori %shift_left3A_190, %shift_right_logical3A_193 : vector<16xi32>
          %xor3A_195 = arith.xori %or3A_194, %add3A_187 : vector<16xi32>
          %add3A_196 = arith.constant 466688990 : i32
          %add3A_197 = vector.broadcast %add3A_196 : i32 to vector<16xi32>
          %add3A_198 = arith.addi %xor3A_195, %add3A_197 : vector<16xi32>
          %add3A_199 = arith.addi %add3A_187, %add3A_198 : vector<16xi32>
          %shift_left3A_200 = arith.constant 13 : i32
          %shift_left3A_201 = vector.broadcast %shift_left3A_200 : i32 to vector<16xi32>
          %shift_left3A_202 = arith.shli %add3A_198, %shift_left3A_201 : vector<16xi32>
          %shift_right_logical3A_203 = arith.constant 19 : i32
          %shift_right_logical3A_204 = vector.broadcast %shift_right_logical3A_203 : i32 to vector<16xi32>
          %shift_right_logical3A_205 = arith.shrui %add3A_198, %shift_right_logical3A_204 : vector<16xi32>
          %or3A_206 = arith.ori %shift_left3A_202, %shift_right_logical3A_205 : vector<16xi32>
          %xor3A_207 = arith.xori %or3A_206, %add3A_199 : vector<16xi32>
          %add3A_208 = arith.addi %add3A_199, %xor3A_207 : vector<16xi32>
          %shift_left3A_209 = arith.constant 15 : i32
          %shift_left3A_210 = vector.broadcast %shift_left3A_209 : i32 to vector<16xi32>
          %shift_left3A_211 = arith.shli %xor3A_207, %shift_left3A_210 : vector<16xi32>
          %shift_right_logical3A_212 = arith.constant 17 : i32
          %shift_right_logical3A_213 = vector.broadcast %shift_right_logical3A_212 : i32 to vector<16xi32>
          %shift_right_logical3A_214 = arith.shrui %xor3A_207, %shift_right_logical3A_213 : vector<16xi32>
          %or3A_215 = arith.ori %shift_left3A_211, %shift_right_logical3A_214 : vector<16xi32>
          %xor3A_216 = arith.xori %or3A_215, %add3A_208 : vector<16xi32>
          %add3A_217 = arith.addi %add3A_208, %xor3A_216 : vector<16xi32>
          %shift_left3A_218 = arith.constant 26 : i32
          %shift_left3A_219 = vector.broadcast %shift_left3A_218 : i32 to vector<16xi32>
          %shift_left3A_220 = arith.shli %xor3A_216, %shift_left3A_219 : vector<16xi32>
          %shift_right_logical3A_221 = arith.constant 6 : i32
          %shift_right_logical3A_222 = vector.broadcast %shift_right_logical3A_221 : i32 to vector<16xi32>
          %shift_right_logical3A_223 = arith.shrui %xor3A_216, %shift_right_logical3A_222 : vector<16xi32>
          %or3A_224 = arith.ori %shift_left3A_220, %shift_right_logical3A_223 : vector<16xi32>
          %xor3A_225 = arith.xori %or3A_224, %add3A_217 : vector<16xi32>
          %add3A_226 = arith.addi %add3A_217, %xor3A_225 : vector<16xi32>
          %shift_left3A_227 = arith.constant 6 : i32
          %shift_left3A_228 = vector.broadcast %shift_left3A_227 : i32 to vector<16xi32>
          %shift_left3A_229 = arith.shli %xor3A_225, %shift_left3A_228 : vector<16xi32>
          %shift_right_logical3A_230 = arith.constant 26 : i32
          %shift_right_logical3A_231 = vector.broadcast %shift_right_logical3A_230 : i32 to vector<16xi32>
          %shift_right_logical3A_232 = arith.shrui %xor3A_225, %shift_right_logical3A_231 : vector<16xi32>
          %or3A_233 = arith.ori %shift_left3A_229, %shift_right_logical3A_232 : vector<16xi32>
          %xor3A_234 = arith.xori %or3A_233, %add3A_226 : vector<16xi32>
          %add3A_235 = arith.constant 466688986 : i32
          %add3A_236 = vector.broadcast %add3A_235 : i32 to vector<16xi32>
          %add3A_237 = arith.addi %add3A_226, %add3A_236 : vector<16xi32>
          %add3A_238 = arith.constant 5 : i32
          %add3A_239 = vector.broadcast %add3A_238 : i32 to vector<16xi32>
          %add3A_240 = arith.addi %xor3A_234, %add3A_239 : vector<16xi32>
          %xor3A_241 = arith.xori %add3A_237, %add3A_240 : vector<16xi32>
          %swap3A = arith.index_cast %add3A_41 : i32 to index
          %swap3A_242 = tpu.vector_load %arg3[%swap3A] {strides = array<i32>} : memref<16384xi32, #tpu.memory_space<vmem>>, vector<16xi32>,
          %swap3A_243 = vector.shape_cast %swap3A_242 : vector<16xi32> to vector<16xi32>
          %swap3A_244 = vector.shape_cast %xor3A_241 : vector<16xi32> to vector<16xi32>
          tpu.vector_store %arg3[%swap3A], %swap3A_244 {strides = array<i32>} : memref<16384xi32, #tpu.memory_space<vmem>>, vector<16xi32>,
          %add3A_245 = arith.constant 16 : i32
          %add3A_246 = arith.addi %mul3A_39, %add3A_245 : i32
          %add3A_247 = arith.addi %add3A_25, %add3A_246 : i32
          %add3A_248 = vector.broadcast %add3A_247 : i32 to vector<16xi32>
          %add3A_249 = arith.addi %iota3A, %add3A_248 : vector<16xi32>
          %shift_left3A_250 = arith.constant 13 : i32
          %shift_left3A_251 = vector.broadcast %shift_left3A_250 : i32 to vector<16xi32>
          %shift_left3A_252 = arith.shli %add3A_249, %shift_left3A_251 : vector<16xi32>
          %shift_right_logical3A_253 = arith.constant 19 : i32
          %shift_right_logical3A_254 = vector.broadcast %shift_right_logical3A_253 : i32 to vector<16xi32>
          %shift_right_logical3A_255 = arith.shrui %add3A_249, %shift_right_logical3A_254 : vector<16xi32>
          %or3A_256 = arith.ori %shift_left3A_252, %shift_right_logical3A_255 : vector<16xi32>
          %xor3A_257 = arith.xori %or3A_256, %add3A_249 : vector<16xi32>
          %add3A_258 = arith.addi %add3A_249, %xor3A_257 : vector<16xi32>
          %shift_left3A_259 = arith.constant 15 : i32
          %shift_left3A_260 = vector.broadcast %shift_left3A_259 : i32 to vector<16xi32>
          %shift_left3A_261 = arith.shli %xor3A_257, %shift_left3A_260 : vector<16xi32>
          %shift_right_logical3A_262 = arith.constant 17 : i32
          %shift_right_logical3A_263 = vector.broadcast %shift_right_logical3A_262 : i32 to vector<16xi32>
          %shift_right_logical3A_264 = arith.shrui %xor3A_257, %shift_right_logical3A_263 : vector<16xi32>
          %or3A_265 = arith.ori %shift_left3A_261, %shift_right_logical3A_264 : vector<16xi32>
          %xor3A_266 = arith.xori %or3A_265, %add3A_258 : vector<16xi32>
          %add3A_267 = arith.addi %add3A_258, %xor3A_266 : vector<16xi32>
          %shift_left3A_268 = arith.constant 26 : i32
          %shift_left3A_269 = vector.broadcast %shift_left3A_268 : i32 to vector<16xi32>
          %shift_left3A_270 = arith.shli %xor3A_266, %shift_left3A_269 : vector<16xi32>
          %shift_right_logical3A_271 = arith.constant 6 : i32
          %shift_right_logical3A_272 = vector.broadcast %shift_right_logical3A_271 : i32 to vector<16xi32>
          %shift_right_logical3A_273 = arith.shrui %xor3A_266, %shift_right_logical3A_272 : vector<16xi32>
          %or3A_274 = arith.ori %shift_left3A_270, %shift_right_logical3A_273 : vector<16xi32>
          %xor3A_275 = arith.xori %or3A_274, %add3A_267 : vector<16xi32>
          %add3A_276 = arith.addi %add3A_267, %xor3A_275 : vector<16xi32>
          %shift_left3A_277 = arith.constant 6 : i32
          %shift_left3A_278 = vector.broadcast %shift_left3A_277 : i32 to vector<16xi32>
          %shift_left3A_279 = arith.shli %xor3A_275, %shift_left3A_278 : vector<16xi32>
          %shift_right_logical3A_280 = arith.constant 26 : i32
          %shift_right_logical3A_281 = vector.broadcast %shift_right_logical3A_280 : i32 to vector<16xi32>
          %shift_right_logical3A_282 = arith.shrui %xor3A_275, %shift_right_logical3A_281 : vector<16xi32>
          %or3A_283 = arith.ori %shift_left3A_279, %shift_right_logical3A_282 : vector<16xi32>
          %xor3A_284 = arith.xori %or3A_283, %add3A_276 : vector<16xi32>
          %add3A_285 = arith.constant 466688987 : i32
          %add3A_286 = vector.broadcast %add3A_285 : i32 to vector<16xi32>
          %add3A_287 = arith.addi %xor3A_284, %add3A_286 : vector<16xi32>
          %add3A_288 = arith.addi %add3A_276, %add3A_287 : vector<16xi32>
          %shift_left3A_289 = arith.constant 17 : i32
          %shift_left3A_290 = vector.broadcast %shift_left3A_289 : i32 to vector<16xi32>
          %shift_left3A_291 = arith.shli %add3A_287, %shift_left3A_290 : vector<16xi32>
          %shift_right_logical3A_292 = arith.constant 15 : i32
          %shift_right_logical3A_293 = vector.broadcast %shift_right_logical3A_292 : i32 to vector<16xi32>
          %shift_right_logical3A_294 = arith.shrui %add3A_287, %shift_right_logical3A_293 : vector<16xi32>
          %or3A_295 = arith.ori %shift_left3A_291, %shift_right_logical3A_294 : vector<16xi32>
          %xor3A_296 = arith.xori %or3A_295, %add3A_288 : vector<16xi32>
          %add3A_297 = arith.addi %add3A_288, %xor3A_296 : vector<16xi32>
          %shift_left3A_298 = arith.constant 29 : i32
          %shift_left3A_299 = vector.broadcast %shift_left3A_298 : i32 to vector<16xi32>
          %shift_left3A_300 = arith.shli %xor3A_296, %shift_left3A_299 : vector<16xi32>
          %shift_right_logical3A_301 = arith.constant 3 : i32
          %shift_right_logical3A_302 = vector.broadcast %shift_right_logical3A_301 : i32 to vector<16xi32>
          %shift_right_logical3A_303 = arith.shrui %xor3A_296, %shift_right_logical3A_302 : vector<16xi32>
          %or3A_304 = arith.ori %shift_left3A_300, %shift_right_logical3A_303 : vector<16xi32>
          %xor3A_305 = arith.xori %or3A_304, %add3A_297 : vector<16xi32>
          %add3A_306 = arith.addi %add3A_297, %xor3A_305 : vector<16xi32>
          %shift_left3A_307 = arith.constant 16 : i32
          %shift_left3A_308 = vector.broadcast %shift_left3A_307 : i32 to vector<16xi32>
          %shift_left3A_309 = arith.shli %xor3A_305, %shift_left3A_308 : vector<16xi32>
          %shift_right_logical3A_310 = arith.constant 16 : i32
          %shift_right_logical3A_311 = vector.broadcast %shift_right_logical3A_310 : i32 to vector<16xi32>
          %shift_right_logical3A_312 = arith.shrui %xor3A_305, %shift_right_logical3A_311 : vector<16xi32>
          %or3A_313 = arith.ori %shift_left3A_309, %shift_right_logical3A_312 : vector<16xi32>
          %xor3A_314 = arith.xori %or3A_313, %add3A_306 : vector<16xi32>
          %add3A_315 = arith.addi %add3A_306, %xor3A_314 : vector<16xi32>
          %shift_left3A_316 = arith.constant 24 : i32
          %shift_left3A_317 = vector.broadcast %shift_left3A_316 : i32 to vector<16xi32>
          %shift_left3A_318 = arith.shli %xor3A_314, %shift_left3A_317 : vector<16xi32>
          %shift_right_logical3A_319 = arith.constant 8 : i32
          %shift_right_logical3A_320 = vector.broadcast %shift_right_logical3A_319 : i32 to vector<16xi32>
          %shift_right_logical3A_321 = arith.shrui %xor3A_314, %shift_right_logical3A_320 : vector<16xi32>
          %or3A_322 = arith.ori %shift_left3A_318, %shift_right_logical3A_321 : vector<16xi32>
          %xor3A_323 = arith.xori %or3A_322, %add3A_315 : vector<16xi32>
          %add3A_324 = arith.constant 466688986 : i32
          %add3A_325 = vector.broadcast %add3A_324 : i32 to vector<16xi32>
          %add3A_326 = arith.addi %add3A_315, %add3A_325 : vector<16xi32>
          %add3A_327 = arith.constant 2 : i32
          %add3A_328 = vector.broadcast %add3A_327 : i32 to vector<16xi32>
          %add3A_329 = arith.addi %xor3A_323, %add3A_328 : vector<16xi32>
          %add3A_330 = arith.addi %add3A_326, %add3A_329 : vector<16xi32>
          %shift_left3A_331 = arith.constant 13 : i32
          %shift_left3A_332 = vector.broadcast %shift_left3A_331 : i32 to vector<16xi32>
          %shift_left3A_333 = arith.shli %add3A_329, %shift_left3A_332 : vector<16xi32>
          %shift_right_logical3A_334 = arith.constant 19 : i32
          %shift_right_logical3A_335 = vector.broadcast %shift_right_logical3A_334 : i32 to vector<16xi32>
          %shift_right_logical3A_336 = arith.shrui %add3A_329, %shift_right_logical3A_335 : vector<16xi32>
          %or3A_337 = arith.ori %shift_left3A_333, %shift_right_logical3A_336 : vector<16xi32>
          %xor3A_338 = arith.xori %or3A_337, %add3A_330 : vector<16xi32>
          %add3A_339 = arith.addi %add3A_330, %xor3A_338 : vector<16xi32>
          %shift_left3A_340 = arith.constant 15 : i32
          %shift_left3A_341 = vector.broadcast %shift_left3A_340 : i32 to vector<16xi32>
          %shift_left3A_342 = arith.shli %xor3A_338, %shift_left3A_341 : vector<16xi32>
          %shift_right_logical3A_343 = arith.constant 17 : i32
          %shift_right_logical3A_344 = vector.broadcast %shift_right_logical3A_343 : i32 to vector<16xi32>
          %shift_right_logical3A_345 = arith.shrui %xor3A_338, %shift_right_logical3A_344 : vector<16xi32>
          %or3A_346 = arith.ori %shift_left3A_342, %shift_right_logical3A_345 : vector<16xi32>
          %xor3A_347 = arith.xori %or3A_346, %add3A_339 : vector<16xi32>
          %add3A_348 = arith.addi %add3A_339, %xor3A_347 : vector<16xi32>
          %shift_left3A_349 = arith.constant 26 : i32
          %shift_left3A_350 = vector.broadcast %shift_left3A_349 : i32 to vector<16xi32>
          %shift_left3A_351 = arith.shli %xor3A_347, %shift_left3A_350 : vector<16xi32>
          %shift_right_logical3A_352 = arith.constant 6 : i32
          %shift_right_logical3A_353 = vector.broadcast %shift_right_logical3A_352 : i32 to vector<16xi32>
          %shift_right_logical3A_354 = arith.shrui %xor3A_347, %shift_right_logical3A_353 : vector<16xi32>
          %or3A_355 = arith.ori %shift_left3A_351, %shift_right_logical3A_354 : vector<16xi32>
          %xor3A_356 = arith.xori %or3A_355, %add3A_348 : vector<16xi32>
          %add3A_357 = arith.addi %add3A_348, %xor3A_356 : vector<16xi32>
          %shift_left3A_358 = arith.constant 6 : i32
          %shift_left3A_359 = vector.broadcast %shift_left3A_358 : i32 to vector<16xi32>
          %shift_left3A_360 = arith.shli %xor3A_356, %shift_left3A_359 : vector<16xi32>
          %shift_right_logical3A_361 = arith.constant 26 : i32
          %shift_right_logical3A_362 = vector.broadcast %shift_right_logical3A_361 : i32 to vector<16xi32>
          %shift_right_logical3A_363 = arith.shrui %xor3A_356, %shift_right_logical3A_362 : vector<16xi32>
          %or3A_364 = arith.ori %shift_left3A_360, %shift_right_logical3A_363 : vector<16xi32>
          %xor3A_365 = arith.xori %or3A_364, %add3A_357 : vector<16xi32>
          %add3A_366 = arith.constant 3 : i32
          %add3A_367 = vector.broadcast %add3A_366 : i32 to vector<16xi32>
          %add3A_368 = arith.addi %xor3A_365, %add3A_367 : vector<16xi32>
          %add3A_369 = arith.addi %add3A_357, %add3A_368 : vector<16xi32>
          %shift_left3A_370 = arith.constant 17 : i32
          %shift_left3A_371 = vector.broadcast %shift_left3A_370 : i32 to vector<16xi32>
          %shift_left3A_372 = arith.shli %add3A_368, %shift_left3A_371 : vector<16xi32>
          %shift_right_logical3A_373 = arith.constant 15 : i32
          %shift_right_logical3A_374 = vector.broadcast %shift_right_logical3A_373 : i32 to vector<16xi32>
          %shift_right_logical3A_375 = arith.shrui %add3A_368, %shift_right_logical3A_374 : vector<16xi32>
          %or3A_376 = arith.ori %shift_left3A_372, %shift_right_logical3A_375 : vector<16xi32>
          %xor3A_377 = arith.xori %or3A_376, %add3A_369 : vector<16xi32>
          %add3A_378 = arith.addi %add3A_369, %xor3A_377 : vector<16xi32>
          %shift_left3A_379 = arith.constant 29 : i32
          %shift_left3A_380 = vector.broadcast %shift_left3A_379 : i32 to vector<16xi32>
          %shift_left3A_381 = arith.shli %xor3A_377, %shift_left3A_380 : vector<16xi32>
          %shift_right_logical3A_382 = arith.constant 3 : i32
          %shift_right_logical3A_383 = vector.broadcast %shift_right_logical3A_382 : i32 to vector<16xi32>
          %shift_right_logical3A_384 = arith.shrui %xor3A_377, %shift_right_logical3A_383 : vector<16xi32>
          %or3A_385 = arith.ori %shift_left3A_381, %shift_right_logical3A_384 : vector<16xi32>
          %xor3A_386 = arith.xori %or3A_385, %add3A_378 : vector<16xi32>
          %add3A_387 = arith.addi %add3A_378, %xor3A_386 : vector<16xi32>
          %shift_left3A_388 = arith.constant 16 : i32
          %shift_left3A_389 = vector.broadcast %shift_left3A_388 : i32 to vector<16xi32>
          %shift_left3A_390 = arith.shli %xor3A_386, %shift_left3A_389 : vector<16xi32>
          %shift_right_logical3A_391 = arith.constant 16 : i32
          %shift_right_logical3A_392 = vector.broadcast %shift_right_logical3A_391 : i32 to vector<16xi32>
          %shift_right_logical3A_393 = arith.shrui %xor3A_386, %shift_right_logical3A_392 : vector<16xi32>
          %or3A_394 = arith.ori %shift_left3A_390, %shift_right_logical3A_393 : vector<16xi32>
          %xor3A_395 = arith.xori %or3A_394, %add3A_387 : vector<16xi32>
          %add3A_396 = arith.addi %add3A_387, %xor3A_395 : vector<16xi32>
          %shift_left3A_397 = arith.constant 24 : i32
          %shift_left3A_398 = vector.broadcast %shift_left3A_397 : i32 to vector<16xi32>
          %shift_left3A_399 = arith.shli %xor3A_395, %shift_left3A_398 : vector<16xi32>
          %shift_right_logical3A_400 = arith.constant 8 : i32
          %shift_right_logical3A_401 = vector.broadcast %shift_right_logical3A_400 : i32 to vector<16xi32>
          %shift_right_logical3A_402 = arith.shrui %xor3A_395, %shift_right_logical3A_401 : vector<16xi32>
          %or3A_403 = arith.ori %shift_left3A_399, %shift_right_logical3A_402 : vector<16xi32>
          %xor3A_404 = arith.xori %or3A_403, %add3A_396 : vector<16xi32>
          %add3A_405 = arith.constant 466688990 : i32
          %add3A_406 = vector.broadcast %add3A_405 : i32 to vector<16xi32>
          %add3A_407 = arith.addi %xor3A_404, %add3A_406 : vector<16xi32>
          %add3A_408 = arith.addi %add3A_396, %add3A_407 : vector<16xi32>
          %shift_left3A_409 = arith.constant 13 : i32
          %shift_left3A_410 = vector.broadcast %shift_left3A_409 : i32 to vector<16xi32>
          %shift_left3A_411 = arith.shli %add3A_407, %shift_left3A_410 : vector<16xi32>
          %shift_right_logical3A_412 = arith.constant 19 : i32
          %shift_right_logical3A_413 = vector.broadcast %shift_right_logical3A_412 : i32 to vector<16xi32>
          %shift_right_logical3A_414 = arith.shrui %add3A_407, %shift_right_logical3A_413 : vector<16xi32>
          %or3A_415 = arith.ori %shift_left3A_411, %shift_right_logical3A_414 : vector<16xi32>
          %xor3A_416 = arith.xori %or3A_415, %add3A_408 : vector<16xi32>
          %add3A_417 = arith.addi %add3A_408, %xor3A_416 : vector<16xi32>
          %shift_left3A_418 = arith.constant 15 : i32
          %shift_left3A_419 = vector.broadcast %shift_left3A_418 : i32 to vector<16xi32>
          %shift_left3A_420 = arith.shli %xor3A_416, %shift_left3A_419 : vector<16xi32>
          %shift_right_logical3A_421 = arith.constant 17 : i32
          %shift_right_logical3A_422 = vector.broadcast %shift_right_logical3A_421 : i32 to vector<16xi32>
          %shift_right_logical3A_423 = arith.shrui %xor3A_416, %shift_right_logical3A_422 : vector<16xi32>
          %or3A_424 = arith.ori %shift_left3A_420, %shift_right_logical3A_423 : vector<16xi32>
          %xor3A_425 = arith.xori %or3A_424, %add3A_417 : vector<16xi32>
          %add3A_426 = arith.addi %add3A_417, %xor3A_425 : vector<16xi32>
          %shift_left3A_427 = arith.constant 26 : i32
          %shift_left3A_428 = vector.broadcast %shift_left3A_427 : i32 to vector<16xi32>
          %shift_left3A_429 = arith.shli %xor3A_425, %shift_left3A_428 : vector<16xi32>
          %shift_right_logical3A_430 = arith.constant 6 : i32
          %shift_right_logical3A_431 = vector.broadcast %shift_right_logical3A_430 : i32 to vector<16xi32>
          %shift_right_logical3A_432 = arith.shrui %xor3A_425, %shift_right_logical3A_431 : vector<16xi32>
          %or3A_433 = arith.ori %shift_left3A_429, %shift_right_logical3A_432 : vector<16xi32>
          %xor3A_434 = arith.xori %or3A_433, %add3A_426 : vector<16xi32>
          %add3A_435 = arith.addi %add3A_426, %xor3A_434 : vector<16xi32>
          %shift_left3A_436 = arith.constant 6 : i32
          %shift_left3A_437 = vector.broadcast %shift_left3A_436 : i32 to vector<16xi32>
          %shift_left3A_438 = arith.shli %xor3A_434, %shift_left3A_437 : vector<16xi32>
          %shift_right_logical3A_439 = arith.constant 26 : i32
          %shift_right_logical3A_440 = vector.broadcast %shift_right_logical3A_439 : i32 to vector<16xi32>
          %shift_right_logical3A_441 = arith.shrui %xor3A_434, %shift_right_logical3A_440 : vector<16xi32>
          %or3A_442 = arith.ori %shift_left3A_438, %shift_right_logical3A_441 : vector<16xi32>
          %xor3A_443 = arith.xori %or3A_442, %add3A_435 : vector<16xi32>
          %add3A_444 = arith.constant 466688986 : i32
          %add3A_445 = vector.broadcast %add3A_444 : i32 to vector<16xi32>
          %add3A_446 = arith.addi %add3A_435, %add3A_445 : vector<16xi32>
          %add3A_447 = arith.constant 5 : i32
          %add3A_448 = vector.broadcast %add3A_447 : i32 to vector<16xi32>
          %add3A_449 = arith.addi %xor3A_443, %add3A_448 : vector<16xi32>
          %xor3A_450 = arith.xori %add3A_446, %add3A_449 : vector<16xi32>
          %swap3A_451 = arith.index_cast %add3A_246 : i32 to index
          %swap3A_452 = tpu.vector_load %arg3[%swap3A_451] {strides = array<i32>} : memref<16384xi32, #tpu.memory_space<vmem>>, vector<16xi32>,
          %swap3A_453 = vector.shape_cast %swap3A_452 : vector<16xi32> to vector<16xi32>
          %swap3A_454 = vector.shape_cast %xor3A_450 : vector<16xi32> to vector<16xi32>
          tpu.vector_store %arg3[%swap3A_451], %swap3A_454 {strides = array<i32>} : memref<16384xi32, #tpu.memory_space<vmem>>, vector<16xi32>,
          %add3A_455 = arith.constant 32 : i32
          %add3A_456 = arith.addi %mul3A_39, %add3A_455 : i32
          %add3A_457 = arith.addi %add3A_25, %add3A_456 : i32
          %add3A_458 = vector.broadcast %add3A_457 : i32 to vector<16xi32>
          %add3A_459 = arith.addi %iota3A, %add3A_458 : vector<16xi32>
          %shift_left3A_460 = arith.constant 13 : i32
          %shift_left3A_461 = vector.broadcast %shift_left3A_460 : i32 to vector<16xi32>
          %shift_left3A_462 = arith.shli %add3A_459, %shift_left3A_461 : vector<16xi32>
          %shift_right_logical3A_463 = arith.constant 19 : i32
          %shift_right_logical3A_464 = vector.broadcast %shift_right_logical3A_463 : i32 to vector<16xi32>
          %shift_right_logical3A_465 = arith.shrui %add3A_459, %shift_right_logical3A_464 : vector<16xi32>
          %or3A_466 = arith.ori %shift_left3A_462, %shift_right_logical3A_465 : vector<16xi32>
          %xor3A_467 = arith.xori %or3A_466, %add3A_459 : vector<16xi32>
          %add3A_468 = arith.addi %add3A_459, %xor3A_467 : vector<16xi32>
          %shift_left3A_469 = arith.constant 15 : i32
          %shift_left3A_470 = vector.broadcast %shift_left3A_469 : i32 to vector<16xi32>
          %shift_left3A_471 = arith.shli %xor3A_467, %shift_left3A_470 : vector<16xi32>
          %shift_right_logical3A_472 = arith.constant 17 : i32
          %shift_right_logical3A_473 = vector.broadcast %shift_right_logical3A_472 : i32 to vector<16xi32>
          %shift_right_logical3A_474 = arith.shrui %xor3A_467, %shift_right_logical3A_473 : vector<16xi32>
          %or3A_475 = arith.ori %shift_left3A_471, %shift_right_logical3A_474 : vector<16xi32>
          %xor3A_476 = arith.xori %or3A_475, %add3A_468 : vector<16xi32>
          %add3A_477 = arith.addi %add3A_468, %xor3A_476 : vector<16xi32>
          %shift_left3A_478 = arith.constant 26 : i32
          %shift_left3A_479 = vector.broadcast %shift_left3A_478 : i32 to vector<16xi32>
          %shift_left3A_480 = arith.shli %xor3A_476, %shift_left3A_479 : vector<16xi32>
          %shift_right_logical3A_481 = arith.constant 6 : i32
          %shift_right_logical3A_482 = vector.broadcast %shift_right_logical3A_481 : i32 to vector<16xi32>
          %shift_right_logical3A_483 = arith.shrui %xor3A_476, %shift_right_logical3A_482 : vector<16xi32>
          %or3A_484 = arith.ori %shift_left3A_480, %shift_right_logical3A_483 : vector<16xi32>
          %xor3A_485 = arith.xori %or3A_484, %add3A_477 : vector<16xi32>
          %add3A_486 = arith.addi %add3A_477, %xor3A_485 : vector<16xi32>
          %shift_left3A_487 = arith.constant 6 : i32
          %shift_left3A_488 = vector.broadcast %shift_left3A_487 : i32 to vector<16xi32>
          %shift_left3A_489 = arith.shli %xor3A_485, %shift_left3A_488 : vector<16xi32>
          %shift_right_logical3A_490 = arith.constant 26 : i32
          %shift_right_logical3A_491 = vector.broadcast %shift_right_logical3A_490 : i32 to vector<16xi32>
          %shift_right_logical3A_492 = arith.shrui %xor3A_485, %shift_right_logical3A_491 : vector<16xi32>
          %or3A_493 = arith.ori %shift_left3A_489, %shift_right_logical3A_492 : vector<16xi32>
          %xor3A_494 = arith.xori %or3A_493, %add3A_486 : vector<16xi32>
          %add3A_495 = arith.constant 466688987 : i32
          %add3A_496 = vector.broadcast %add3A_495 : i32 to vector<16xi32>
          %add3A_497 = arith.addi %xor3A_494, %add3A_496 : vector<16xi32>
          %add3A_498 = arith.addi %add3A_486, %add3A_497 : vector<16xi32>
          %shift_left3A_499 = arith.constant 17 : i32
          %shift_left3A_500 = vector.broadcast %shift_left3A_499 : i32 to vector<16xi32>
          %shift_left3A_501 = arith.shli %add3A_497, %shift_left3A_500 : vector<16xi32>
          %shift_right_logical3A_502 = arith.constant 15 : i32
          %shift_right_logical3A_503 = vector.broadcast %shift_right_logical3A_502 : i32 to vector<16xi32>
          %shift_right_logical3A_504 = arith.shrui %add3A_497, %shift_right_logical3A_503 : vector<16xi32>
          %or3A_505 = arith.ori %shift_left3A_501, %shift_right_logical3A_504 : vector<16xi32>
          %xor3A_506 = arith.xori %or3A_505, %add3A_498 : vector<16xi32>
          %add3A_507 = arith.addi %add3A_498, %xor3A_506 : vector<16xi32>
          %shift_left3A_508 = arith.constant 29 : i32
          %shift_left3A_509 = vector.broadcast %shift_left3A_508 : i32 to vector<16xi32>
          %shift_left3A_510 = arith.shli %xor3A_506, %shift_left3A_509 : vector<16xi32>
          %shift_right_logical3A_511 = arith.constant 3 : i32
          %shift_right_logical3A_512 = vector.broadcast %shift_right_logical3A_511 : i32 to vector<16xi32>
          %shift_right_logical3A_513 = arith.shrui %xor3A_506, %shift_right_logical3A_512 : vector<16xi32>
          %or3A_514 = arith.ori %shift_left3A_510, %shift_right_logical3A_513 : vector<16xi32>
          %xor3A_515 = arith.xori %or3A_514, %add3A_507 : vector<16xi32>
          %add3A_516 = arith.addi %add3A_507, %xor3A_515 : vector<16xi32>
          %shift_left3A_517 = arith.constant 16 : i32
          %shift_left3A_518 = vector.broadcast %shift_left3A_517 : i32 to vector<16xi32>
          %shift_left3A_519 = arith.shli %xor3A_515, %shift_left3A_518 : vector<16xi32>
          %shift_right_logical3A_520 = arith.constant 16 : i32
          %shift_right_logical3A_521 = vector.broadcast %shift_right_logical3A_520 : i32 to vector<16xi32>
          %shift_right_logical3A_522 = arith.shrui %xor3A_515, %shift_right_logical3A_521 : vector<16xi32>
          %or3A_523 = arith.ori %shift_left3A_519, %shift_right_logical3A_522 : vector<16xi32>
          %xor3A_524 = arith.xori %or3A_523, %add3A_516 : vector<16xi32>
          %add3A_525 = arith.addi %add3A_516, %xor3A_524 : vector<16xi32>
          %shift_left3A_526 = arith.constant 24 : i32
          %shift_left3A_527 = vector.broadcast %shift_left3A_526 : i32 to vector<16xi32>
          %shift_left3A_528 = arith.shli %xor3A_524, %shift_left3A_527 : vector<16xi32>
          %shift_right_logical3A_529 = arith.constant 8 : i32
          %shift_right_logical3A_530 = vector.broadcast %shift_right_logical3A_529 : i32 to vector<16xi32>
          %shift_right_logical3A_531 = arith.shrui %xor3A_524, %shift_right_logical3A_530 : vector<16xi32>
          %or3A_532 = arith.ori %shift_left3A_528, %shift_right_logical3A_531 : vector<16xi32>
          %xor3A_533 = arith.xori %or3A_532, %add3A_525 : vector<16xi32>
          %add3A_534 = arith.constant 466688986 : i32
          %add3A_535 = vector.broadcast %add3A_534 : i32 to vector<16xi32>
          %add3A_536 = arith.addi %add3A_525, %add3A_535 : vector<16xi32>
          %add3A_537 = arith.constant 2 : i32
          %add3A_538 = vector.broadcast %add3A_537 : i32 to vector<16xi32>
          %add3A_539 = arith.addi %xor3A_533, %add3A_538 : vector<16xi32>
          %add3A_540 = arith.addi %add3A_536, %add3A_539 : vector<16xi32>
          %shift_left3A_541 = arith.constant 13 : i32
          %shift_left3A_542 = vector.broadcast %shift_left3A_541 : i32 to vector<16xi32>
          %shift_left3A_543 = arith.shli %add3A_539, %shift_left3A_542 : vector<16xi32>
          %shift_right_logical3A_544 = arith.constant 19 : i32
          %shift_right_logical3A_545 = vector.broadcast %shift_right_logical3A_544 : i32 to vector<16xi32>
          %shift_right_logical3A_546 = arith.shrui %add3A_539, %shift_right_logical3A_545 : vector<16xi32>
          %or3A_547 = arith.ori %shift_left3A_543, %shift_right_logical3A_546 : vector<16xi32>
          %xor3A_548 = arith.xori %or3A_547, %add3A_540 : vector<16xi32>
          %add3A_549 = arith.addi %add3A_540, %xor3A_548 : vector<16xi32>
          %shift_left3A_550 = arith.constant 15 : i32
          %shift_left3A_551 = vector.broadcast %shift_left3A_550 : i32 to vector<16xi32>
          %shift_left3A_552 = arith.shli %xor3A_548, %shift_left3A_551 : vector<16xi32>
          %shift_right_logical3A_553 = arith.constant 17 : i32
          %shift_right_logical3A_554 = vector.broadcast %shift_right_logical3A_553 : i32 to vector<16xi32>
          %shift_right_logical3A_555 = arith.shrui %xor3A_548, %shift_right_logical3A_554 : vector<16xi32>
          %or3A_556 = arith.ori %shift_left3A_552, %shift_right_logical3A_555 : vector<16xi32>
          %xor3A_557 = arith.xori %or3A_556, %add3A_549 : vector<16xi32>
          %add3A_558 = arith.addi %add3A_549, %xor3A_557 : vector<16xi32>
          %shift_left3A_559 = arith.constant 26 : i32
          %shift_left3A_560 = vector.broadcast %shift_left3A_559 : i32 to vector<16xi32>
          %shift_left3A_561 = arith.shli %xor3A_557, %shift_left3A_560 : vector<16xi32>
          %shift_right_logical3A_562 = arith.constant 6 : i32
          %shift_right_logical3A_563 = vector.broadcast %shift_right_logical3A_562 : i32 to vector<16xi32>
          %shift_right_logical3A_564 = arith.shrui %xor3A_557, %shift_right_logical3A_563 : vector<16xi32>
          %or3A_565 = arith.ori %shift_left3A_561, %shift_right_logical3A_564 : vector<16xi32>
          %xor3A_566 = arith.xori %or3A_565, %add3A_558 : vector<16xi32>
          %add3A_567 = arith.addi %add3A_558, %xor3A_566 : vector<16xi32>
          %shift_left3A_568 = arith.constant 6 : i32
          %shift_left3A_569 = vector.broadcast %shift_left3A_568 : i32 to vector<16xi32>
          %shift_left3A_570 = arith.shli %xor3A_566, %shift_left3A_569 : vector<16xi32>
          %shift_right_logical3A_571 = arith.constant 26 : i32
          %shift_right_logical3A_572 = vector.broadcast %shift_right_logical3A_571 : i32 to vector<16xi32>
          %shift_right_logical3A_573 = arith.shrui %xor3A_566, %shift_right_logical3A_572 : vector<16xi32>
          %or3A_574 = arith.ori %shift_left3A_570, %shift_right_logical3A_573 : vector<16xi32>
          %xor3A_575 = arith.xori %or3A_574, %add3A_567 : vector<16xi32>
          %add3A_576 = arith.constant 3 : i32
          %add3A_577 = vector.broadcast %add3A_576 : i32 to vector<16xi32>
          %add3A_578 = arith.addi %xor3A_575, %add3A_577 : vector<16xi32>
          %add3A_579 = arith.addi %add3A_567, %add3A_578 : vector<16xi32>
          %shift_left3A_580 = arith.constant 17 : i32
          %shift_left3A_581 = vector.broadcast %shift_left3A_580 : i32 to vector<16xi32>
          %shift_left3A_582 = arith.shli %add3A_578, %shift_left3A_581 : vector<16xi32>
          %shift_right_logical3A_583 = arith.constant 15 : i32
          %shift_right_logical3A_584 = vector.broadcast %shift_right_logical3A_583 : i32 to vector<16xi32>
          %shift_right_logical3A_585 = arith.shrui %add3A_578, %shift_right_logical3A_584 : vector<16xi32>
          %or3A_586 = arith.ori %shift_left3A_582, %shift_right_logical3A_585 : vector<16xi32>
          %xor3A_587 = arith.xori %or3A_586, %add3A_579 : vector<16xi32>
          %add3A_588 = arith.addi %add3A_579, %xor3A_587 : vector<16xi32>
          %shift_left3A_589 = arith.constant 29 : i32
          %shift_left3A_590 = vector.broadcast %shift_left3A_589 : i32 to vector<16xi32>
          %shift_left3A_591 = arith.shli %xor3A_587, %shift_left3A_590 : vector<16xi32>
          %shift_right_logical3A_592 = arith.constant 3 : i32
          %shift_right_logical3A_593 = vector.broadcast %shift_right_logical3A_592 : i32 to vector<16xi32>
          %shift_right_logical3A_594 = arith.shrui %xor3A_587, %shift_right_logical3A_593 : vector<16xi32>
          %or3A_595 = arith.ori %shift_left3A_591, %shift_right_logical3A_594 : vector<16xi32>
          %xor3A_596 = arith.xori %or3A_595, %add3A_588 : vector<16xi32>
          %add3A_597 = arith.addi %add3A_588, %xor3A_596 : vector<16xi32>
          %shift_left3A_598 = arith.constant 16 : i32
          %shift_left3A_599 = vector.broadcast %shift_left3A_598 : i32 to vector<16xi32>
          %shift_left3A_600 = arith.shli %xor3A_596, %shift_left3A_599 : vector<16xi32>
          %shift_right_logical3A_601 = arith.constant 16 : i32
          %shift_right_logical3A_602 = vector.broadcast %shift_right_logical3A_601 : i32 to vector<16xi32>
          %shift_right_logical3A_603 = arith.shrui %xor3A_596, %shift_right_logical3A_602 : vector<16xi32>
          %or3A_604 = arith.ori %shift_left3A_600, %shift_right_logical3A_603 : vector<16xi32>
          %xor3A_605 = arith.xori %or3A_604, %add3A_597 : vector<16xi32>
          %add3A_606 = arith.addi %add3A_597, %xor3A_605 : vector<16xi32>
          %shift_left3A_607 = arith.constant 24 : i32
          %shift_left3A_608 = vector.broadcast %shift_left3A_607 : i32 to vector<16xi32>
          %shift_left3A_609 = arith.shli %xor3A_605, %shift_left3A_608 : vector<16xi32>
          %shift_right_logical3A_610 = arith.constant 8 : i32
          %shift_right_logical3A_611 = vector.broadcast %shift_right_logical3A_610 : i32 to vector<16xi32>
          %shift_right_logical3A_612 = arith.shrui %xor3A_605, %shift_right_logical3A_611 : vector<16xi32>
          %or3A_613 = arith.ori %shift_left3A_609, %shift_right_logical3A_612 : vector<16xi32>
          %xor3A_614 = arith.xori %or3A_613, %add3A_606 : vector<16xi32>
          %add3A_615 = arith.constant 466688990 : i32
          %add3A_616 = vector.broadcast %add3A_615 : i32 to vector<16xi32>
          %add3A_617 = arith.addi %xor3A_614, %add3A_616 : vector<16xi32>
          %add3A_618 = arith.addi %add3A_606, %add3A_617 : vector<16xi32>
          %shift_left3A_619 = arith.constant 13 : i32
          %shift_left3A_620 = vector.broadcast %shift_left3A_619 : i32 to vector<16xi32>
          %shift_left3A_621 = arith.shli %add3A_617, %shift_left3A_620 : vector<16xi32>
          %shift_right_logical3A_622 = arith.constant 19 : i32
          %shift_right_logical3A_623 = vector.broadcast %shift_right_logical3A_622 : i32 to vector<16xi32>
          %shift_right_logical3A_624 = arith.shrui %add3A_617, %shift_right_logical3A_623 : vector<16xi32>
          %or3A_625 = arith.ori %shift_left3A_621, %shift_right_logical3A_624 : vector<16xi32>
          %xor3A_626 = arith.xori %or3A_625, %add3A_618 : vector<16xi32>
          %add3A_627 = arith.addi %add3A_618, %xor3A_626 : vector<16xi32>
          %shift_left3A_628 = arith.constant 15 : i32
          %shift_left3A_629 = vector.broadcast %shift_left3A_628 : i32 to vector<16xi32>
          %shift_left3A_630 = arith.shli %xor3A_626, %shift_left3A_629 : vector<16xi32>
          %shift_right_logical3A_631 = arith.constant 17 : i32
          %shift_right_logical3A_632 = vector.broadcast %shift_right_logical3A_631 : i32 to vector<16xi32>
          %shift_right_logical3A_633 = arith.shrui %xor3A_626, %shift_right_logical3A_632 : vector<16xi32>
          %or3A_634 = arith.ori %shift_left3A_630, %shift_right_logical3A_633 : vector<16xi32>
          %xor3A_635 = arith.xori %or3A_634, %add3A_627 : vector<16xi32>
          %add3A_636 = arith.addi %add3A_627, %xor3A_635 : vector<16xi32>
          %shift_left3A_637 = arith.constant 26 : i32
          %shift_left3A_638 = vector.broadcast %shift_left3A_637 : i32 to vector<16xi32>
          %shift_left3A_639 = arith.shli %xor3A_635, %shift_left3A_638 : vector<16xi32>
          %shift_right_logical3A_640 = arith.constant 6 : i32
          %shift_right_logical3A_641 = vector.broadcast %shift_right_logical3A_640 : i32 to vector<16xi32>
          %shift_right_logical3A_642 = arith.shrui %xor3A_635, %shift_right_logical3A_641 : vector<16xi32>
          %or3A_643 = arith.ori %shift_left3A_639, %shift_right_logical3A_642 : vector<16xi32>
          %xor3A_644 = arith.xori %or3A_643, %add3A_636 : vector<16xi32>
          %add3A_645 = arith.addi %add3A_636, %xor3A_644 : vector<16xi32>
          %shift_left3A_646 = arith.constant 6 : i32
          %shift_left3A_647 = vector.broadcast %shift_left3A_646 : i32 to vector<16xi32>
          %shift_left3A_648 = arith.shli %xor3A_644, %shift_left3A_647 : vector<16xi32>
          %shift_right_logical3A_649 = arith.constant 26 : i32
          %shift_right_logical3A_650 = vector.broadcast %shift_right_logical3A_649 : i32 to vector<16xi32>
          %shift_right_logical3A_651 = arith.shrui %xor3A_644, %shift_right_logical3A_650 : vector<16xi32>
          %or3A_652 = arith.ori %shift_left3A_648, %shift_right_logical3A_651 : vector<16xi32>
          %xor3A_653 = arith.xori %or3A_652, %add3A_645 : vector<16xi32>
          %add3A_654 = arith.constant 466688986 : i32
          %add3A_655 = vector.broadcast %add3A_654 : i32 to vector<16xi32>
          %add3A_656 = arith.addi %add3A_645, %add3A_655 : vector<16xi32>
          %add3A_657 = arith.constant 5 : i32
          %add3A_658 = vector.broadcast %add3A_657 : i32 to vector<16xi32>
          %add3A_659 = arith.addi %xor3A_653, %add3A_658 : vector<16xi32>
          %xor3A_660 = arith.xori %add3A_656, %add3A_659 : vector<16xi32>
          %swap3A_661 = arith.index_cast %add3A_456 : i32 to index
          %swap3A_662 = tpu.vector_load %arg3[%swap3A_661] {strides = array<i32>} : memref<16384xi32, #tpu.memory_space<vmem>>, vector<16xi32>,
          %swap3A_663 = vector.shape_cast %swap3A_662 : vector<16xi32> to vector<16xi32>
          %swap3A_664 = vector.shape_cast %xor3A_660 : vector<16xi32> to vector<16xi32>
          tpu.vector_store %arg3[%swap3A_661], %swap3A_664 {strides = array<i32>} : memref<16384xi32, #tpu.memory_space<vmem>>, vector<16xi32>,
          %add3A_665 = arith.constant 48 : i32
          %add3A_666 = arith.addi %mul3A_39, %add3A_665 : i32
          %add3A_667 = arith.addi %add3A_25, %add3A_666 : i32
          %add3A_668 = vector.broadcast %add3A_667 : i32 to vector<16xi32>
          %add3A_669 = arith.addi %iota3A, %add3A_668 : vector<16xi32>
          %shift_left3A_670 = arith.constant 13 : i32
          %shift_left3A_671 = vector.broadcast %shift_left3A_670 : i32 to vector<16xi32>
          %shift_left3A_672 = arith.shli %add3A_669, %shift_left3A_671 : vector<16xi32>
          %shift_right_logical3A_673 = arith.constant 19 : i32
          %shift_right_logical3A_674 = vector.broadcast %shift_right_logical3A_673 : i32 to vector<16xi32>
          %shift_right_logical3A_675 = arith.shrui %add3A_669, %shift_right_logical3A_674 : vector<16xi32>
          %or3A_676 = arith.ori %shift_left3A_672, %shift_right_logical3A_675 : vector<16xi32>
          %xor3A_677 = arith.xori %or3A_676, %add3A_669 : vector<16xi32>
          %add3A_678 = arith.addi %add3A_669, %xor3A_677 : vector<16xi32>
          %shift_left3A_679 = arith.constant 15 : i32
          %shift_left3A_680 = vector.broadcast %shift_left3A_679 : i32 to vector<16xi32>
          %shift_left3A_681 = arith.shli %xor3A_677, %shift_left3A_680 : vector<16xi32>
          %shift_right_logical3A_682 = arith.constant 17 : i32
          %shift_right_logical3A_683 = vector.broadcast %shift_right_logical3A_682 : i32 to vector<16xi32>
          %shift_right_logical3A_684 = arith.shrui %xor3A_677, %shift_right_logical3A_683 : vector<16xi32>
          %or3A_685 = arith.ori %shift_left3A_681, %shift_right_logical3A_684 : vector<16xi32>
          %xor3A_686 = arith.xori %or3A_685, %add3A_678 : vector<16xi32>
          %add3A_687 = arith.addi %add3A_678, %xor3A_686 : vector<16xi32>
          %shift_left3A_688 = arith.constant 26 : i32
          %shift_left3A_689 = vector.broadcast %shift_left3A_688 : i32 to vector<16xi32>
          %shift_left3A_690 = arith.shli %xor3A_686, %shift_left3A_689 : vector<16xi32>
          %shift_right_logical3A_691 = arith.constant 6 : i32
          %shift_right_logical3A_692 = vector.broadcast %shift_right_logical3A_691 : i32 to vector<16xi32>
          %shift_right_logical3A_693 = arith.shrui %xor3A_686, %shift_right_logical3A_692 : vector<16xi32>
          %or3A_694 = arith.ori %shift_left3A_690, %shift_right_logical3A_693 : vector<16xi32>
          %xor3A_695 = arith.xori %or3A_694, %add3A_687 : vector<16xi32>
          %add3A_696 = arith.addi %add3A_687, %xor3A_695 : vector<16xi32>
          %shift_left3A_697 = arith.constant 6 : i32
          %shift_left3A_698 = vector.broadcast %shift_left3A_697 : i32 to vector<16xi32>
          %shift_left3A_699 = arith.shli %xor3A_695, %shift_left3A_698 : vector<16xi32>
          %shift_right_logical3A_700 = arith.constant 26 : i32
          %shift_right_logical3A_701 = vector.broadcast %shift_right_logical3A_700 : i32 to vector<16xi32>
          %shift_right_logical3A_702 = arith.shrui %xor3A_695, %shift_right_logical3A_701 : vector<16xi32>
          %or3A_703 = arith.ori %shift_left3A_699, %shift_right_logical3A_702 : vector<16xi32>
          %xor3A_704 = arith.xori %or3A_703, %add3A_696 : vector<16xi32>
          %add3A_705 = arith.constant 466688987 : i32
          %add3A_706 = vector.broadcast %add3A_705 : i32 to vector<16xi32>
          %add3A_707 = arith.addi %xor3A_704, %add3A_706 : vector<16xi32>
          %add3A_708 = arith.addi %add3A_696, %add3A_707 : vector<16xi32>
          %shift_left3A_709 = arith.constant 17 : i32
          %shift_left3A_710 = vector.broadcast %shift_left3A_709 : i32 to vector<16xi32>
          %shift_left3A_711 = arith.shli %add3A_707, %shift_left3A_710 : vector<16xi32>
          %shift_right_logical3A_712 = arith.constant 15 : i32
          %shift_right_logical3A_713 = vector.broadcast %shift_right_logical3A_712 : i32 to vector<16xi32>
          %shift_right_logical3A_714 = arith.shrui %add3A_707, %shift_right_logical3A_713 : vector<16xi32>
          %or3A_715 = arith.ori %shift_left3A_711, %shift_right_logical3A_714 : vector<16xi32>
          %xor3A_716 = arith.xori %or3A_715, %add3A_708 : vector<16xi32>
          %add3A_717 = arith.addi %add3A_708, %xor3A_716 : vector<16xi32>
          %shift_left3A_718 = arith.constant 29 : i32
          %shift_left3A_719 = vector.broadcast %shift_left3A_718 : i32 to vector<16xi32>
          %shift_left3A_720 = arith.shli %xor3A_716, %shift_left3A_719 : vector<16xi32>
          %shift_right_logical3A_721 = arith.constant 3 : i32
          %shift_right_logical3A_722 = vector.broadcast %shift_right_logical3A_721 : i32 to vector<16xi32>
          %shift_right_logical3A_723 = arith.shrui %xor3A_716, %shift_right_logical3A_722 : vector<16xi32>
          %or3A_724 = arith.ori %shift_left3A_720, %shift_right_logical3A_723 : vector<16xi32>
          %xor3A_725 = arith.xori %or3A_724, %add3A_717 : vector<16xi32>
          %add3A_726 = arith.addi %add3A_717, %xor3A_725 : vector<16xi32>
          %shift_left3A_727 = arith.constant 16 : i32
          %shift_left3A_728 = vector.broadcast %shift_left3A_727 : i32 to vector<16xi32>
          %shift_left3A_729 = arith.shli %xor3A_725, %shift_left3A_728 : vector<16xi32>
          %shift_right_logical3A_730 = arith.constant 16 : i32
          %shift_right_logical3A_731 = vector.broadcast %shift_right_logical3A_730 : i32 to vector<16xi32>
          %shift_right_logical3A_732 = arith.shrui %xor3A_725, %shift_right_logical3A_731 : vector<16xi32>
          %or3A_733 = arith.ori %shift_left3A_729, %shift_right_logical3A_732 : vector<16xi32>
          %xor3A_734 = arith.xori %or3A_733, %add3A_726 : vector<16xi32>
          %add3A_735 = arith.addi %add3A_726, %xor3A_734 : vector<16xi32>
          %shift_left3A_736 = arith.constant 24 : i32
          %shift_left3A_737 = vector.broadcast %shift_left3A_736 : i32 to vector<16xi32>
          %shift_left3A_738 = arith.shli %xor3A_734, %shift_left3A_737 : vector<16xi32>
          %shift_right_logical3A_739 = arith.constant 8 : i32
          %shift_right_logical3A_740 = vector.broadcast %shift_right_logical3A_739 : i32 to vector<16xi32>
          %shift_right_logical3A_741 = arith.shrui %xor3A_734, %shift_right_logical3A_740 : vector<16xi32>
          %or3A_742 = arith.ori %shift_left3A_738, %shift_right_logical3A_741 : vector<16xi32>
          %xor3A_743 = arith.xori %or3A_742, %add3A_735 : vector<16xi32>
          %add3A_744 = arith.constant 466688986 : i32
          %add3A_745 = vector.broadcast %add3A_744 : i32 to vector<16xi32>
          %add3A_746 = arith.addi %add3A_735, %add3A_745 : vector<16xi32>
          %add3A_747 = arith.constant 2 : i32
          %add3A_748 = vector.broadcast %add3A_747 : i32 to vector<16xi32>
          %add3A_749 = arith.addi %xor3A_743, %add3A_748 : vector<16xi32>
          %add3A_750 = arith.addi %add3A_746, %add3A_749 : vector<16xi32>
          %shift_left3A_751 = arith.constant 13 : i32
          %shift_left3A_752 = vector.broadcast %shift_left3A_751 : i32 to vector<16xi32>
          %shift_left3A_753 = arith.shli %add3A_749, %shift_left3A_752 : vector<16xi32>
          %shift_right_logical3A_754 = arith.constant 19 : i32
          %shift_right_logical3A_755 = vector.broadcast %shift_right_logical3A_754 : i32 to vector<16xi32>
          %shift_right_logical3A_756 = arith.shrui %add3A_749, %shift_right_logical3A_755 : vector<16xi32>
          %or3A_757 = arith.ori %shift_left3A_753, %shift_right_logical3A_756 : vector<16xi32>
          %xor3A_758 = arith.xori %or3A_757, %add3A_750 : vector<16xi32>
          %add3A_759 = arith.addi %add3A_750, %xor3A_758 : vector<16xi32>
          %shift_left3A_760 = arith.constant 15 : i32
          %shift_left3A_761 = vector.broadcast %shift_left3A_760 : i32 to vector<16xi32>
          %shift_left3A_762 = arith.shli %xor3A_758, %shift_left3A_761 : vector<16xi32>
          %shift_right_logical3A_763 = arith.constant 17 : i32
          %shift_right_logical3A_764 = vector.broadcast %shift_right_logical3A_763 : i32 to vector<16xi32>
          %shift_right_logical3A_765 = arith.shrui %xor3A_758, %shift_right_logical3A_764 : vector<16xi32>
          %or3A_766 = arith.ori %shift_left3A_762, %shift_right_logical3A_765 : vector<16xi32>
          %xor3A_767 = arith.xori %or3A_766, %add3A_759 : vector<16xi32>
          %add3A_768 = arith.addi %add3A_759, %xor3A_767 : vector<16xi32>
          %shift_left3A_769 = arith.constant 26 : i32
          %shift_left3A_770 = vector.broadcast %shift_left3A_769 : i32 to vector<16xi32>
          %shift_left3A_771 = arith.shli %xor3A_767, %shift_left3A_770 : vector<16xi32>
          %shift_right_logical3A_772 = arith.constant 6 : i32
          %shift_right_logical3A_773 = vector.broadcast %shift_right_logical3A_772 : i32 to vector<16xi32>
          %shift_right_logical3A_774 = arith.shrui %xor3A_767, %shift_right_logical3A_773 : vector<16xi32>
          %or3A_775 = arith.ori %shift_left3A_771, %shift_right_logical3A_774 : vector<16xi32>
          %xor3A_776 = arith.xori %or3A_775, %add3A_768 : vector<16xi32>
          %add3A_777 = arith.addi %add3A_768, %xor3A_776 : vector<16xi32>
          %shift_left3A_778 = arith.constant 6 : i32
          %shift_left3A_779 = vector.broadcast %shift_left3A_778 : i32 to vector<16xi32>
          %shift_left3A_780 = arith.shli %xor3A_776, %shift_left3A_779 : vector<16xi32>
          %shift_right_logical3A_781 = arith.constant 26 : i32
          %shift_right_logical3A_782 = vector.broadcast %shift_right_logical3A_781 : i32 to vector<16xi32>
          %shift_right_logical3A_783 = arith.shrui %xor3A_776, %shift_right_logical3A_782 : vector<16xi32>
          %or3A_784 = arith.ori %shift_left3A_780, %shift_right_logical3A_783 : vector<16xi32>
          %xor3A_785 = arith.xori %or3A_784, %add3A_777 : vector<16xi32>
          %add3A_786 = arith.constant 3 : i32
          %add3A_787 = vector.broadcast %add3A_786 : i32 to vector<16xi32>
          %add3A_788 = arith.addi %xor3A_785, %add3A_787 : vector<16xi32>
          %add3A_789 = arith.addi %add3A_777, %add3A_788 : vector<16xi32>
          %shift_left3A_790 = arith.constant 17 : i32
          %shift_left3A_791 = vector.broadcast %shift_left3A_790 : i32 to vector<16xi32>
          %shift_left3A_792 = arith.shli %add3A_788, %shift_left3A_791 : vector<16xi32>
          %shift_right_logical3A_793 = arith.constant 15 : i32
          %shift_right_logical3A_794 = vector.broadcast %shift_right_logical3A_793 : i32 to vector<16xi32>
          %shift_right_logical3A_795 = arith.shrui %add3A_788, %shift_right_logical3A_794 : vector<16xi32>
          %or3A_796 = arith.ori %shift_left3A_792, %shift_right_logical3A_795 : vector<16xi32>
          %xor3A_797 = arith.xori %or3A_796, %add3A_789 : vector<16xi32>
          %add3A_798 = arith.addi %add3A_789, %xor3A_797 : vector<16xi32>
          %shift_left3A_799 = arith.constant 29 : i32
          %shift_left3A_800 = vector.broadcast %shift_left3A_799 : i32 to vector<16xi32>
          %shift_left3A_801 = arith.shli %xor3A_797, %shift_left3A_800 : vector<16xi32>
          %shift_right_logical3A_802 = arith.constant 3 : i32
          %shift_right_logical3A_803 = vector.broadcast %shift_right_logical3A_802 : i32 to vector<16xi32>
          %shift_right_logical3A_804 = arith.shrui %xor3A_797, %shift_right_logical3A_803 : vector<16xi32>
          %or3A_805 = arith.ori %shift_left3A_801, %shift_right_logical3A_804 : vector<16xi32>
          %xor3A_806 = arith.xori %or3A_805, %add3A_798 : vector<16xi32>
          %add3A_807 = arith.addi %add3A_798, %xor3A_806 : vector<16xi32>
          %shift_left3A_808 = arith.constant 16 : i32
          %shift_left3A_809 = vector.broadcast %shift_left3A_808 : i32 to vector<16xi32>
          %shift_left3A_810 = arith.shli %xor3A_806, %shift_left3A_809 : vector<16xi32>
          %shift_right_logical3A_811 = arith.constant 16 : i32
          %shift_right_logical3A_812 = vector.broadcast %shift_right_logical3A_811 : i32 to vector<16xi32>
          %shift_right_logical3A_813 = arith.shrui %xor3A_806, %shift_right_logical3A_812 : vector<16xi32>
          %or3A_814 = arith.ori %shift_left3A_810, %shift_right_logical3A_813 : vector<16xi32>
          %xor3A_815 = arith.xori %or3A_814, %add3A_807 : vector<16xi32>
          %add3A_816 = arith.addi %add3A_807, %xor3A_815 : vector<16xi32>
          %shift_left3A_817 = arith.constant 24 : i32
          %shift_left3A_818 = vector.broadcast %shift_left3A_817 : i32 to vector<16xi32>
          %shift_left3A_819 = arith.shli %xor3A_815, %shift_left3A_818 : vector<16xi32>
          %shift_right_logical3A_820 = arith.constant 8 : i32
          %shift_right_logical3A_821 = vector.broadcast %shift_right_logical3A_820 : i32 to vector<16xi32>
          %shift_right_logical3A_822 = arith.shrui %xor3A_815, %shift_right_logical3A_821 : vector<16xi32>
          %or3A_823 = arith.ori %shift_left3A_819, %shift_right_logical3A_822 : vector<16xi32>
          %xor3A_824 = arith.xori %or3A_823, %add3A_816 : vector<16xi32>
          %add3A_825 = arith.constant 466688990 : i32
          %add3A_826 = vector.broadcast %add3A_825 : i32 to vector<16xi32>
          %add3A_827 = arith.addi %xor3A_824, %add3A_826 : vector<16xi32>
          %add3A_828 = arith.addi %add3A_816, %add3A_827 : vector<16xi32>
          %shift_left3A_829 = arith.constant 13 : i32
          %shift_left3A_830 = vector.broadcast %shift_left3A_829 : i32 to vector<16xi32>
          %shift_left3A_831 = arith.shli %add3A_827, %shift_left3A_830 : vector<16xi32>
          %shift_right_logical3A_832 = arith.constant 19 : i32
          %shift_right_logical3A_833 = vector.broadcast %shift_right_logical3A_832 : i32 to vector<16xi32>
          %shift_right_logical3A_834 = arith.shrui %add3A_827, %shift_right_logical3A_833 : vector<16xi32>
          %or3A_835 = arith.ori %shift_left3A_831, %shift_right_logical3A_834 : vector<16xi32>
          %xor3A_836 = arith.xori %or3A_835, %add3A_828 : vector<16xi32>
          %add3A_837 = arith.addi %add3A_828, %xor3A_836 : vector<16xi32>
          %shift_left3A_838 = arith.constant 15 : i32
          %shift_left3A_839 = vector.broadcast %shift_left3A_838 : i32 to vector<16xi32>
          %shift_left3A_840 = arith.shli %xor3A_836, %shift_left3A_839 : vector<16xi32>
          %shift_right_logical3A_841 = arith.constant 17 : i32
          %shift_right_logical3A_842 = vector.broadcast %shift_right_logical3A_841 : i32 to vector<16xi32>
          %shift_right_logical3A_843 = arith.shrui %xor3A_836, %shift_right_logical3A_842 : vector<16xi32>
          %or3A_844 = arith.ori %shift_left3A_840, %shift_right_logical3A_843 : vector<16xi32>
          %xor3A_845 = arith.xori %or3A_844, %add3A_837 : vector<16xi32>
          %add3A_846 = arith.addi %add3A_837, %xor3A_845 : vector<16xi32>
          %shift_left3A_847 = arith.constant 26 : i32
          %shift_left3A_848 = vector.broadcast %shift_left3A_847 : i32 to vector<16xi32>
          %shift_left3A_849 = arith.shli %xor3A_845, %shift_left3A_848 : vector<16xi32>
          %shift_right_logical3A_850 = arith.constant 6 : i32
          %shift_right_logical3A_851 = vector.broadcast %shift_right_logical3A_850 : i32 to vector<16xi32>
          %shift_right_logical3A_852 = arith.shrui %xor3A_845, %shift_right_logical3A_851 : vector<16xi32>
          %or3A_853 = arith.ori %shift_left3A_849, %shift_right_logical3A_852 : vector<16xi32>
          %xor3A_854 = arith.xori %or3A_853, %add3A_846 : vector<16xi32>
          %add3A_855 = arith.addi %add3A_846, %xor3A_854 : vector<16xi32>
          %shift_left3A_856 = arith.constant 6 : i32
          %shift_left3A_857 = vector.broadcast %shift_left3A_856 : i32 to vector<16xi32>
          %shift_left3A_858 = arith.shli %xor3A_854, %shift_left3A_857 : vector<16xi32>
          %shift_right_logical3A_859 = arith.constant 26 : i32
          %shift_right_logical3A_860 = vector.broadcast %shift_right_logical3A_859 : i32 to vector<16xi32>
          %shift_right_logical3A_861 = arith.shrui %xor3A_854, %shift_right_logical3A_860 : vector<16xi32>
          %or3A_862 = arith.ori %shift_left3A_858, %shift_right_logical3A_861 : vector<16xi32>
          %xor3A_863 = arith.xori %or3A_862, %add3A_855 : vector<16xi32>
          %add3A_864 = arith.constant 466688986 : i32
          %add3A_865 = vector.broadcast %add3A_864 : i32 to vector<16xi32>
          %add3A_866 = arith.addi %add3A_855, %add3A_865 : vector<16xi32>
          %add3A_867 = arith.constant 5 : i32
          %add3A_868 = vector.broadcast %add3A_867 : i32 to vector<16xi32>
          %add3A_869 = arith.addi %xor3A_863, %add3A_868 : vector<16xi32>
          %xor3A_870 = arith.xori %add3A_866, %add3A_869 : vector<16xi32>
          %swap3A_871 = arith.index_cast %add3A_666 : i32 to index
          %swap3A_872 = tpu.vector_load %arg3[%swap3A_871] {strides = array<i32>} : memref<16384xi32, #tpu.memory_space<vmem>>, vector<16xi32>,
          %swap3A_873 = vector.shape_cast %swap3A_872 : vector<16xi32> to vector<16xi32>
          %swap3A_874 = vector.shape_cast %xor3A_870 : vector<16xi32> to vector<16xi32>
          tpu.vector_store %arg3[%swap3A_871], %swap3A_874 {strides = array<i32>} : memref<16384xi32, #tpu.memory_space<vmem>>, vector<16xi32>,
          %add3A_875 = arith.constant 64 : i32
          %add3A_876 = arith.addi %mul3A_39, %add3A_875 : i32
          %add3A_877 = arith.addi %add3A_25, %add3A_876 : i32
          %add3A_878 = vector.broadcast %add3A_877 : i32 to vector<16xi32>
          %add3A_879 = arith.addi %iota3A, %add3A_878 : vector<16xi32>
          %shift_left3A_880 = arith.constant 13 : i32
          %shift_left3A_881 = vector.broadcast %shift_left3A_880 : i32 to vector<16xi32>
          %shift_left3A_882 = arith.shli %add3A_879, %shift_left3A_881 : vector<16xi32>
          %shift_right_logical3A_883 = arith.constant 19 : i32
          %shift_right_logical3A_884 = vector.broadcast %shift_right_logical3A_883 : i32 to vector<16xi32>
          %shift_right_logical3A_885 = arith.shrui %add3A_879, %shift_right_logical3A_884 : vector<16xi32>
          %or3A_886 = arith.ori %shift_left3A_882, %shift_right_logical3A_885 : vector<16xi32>
          %xor3A_887 = arith.xori %or3A_886, %add3A_879 : vector<16xi32>
          %add3A_888 = arith.addi %add3A_879, %xor3A_887 : vector<16xi32>
          %shift_left3A_889 = arith.constant 15 : i32
          %shift_left3A_890 = vector.broadcast %shift_left3A_889 : i32 to vector<16xi32>
          %shift_left3A_891 = arith.shli %xor3A_887, %shift_left3A_890 : vector<16xi32>
          %shift_right_logical3A_892 = arith.constant 17 : i32
          %shift_right_logical3A_893 = vector.broadcast %shift_right_logical3A_892 : i32 to vector<16xi32>
          %shift_right_logical3A_894 = arith.shrui %xor3A_887, %shift_right_logical3A_893 : vector<16xi32>
          %or3A_895 = arith.ori %shift_left3A_891, %shift_right_logical3A_894 : vector<16xi32>
          %xor3A_896 = arith.xori %or3A_895, %add3A_888 : vector<16xi32>
          %add3A_897 = arith.addi %add3A_888, %xor3A_896 : vector<16xi32>
          %shift_left3A_898 = arith.constant 26 : i32
          %shift_left3A_899 = vector.broadcast %shift_left3A_898 : i32 to vector<16xi32>
          %shift_left3A_900 = arith.shli %xor3A_896, %shift_left3A_899 : vector<16xi32>
          %shift_right_logical3A_901 = arith.constant 6 : i32
          %shift_right_logical3A_902 = vector.broadcast %shift_right_logical3A_901 : i32 to vector<16xi32>
          %shift_right_logical3A_903 = arith.shrui %xor3A_896, %shift_right_logical3A_902 : vector<16xi32>
          %or3A_904 = arith.ori %shift_left3A_900, %shift_right_logical3A_903 : vector<16xi32>
          %xor3A_905 = arith.xori %or3A_904, %add3A_897 : vector<16xi32>
          %add3A_906 = arith.addi %add3A_897, %xor3A_905 : vector<16xi32>
          %shift_left3A_907 = arith.constant 6 : i32
          %shift_left3A_908 = vector.broadcast %shift_left3A_907 : i32 to vector<16xi32>
          %shift_left3A_909 = arith.shli %xor3A_905, %shift_left3A_908 : vector<16xi32>
          %shift_right_logical3A_910 = arith.constant 26 : i32
          %shift_right_logical3A_911 = vector.broadcast %shift_right_logical3A_910 : i32 to vector<16xi32>
          %shift_right_logical3A_912 = arith.shrui %xor3A_905, %shift_right_logical3A_911 : vector<16xi32>
          %or3A_913 = arith.ori %shift_left3A_909, %shift_right_logical3A_912 : vector<16xi32>
          %xor3A_914 = arith.xori %or3A_913, %add3A_906 : vector<16xi32>
          %add3A_915 = arith.constant 466688987 : i32
          %add3A_916 = vector.broadcast %add3A_915 : i32 to vector<16xi32>
          %add3A_917 = arith.addi %xor3A_914, %add3A_916 : vector<16xi32>
          %add3A_918 = arith.addi %add3A_906, %add3A_917 : vector<16xi32>
          %shift_left3A_919 = arith.constant 17 : i32
          %shift_left3A_920 = vector.broadcast %shift_left3A_919 : i32 to vector<16xi32>
          %shift_left3A_921 = arith.shli %add3A_917, %shift_left3A_920 : vector<16xi32>
          %shift_right_logical3A_922 = arith.constant 15 : i32
          %shift_right_logical3A_923 = vector.broadcast %shift_right_logical3A_922 : i32 to vector<16xi32>
          %shift_right_logical3A_924 = arith.shrui %add3A_917, %shift_right_logical3A_923 : vector<16xi32>
          %or3A_925 = arith.ori %shift_left3A_921, %shift_right_logical3A_924 : vector<16xi32>
          %xor3A_926 = arith.xori %or3A_925, %add3A_918 : vector<16xi32>
          %add3A_927 = arith.addi %add3A_918, %xor3A_926 : vector<16xi32>
          %shift_left3A_928 = arith.constant 29 : i32
          %shift_left3A_929 = vector.broadcast %shift_left3A_928 : i32 to vector<16xi32>
          %shift_left3A_930 = arith.shli %xor3A_926, %shift_left3A_929 : vector<16xi32>
          %shift_right_logical3A_931 = arith.constant 3 : i32
          %shift_right_logical3A_932 = vector.broadcast %shift_right_logical3A_931 : i32 to vector<16xi32>
          %shift_right_logical3A_933 = arith.shrui %xor3A_926, %shift_right_logical3A_932 : vector<16xi32>
          %or3A_934 = arith.ori %shift_left3A_930, %shift_right_logical3A_933 : vector<16xi32>
          %xor3A_935 = arith.xori %or3A_934, %add3A_927 : vector<16xi32>
          %add3A_936 = arith.addi %add3A_927, %xor3A_935 : vector<16xi32>
          %shift_left3A_937 = arith.constant 16 : i32
          %shift_left3A_938 = vector.broadcast %shift_left3A_937 : i32 to vector<16xi32>
          %shift_left3A_939 = arith.shli %xor3A_935, %shift_left3A_938 : vector<16xi32>
          %shift_right_logical3A_940 = arith.constant 16 : i32
          %shift_right_logical3A_941 = vector.broadcast %shift_right_logical3A_940 : i32 to vector<16xi32>
          %shift_right_logical3A_942 = arith.shrui %xor3A_935, %shift_right_logical3A_941 : vector<16xi32>
          %or3A_943 = arith.ori %shift_left3A_939, %shift_right_logical3A_942 : vector<16xi32>
          %xor3A_944 = arith.xori %or3A_943, %add3A_936 : vector<16xi32>
          %add3A_945 = arith.addi %add3A_936, %xor3A_944 : vector<16xi32>
          %shift_left3A_946 = arith.constant 24 : i32
          %shift_left3A_947 = vector.broadcast %shift_left3A_946 : i32 to vector<16xi32>
          %shift_left3A_948 = arith.shli %xor3A_944, %shift_left3A_947 : vector<16xi32>
          %shift_right_logical3A_949 = arith.constant 8 : i32
          %shift_right_logical3A_950 = vector.broadcast %shift_right_logical3A_949 : i32 to vector<16xi32>
          %shift_right_logical3A_951 = arith.shrui %xor3A_944, %shift_right_logical3A_950 : vector<16xi32>
          %or3A_952 = arith.ori %shift_left3A_948, %shift_right_logical3A_951 : vector<16xi32>
          %xor3A_953 = arith.xori %or3A_952, %add3A_945 : vector<16xi32>
          %add3A_954 = arith.constant 466688986 : i32
          %add3A_955 = vector.broadcast %add3A_954 : i32 to vector<16xi32>
          %add3A_956 = arith.addi %add3A_945, %add3A_955 : vector<16xi32>
          %add3A_957 = arith.constant 2 : i32
          %add3A_958 = vector.broadcast %add3A_957 : i32 to vector<16xi32>
          %add3A_959 = arith.addi %xor3A_953, %add3A_958 : vector<16xi32>
          %add3A_960 = arith.addi %add3A_956, %add3A_959 : vector<16xi32>
          %shift_left3A_961 = arith.constant 13 : i32
          %shift_left3A_962 = vector.broadcast %shift_left3A_961 : i32 to vector<16xi32>
          %shift_left3A_963 = arith.shli %add3A_959, %shift_left3A_962 : vector<16xi32>
          %shift_right_logical3A_964 = arith.constant 19 : i32
          %shift_right_logical3A_965 = vector.broadcast %shift_right_logical3A_964 : i32 to vector<16xi32>
          %shift_right_logical3A_966 = arith.shrui %add3A_959, %shift_right_logical3A_965 : vector<16xi32>
          %or3A_967 = arith.ori %shift_left3A_963, %shift_right_logical3A_966 : vector<16xi32>
          %xor3A_968 = arith.xori %or3A_967, %add3A_960 : vector<16xi32>
          %add3A_969 = arith.addi %add3A_960, %xor3A_968 : vector<16xi32>
          %shift_left3A_970 = arith.constant 15 : i32
          %shift_left3A_971 = vector.broadcast %shift_left3A_970 : i32 to vector<16xi32>
          %shift_left3A_972 = arith.shli %xor3A_968, %shift_left3A_971 : vector<16xi32>
          %shift_right_logical3A_973 = arith.constant 17 : i32
          %shift_right_logical3A_974 = vector.broadcast %shift_right_logical3A_973 : i32 to vector<16xi32>
          %shift_right_logical3A_975 = arith.shrui %xor3A_968, %shift_right_logical3A_974 : vector<16xi32>
          %or3A_976 = arith.ori %shift_left3A_972, %shift_right_logical3A_975 : vector<16xi32>
          %xor3A_977 = arith.xori %or3A_976, %add3A_969 : vector<16xi32>
          %add3A_978 = arith.addi %add3A_969, %xor3A_977 : vector<16xi32>
          %shift_left3A_979 = arith.constant 26 : i32
          %shift_left3A_980 = vector.broadcast %shift_left3A_979 : i32 to vector<16xi32>
          %shift_left3A_981 = arith.shli %xor3A_977, %shift_left3A_980 : vector<16xi32>
          %shift_right_logical3A_982 = arith.constant 6 : i32
          %shift_right_logical3A_983 = vector.broadcast %shift_right_logical3A_982 : i32 to vector<16xi32>
          %shift_right_logical3A_984 = arith.shrui %xor3A_977, %shift_right_logical3A_983 : vector<16xi32>
          %or3A_985 = arith.ori %shift_left3A_981, %shift_right_logical3A_984 : vector<16xi32>
          %xor3A_986 = arith.xori %or3A_985, %add3A_978 : vector<16xi32>
          %add3A_987 = arith.addi %add3A_978, %xor3A_986 : vector<16xi32>
          %shift_left3A_988 = arith.constant 6 : i32
          %shift_left3A_989 = vector.broadcast %shift_left3A_988 : i32 to vector<16xi32>
          %shift_left3A_990 = arith.shli %xor3A_986, %shift_left3A_989 : vector<16xi32>
          %shift_right_logical3A_991 = arith.constant 26 : i32
          %shift_right_logical3A_992 = vector.broadcast %shift_right_logical3A_991 : i32 to vector<16xi32>
          %shift_right_logical3A_993 = arith.shrui %xor3A_986, %shift_right_logical3A_992 : vector<16xi32>
          %or3A_994 = arith.ori %shift_left3A_990, %shift_right_logical3A_993 : vector<16xi32>
          %xor3A_995 = arith.xori %or3A_994, %add3A_987 : vector<16xi32>
          %add3A_996 = arith.constant 3 : i32
          %add3A_997 = vector.broadcast %add3A_996 : i32 to vector<16xi32>
          %add3A_998 = arith.addi %xor3A_995, %add3A_997 : vector<16xi32>
          %add3A_999 = arith.addi %add3A_987, %add3A_998 : vector<16xi32>
          %shift_left3A_1000 = arith.constant 17 : i32
          %shift_left3A_1001 = vector.broadcast %shift_left3A_1000 : i32 to vector<16xi32>
          %shift_left3A_1002 = arith.shli %add3A_998, %shift_left3A_1001 : vector<16xi32>
          %shift_right_logical3A_1003 = arith.constant 15 : i32
          %shift_right_logical3A_1004 = vector.broadcast %shift_right_logical3A_1003 : i32 to vector<16xi32>
          %shift_right_logical3A_1005 = arith.shrui %add3A_998, %shift_right_logical3A_1004 : vector<16xi32>
          %or3A_1006 = arith.ori %shift_left3A_1002, %shift_right_logical3A_1005 : vector<16xi32>
          %xor3A_1007 = arith.xori %or3A_1006, %add3A_999 : vector<16xi32>
          %add3A_1008 = arith.addi %add3A_999, %xor3A_1007 : vector<16xi32>
          %shift_left3A_1009 = arith.constant 29 : i32
          %shift_left3A_1010 = vector.broadcast %shift_left3A_1009 : i32 to vector<16xi32>
          %shift_left3A_1011 = arith.shli %xor3A_1007, %shift_left3A_1010 : vector<16xi32>
          %shift_right_logical3A_1012 = arith.constant 3 : i32
          %shift_right_logical3A_1013 = vector.broadcast %shift_right_logical3A_1012 : i32 to vector<16xi32>
          %shift_right_logical3A_1014 = arith.shrui %xor3A_1007, %shift_right_logical3A_1013 : vector<16xi32>
          %or3A_1015 = arith.ori %shift_left3A_1011, %shift_right_logical3A_1014 : vector<16xi32>
          %xor3A_1016 = arith.xori %or3A_1015, %add3A_1008 : vector<16xi32>
          %add3A_1017 = arith.addi %add3A_1008, %xor3A_1016 : vector<16xi32>
          %shift_left3A_1018 = arith.constant 16 : i32
          %shift_left3A_1019 = vector.broadcast %shift_left3A_1018 : i32 to vector<16xi32>
          %shift_left3A_1020 = arith.shli %xor3A_1016, %shift_left3A_1019 : vector<16xi32>
          %shift_right_logical3A_1021 = arith.constant 16 : i32
          %shift_right_logical3A_1022 = vector.broadcast %shift_right_logical3A_1021 : i32 to vector<16xi32>
          %shift_right_logical3A_1023 = arith.shrui %xor3A_1016, %shift_right_logical3A_1022 : vector<16xi32>
          %or3A_1024 = arith.ori %shift_left3A_1020, %shift_right_logical3A_1023 : vector<16xi32>
          %xor3A_1025 = arith.xori %or3A_1024, %add3A_1017 : vector<16xi32>
          %add3A_1026 = arith.addi %add3A_1017, %xor3A_1025 : vector<16xi32>
          %shift_left3A_1027 = arith.constant 24 : i32
          %shift_left3A_1028 = vector.broadcast %shift_left3A_1027 : i32 to vector<16xi32>
          %shift_left3A_1029 = arith.shli %xor3A_1025, %shift_left3A_1028 : vector<16xi32>
          %shift_right_logical3A_1030 = arith.constant 8 : i32
          %shift_right_logical3A_1031 = vector.broadcast %shift_right_logical3A_1030 : i32 to vector<16xi32>
          %shift_right_logical3A_1032 = arith.shrui %xor3A_1025, %shift_right_logical3A_1031 : vector<16xi32>
          %or3A_1033 = arith.ori %shift_left3A_1029, %shift_right_logical3A_1032 : vector<16xi32>
          %xor3A_1034 = arith.xori %or3A_1033, %add3A_1026 : vector<16xi32>
          %add3A_1035 = arith.constant 466688990 : i32
          %add3A_1036 = vector.broadcast %add3A_1035 : i32 to vector<16xi32>
          %add3A_1037 = arith.addi %xor3A_1034, %add3A_1036 : vector<16xi32>
          %add3A_1038 = arith.addi %add3A_1026, %add3A_1037 : vector<16xi32>
          %shift_left3A_1039 = arith.constant 13 : i32
          %shift_left3A_1040 = vector.broadcast %shift_left3A_1039 : i32 to vector<16xi32>
          %shift_left3A_1041 = arith.shli %add3A_1037, %shift_left3A_1040 : vector<16xi32>
          %shift_right_logical3A_1042 = arith.constant 19 : i32
          %shift_right_logical3A_1043 = vector.broadcast %shift_right_logical3A_1042 : i32 to vector<16xi32>
          %shift_right_logical3A_1044 = arith.shrui %add3A_1037, %shift_right_logical3A_1043 : vector<16xi32>
          %or3A_1045 = arith.ori %shift_left3A_1041, %shift_right_logical3A_1044 : vector<16xi32>
          %xor3A_1046 = arith.xori %or3A_1045, %add3A_1038 : vector<16xi32>
          %add3A_1047 = arith.addi %add3A_1038, %xor3A_1046 : vector<16xi32>
          %shift_left3A_1048 = arith.constant 15 : i32
          %shift_left3A_1049 = vector.broadcast %shift_left3A_1048 : i32 to vector<16xi32>
          %shift_left3A_1050 = arith.shli %xor3A_1046, %shift_left3A_1049 : vector<16xi32>
          %shift_right_logical3A_1051 = arith.constant 17 : i32
          %shift_right_logical3A_1052 = vector.broadcast %shift_right_logical3A_1051 : i32 to vector<16xi32>
          %shift_right_logical3A_1053 = arith.shrui %xor3A_1046, %shift_right_logical3A_1052 : vector<16xi32>
          %or3A_1054 = arith.ori %shift_left3A_1050, %shift_right_logical3A_1053 : vector<16xi32>
          %xor3A_1055 = arith.xori %or3A_1054, %add3A_1047 : vector<16xi32>
          %add3A_1056 = arith.addi %add3A_1047, %xor3A_1055 : vector<16xi32>
          %shift_left3A_1057 = arith.constant 26 : i32
          %shift_left3A_1058 = vector.broadcast %shift_left3A_1057 : i32 to vector<16xi32>
          %shift_left3A_1059 = arith.shli %xor3A_1055, %shift_left3A_1058 : vector<16xi32>
          %shift_right_logical3A_1060 = arith.constant 6 : i32
          %shift_right_logical3A_1061 = vector.broadcast %shift_right_logical3A_1060 : i32 to vector<16xi32>
          %shift_right_logical3A_1062 = arith.shrui %xor3A_1055, %shift_right_logical3A_1061 : vector<16xi32>
          %or3A_1063 = arith.ori %shift_left3A_1059, %shift_right_logical3A_1062 : vector<16xi32>
          %xor3A_1064 = arith.xori %or3A_1063, %add3A_1056 : vector<16xi32>
          %add3A_1065 = arith.addi %add3A_1056, %xor3A_1064 : vector<16xi32>
          %shift_left3A_1066 = arith.constant 6 : i32
          %shift_left3A_1067 = vector.broadcast %shift_left3A_1066 : i32 to vector<16xi32>
          %shift_left3A_1068 = arith.shli %xor3A_1064, %shift_left3A_1067 : vector<16xi32>
          %shift_right_logical3A_1069 = arith.constant 26 : i32
          %shift_right_logical3A_1070 = vector.broadcast %shift_right_logical3A_1069 : i32 to vector<16xi32>
          %shift_right_logical3A_1071 = arith.shrui %xor3A_1064, %shift_right_logical3A_1070 : vector<16xi32>
          %or3A_1072 = arith.ori %shift_left3A_1068, %shift_right_logical3A_1071 : vector<16xi32>
          %xor3A_1073 = arith.xori %or3A_1072, %add3A_1065 : vector<16xi32>
          %add3A_1074 = arith.constant 466688986 : i32
          %add3A_1075 = vector.broadcast %add3A_1074 : i32 to vector<16xi32>
          %add3A_1076 = arith.addi %add3A_1065, %add3A_1075 : vector<16xi32>
          %add3A_1077 = arith.constant 5 : i32
          %add3A_1078 = vector.broadcast %add3A_1077 : i32 to vector<16xi32>
          %add3A_1079 = arith.addi %xor3A_1073, %add3A_1078 : vector<16xi32>
          %xor3A_1080 = arith.xori %add3A_1076, %add3A_1079 : vector<16xi32>
          %swap3A_1081 = arith.index_cast %add3A_876 : i32 to index
          %swap3A_1082 = tpu.vector_load %arg3[%swap3A_1081] {strides = array<i32>} : memref<16384xi32, #tpu.memory_space<vmem>>, vector<16xi32>,
          %swap3A_1083 = vector.shape_cast %swap3A_1082 : vector<16xi32> to vector<16xi32>
          %swap3A_1084 = vector.shape_cast %xor3A_1080 : vector<16xi32> to vector<16xi32>
          tpu.vector_store %arg3[%swap3A_1081], %swap3A_1084 {strides = array<i32>} : memref<16384xi32, #tpu.memory_space<vmem>>, vector<16xi32>,
          %add3A_1085 = arith.constant 80 : i32
          %add3A_1086 = arith.addi %mul3A_39, %add3A_1085 : i32
          %add3A_1087 = arith.addi %add3A_25, %add3A_1086 : i32
          %add3A_1088 = vector.broadcast %add3A_1087 : i32 to vector<16xi32>
          %add3A_1089 = arith.addi %iota3A, %add3A_1088 : vector<16xi32>
          %shift_left3A_1090 = arith.constant 13 : i32
          %shift_left3A_1091 = vector.broadcast %shift_left3A_1090 : i32 to vector<16xi32>
          %shift_left3A_1092 = arith.shli %add3A_1089, %shift_left3A_1091 : vector<16xi32>
          %shift_right_logical3A_1093 = arith.constant 19 : i32
          %shift_right_logical3A_1094 = vector.broadcast %shift_right_logical3A_1093 : i32 to vector<16xi32>
          %shift_right_logical3A_1095 = arith.shrui %add3A_1089, %shift_right_logical3A_1094 : vector<16xi32>
          %or3A_1096 = arith.ori %shift_left3A_1092, %shift_right_logical3A_1095 : vector<16xi32>
          %xor3A_1097 = arith.xori %or3A_1096, %add3A_1089 : vector<16xi32>
          %add3A_1098 = arith.addi %add3A_1089, %xor3A_1097 : vector<16xi32>
          %shift_left3A_1099 = arith.constant 15 : i32
          %shift_left3A_1100 = vector.broadcast %shift_left3A_1099 : i32 to vector<16xi32>
          %shift_left3A_1101 = arith.shli %xor3A_1097, %shift_left3A_1100 : vector<16xi32>
          %shift_right_logical3A_1102 = arith.constant 17 : i32
          %shift_right_logical3A_1103 = vector.broadcast %shift_right_logical3A_1102 : i32 to vector<16xi32>
          %shift_right_logical3A_1104 = arith.shrui %xor3A_1097, %shift_right_logical3A_1103 : vector<16xi32>
          %or3A_1105 = arith.ori %shift_left3A_1101, %shift_right_logical3A_1104 : vector<16xi32>
          %xor3A_1106 = arith.xori %or3A_1105, %add3A_1098 : vector<16xi32>
          %add3A_1107 = arith.addi %add3A_1098, %xor3A_1106 : vector<16xi32>
          %shift_left3A_1108 = arith.constant 26 : i32
          %shift_left3A_1109 = vector.broadcast %shift_left3A_1108 : i32 to vector<16xi32>
          %shift_left3A_1110 = arith.shli %xor3A_1106, %shift_left3A_1109 : vector<16xi32>
          %shift_right_logical3A_1111 = arith.constant 6 : i32
          %shift_right_logical3A_1112 = vector.broadcast %shift_right_logical3A_1111 : i32 to vector<16xi32>
          %shift_right_logical3A_1113 = arith.shrui %xor3A_1106, %shift_right_logical3A_1112 : vector<16xi32>
          %or3A_1114 = arith.ori %shift_left3A_1110, %shift_right_logical3A_1113 : vector<16xi32>
          %xor3A_1115 = arith.xori %or3A_1114, %add3A_1107 : vector<16xi32>
          %add3A_1116 = arith.addi %add3A_1107, %xor3A_1115 : vector<16xi32>
          %shift_left3A_1117 = arith.constant 6 : i32
          %shift_left3A_1118 = vector.broadcast %shift_left3A_1117 : i32 to vector<16xi32>
          %shift_left3A_1119 = arith.shli %xor3A_1115, %shift_left3A_1118 : vector<16xi32>
          %shift_right_logical3A_1120 = arith.constant 26 : i32
          %shift_right_logical3A_1121 = vector.broadcast %shift_right_logical3A_1120 : i32 to vector<16xi32>
          %shift_right_logical3A_1122 = arith.shrui %xor3A_1115, %shift_right_logical3A_1121 : vector<16xi32>
          %or3A_1123 = arith.ori %shift_left3A_1119, %shift_right_logical3A_1122 : vector<16xi32>
          %xor3A_1124 = arith.xori %or3A_1123, %add3A_1116 : vector<16xi32>
          %add3A_1125 = arith.constant 466688987 : i32
          %add3A_1126 = vector.broadcast %add3A_1125 : i32 to vector<16xi32>
          %add3A_1127 = arith.addi %xor3A_1124, %add3A_1126 : vector<16xi32>
          %add3A_1128 = arith.addi %add3A_1116, %add3A_1127 : vector<16xi32>
          %shift_left3A_1129 = arith.constant 17 : i32
          %shift_left3A_1130 = vector.broadcast %shift_left3A_1129 : i32 to vector<16xi32>
          %shift_left3A_1131 = arith.shli %add3A_1127, %shift_left3A_1130 : vector<16xi32>
          %shift_right_logical3A_1132 = arith.constant 15 : i32
          %shift_right_logical3A_1133 = vector.broadcast %shift_right_logical3A_1132 : i32 to vector<16xi32>
          %shift_right_logical3A_1134 = arith.shrui %add3A_1127, %shift_right_logical3A_1133 : vector<16xi32>
          %or3A_1135 = arith.ori %shift_left3A_1131, %shift_right_logical3A_1134 : vector<16xi32>
          %xor3A_1136 = arith.xori %or3A_1135, %add3A_1128 : vector<16xi32>
          %add3A_1137 = arith.addi %add3A_1128, %xor3A_1136 : vector<16xi32>
          %shift_left3A_1138 = arith.constant 29 : i32
          %shift_left3A_1139 = vector.broadcast %shift_left3A_1138 : i32 to vector<16xi32>
          %shift_left3A_1140 = arith.shli %xor3A_1136, %shift_left3A_1139 : vector<16xi32>
          %shift_right_logical3A_1141 = arith.constant 3 : i32
          %shift_right_logical3A_1142 = vector.broadcast %shift_right_logical3A_1141 : i32 to vector<16xi32>
          %shift_right_logical3A_1143 = arith.shrui %xor3A_1136, %shift_right_logical3A_1142 : vector<16xi32>
          %or3A_1144 = arith.ori %shift_left3A_1140, %shift_right_logical3A_1143 : vector<16xi32>
          %xor3A_1145 = arith.xori %or3A_1144, %add3A_1137 : vector<16xi32>
          %add3A_1146 = arith.addi %add3A_1137, %xor3A_1145 : vector<16xi32>
          %shift_left3A_1147 = arith.constant 16 : i32
          %shift_left3A_1148 = vector.broadcast %shift_left3A_1147 : i32 to vector<16xi32>
          %shift_left3A_1149 = arith.shli %xor3A_1145, %shift_left3A_1148 : vector<16xi32>
          %shift_right_logical3A_1150 = arith.constant 16 : i32
          %shift_right_logical3A_1151 = vector.broadcast %shift_right_logical3A_1150 : i32 to vector<16xi32>
          %shift_right_logical3A_1152 = arith.shrui %xor3A_1145, %shift_right_logical3A_1151 : vector<16xi32>
          %or3A_1153 = arith.ori %shift_left3A_1149, %shift_right_logical3A_1152 : vector<16xi32>
          %xor3A_1154 = arith.xori %or3A_1153, %add3A_1146 : vector<16xi32>
          %add3A_1155 = arith.addi %add3A_1146, %xor3A_1154 : vector<16xi32>
          %shift_left3A_1156 = arith.constant 24 : i32
          %shift_left3A_1157 = vector.broadcast %shift_left3A_1156 : i32 to vector<16xi32>
          %shift_left3A_1158 = arith.shli %xor3A_1154, %shift_left3A_1157 : vector<16xi32>
          %shift_right_logical3A_1159 = arith.constant 8 : i32
          %shift_right_logical3A_1160 = vector.broadcast %shift_right_logical3A_1159 : i32 to vector<16xi32>
          %shift_right_logical3A_1161 = arith.shrui %xor3A_1154, %shift_right_logical3A_1160 : vector<16xi32>
          %or3A_1162 = arith.ori %shift_left3A_1158, %shift_right_logical3A_1161 : vector<16xi32>
          %xor3A_1163 = arith.xori %or3A_1162, %add3A_1155 : vector<16xi32>
          %add3A_1164 = arith.constant 466688986 : i32
          %add3A_1165 = vector.broadcast %add3A_1164 : i32 to vector<16xi32>
          %add3A_1166 = arith.addi %add3A_1155, %add3A_1165 : vector<16xi32>
          %add3A_1167 = arith.constant 2 : i32
          %add3A_1168 = vector.broadcast %add3A_1167 : i32 to vector<16xi32>
          %add3A_1169 = arith.addi %xor3A_1163, %add3A_1168 : vector<16xi32>
          %add3A_1170 = arith.addi %add3A_1166, %add3A_1169 : vector<16xi32>
          %shift_left3A_1171 = arith.constant 13 : i32
          %shift_left3A_1172 = vector.broadcast %shift_left3A_1171 : i32 to vector<16xi32>
          %shift_left3A_1173 = arith.shli %add3A_1169, %shift_left3A_1172 : vector<16xi32>
          %shift_right_logical3A_1174 = arith.constant 19 : i32
          %shift_right_logical3A_1175 = vector.broadcast %shift_right_logical3A_1174 : i32 to vector<16xi32>
          %shift_right_logical3A_1176 = arith.shrui %add3A_1169, %shift_right_logical3A_1175 : vector<16xi32>
          %or3A_1177 = arith.ori %shift_left3A_1173, %shift_right_logical3A_1176 : vector<16xi32>
          %xor3A_1178 = arith.xori %or3A_1177, %add3A_1170 : vector<16xi32>
          %add3A_1179 = arith.addi %add3A_1170, %xor3A_1178 : vector<16xi32>
          %shift_left3A_1180 = arith.constant 15 : i32
          %shift_left3A_1181 = vector.broadcast %shift_left3A_1180 : i32 to vector<16xi32>
          %shift_left3A_1182 = arith.shli %xor3A_1178, %shift_left3A_1181 : vector<16xi32>
          %shift_right_logical3A_1183 = arith.constant 17 : i32
          %shift_right_logical3A_1184 = vector.broadcast %shift_right_logical3A_1183 : i32 to vector<16xi32>
          %shift_right_logical3A_1185 = arith.shrui %xor3A_1178, %shift_right_logical3A_1184 : vector<16xi32>
          %or3A_1186 = arith.ori %shift_left3A_1182, %shift_right_logical3A_1185 : vector<16xi32>
          %xor3A_1187 = arith.xori %or3A_1186, %add3A_1179 : vector<16xi32>
          %add3A_1188 = arith.addi %add3A_1179, %xor3A_1187 : vector<16xi32>
          %shift_left3A_1189 = arith.constant 26 : i32
          %shift_left3A_1190 = vector.broadcast %shift_left3A_1189 : i32 to vector<16xi32>
          %shift_left3A_1191 = arith.shli %xor3A_1187, %shift_left3A_1190 : vector<16xi32>
          %shift_right_logical3A_1192 = arith.constant 6 : i32
          %shift_right_logical3A_1193 = vector.broadcast %shift_right_logical3A_1192 : i32 to vector<16xi32>
          %shift_right_logical3A_1194 = arith.shrui %xor3A_1187, %shift_right_logical3A_1193 : vector<16xi32>
          %or3A_1195 = arith.ori %shift_left3A_1191, %shift_right_logical3A_1194 : vector<16xi32>
          %xor3A_1196 = arith.xori %or3A_1195, %add3A_1188 : vector<16xi32>
          %add3A_1197 = arith.addi %add3A_1188, %xor3A_1196 : vector<16xi32>
          %shift_left3A_1198 = arith.constant 6 : i32
          %shift_left3A_1199 = vector.broadcast %shift_left3A_1198 : i32 to vector<16xi32>
          %shift_left3A_1200 = arith.shli %xor3A_1196, %shift_left3A_1199 : vector<16xi32>
          %shift_right_logical3A_1201 = arith.constant 26 : i32
          %shift_right_logical3A_1202 = vector.broadcast %shift_right_logical3A_1201 : i32 to vector<16xi32>
          %shift_right_logical3A_1203 = arith.shrui %xor3A_1196, %shift_right_logical3A_1202 : vector<16xi32>
          %or3A_1204 = arith.ori %shift_left3A_1200, %shift_right_logical3A_1203 : vector<16xi32>
          %xor3A_1205 = arith.xori %or3A_1204, %add3A_1197 : vector<16xi32>
          %add3A_1206 = arith.constant 3 : i32
          %add3A_1207 = vector.broadcast %add3A_1206 : i32 to vector<16xi32>
          %add3A_1208 = arith.addi %xor3A_1205, %add3A_1207 : vector<16xi32>
          %add3A_1209 = arith.addi %add3A_1197, %add3A_1208 : vector<16xi32>
          %shift_left3A_1210 = arith.constant 17 : i32
          %shift_left3A_1211 = vector.broadcast %shift_left3A_1210 : i32 to vector<16xi32>
          %shift_left3A_1212 = arith.shli %add3A_1208, %shift_left3A_1211 : vector<16xi32>
          %shift_right_logical3A_1213 = arith.constant 15 : i32
          %shift_right_logical3A_1214 = vector.broadcast %shift_right_logical3A_1213 : i32 to vector<16xi32>
          %shift_right_logical3A_1215 = arith.shrui %add3A_1208, %shift_right_logical3A_1214 : vector<16xi32>
          %or3A_1216 = arith.ori %shift_left3A_1212, %shift_right_logical3A_1215 : vector<16xi32>
          %xor3A_1217 = arith.xori %or3A_1216, %add3A_1209 : vector<16xi32>
          %add3A_1218 = arith.addi %add3A_1209, %xor3A_1217 : vector<16xi32>
          %shift_left3A_1219 = arith.constant 29 : i32
          %shift_left3A_1220 = vector.broadcast %shift_left3A_1219 : i32 to vector<16xi32>
          %shift_left3A_1221 = arith.shli %xor3A_1217, %shift_left3A_1220 : vector<16xi32>
          %shift_right_logical3A_1222 = arith.constant 3 : i32
          %shift_right_logical3A_1223 = vector.broadcast %shift_right_logical3A_1222 : i32 to vector<16xi32>
          %shift_right_logical3A_1224 = arith.shrui %xor3A_1217, %shift_right_logical3A_1223 : vector<16xi32>
          %or3A_1225 = arith.ori %shift_left3A_1221, %shift_right_logical3A_1224 : vector<16xi32>
          %xor3A_1226 = arith.xori %or3A_1225, %add3A_1218 : vector<16xi32>
          %add3A_1227 = arith.addi %add3A_1218, %xor3A_1226 : vector<16xi32>
          %shift_left3A_1228 = arith.constant 16 : i32
          %shift_left3A_1229 = vector.broadcast %shift_left3A_1228 : i32 to vector<16xi32>
          %shift_left3A_1230 = arith.shli %xor3A_1226, %shift_left3A_1229 : vector<16xi32>
          %shift_right_logical3A_1231 = arith.constant 16 : i32
          %shift_right_logical3A_1232 = vector.broadcast %shift_right_logical3A_1231 : i32 to vector<16xi32>
          %shift_right_logical3A_1233 = arith.shrui %xor3A_1226, %shift_right_logical3A_1232 : vector<16xi32>
          %or3A_1234 = arith.ori %shift_left3A_1230, %shift_right_logical3A_1233 : vector<16xi32>
          %xor3A_1235 = arith.xori %or3A_1234, %add3A_1227 : vector<16xi32>
          %add3A_1236 = arith.addi %add3A_1227, %xor3A_1235 : vector<16xi32>
          %shift_left3A_1237 = arith.constant 24 : i32
          %shift_left3A_1238 = vector.broadcast %shift_left3A_1237 : i32 to vector<16xi32>
          %shift_left3A_1239 = arith.shli %xor3A_1235, %shift_left3A_1238 : vector<16xi32>
          %shift_right_logical3A_1240 = arith.constant 8 : i32
          %shift_right_logical3A_1241 = vector.broadcast %shift_right_logical3A_1240 : i32 to vector<16xi32>
          %shift_right_logical3A_1242 = arith.shrui %xor3A_1235, %shift_right_logical3A_1241 : vector<16xi32>
          %or3A_1243 = arith.ori %shift_left3A_1239, %shift_right_logical3A_1242 : vector<16xi32>
          %xor3A_1244 = arith.xori %or3A_1243, %add3A_1236 : vector<16xi32>
          %add3A_1245 = arith.constant 466688990 : i32
          %add3A_1246 = vector.broadcast %add3A_1245 : i32 to vector<16xi32>
          %add3A_1247 = arith.addi %xor3A_1244, %add3A_1246 : vector<16xi32>
          %add3A_1248 = arith.addi %add3A_1236, %add3A_1247 : vector<16xi32>
          %shift_left3A_1249 = arith.constant 13 : i32
          %shift_left3A_1250 = vector.broadcast %shift_left3A_1249 : i32 to vector<16xi32>
          %shift_left3A_1251 = arith.shli %add3A_1247, %shift_left3A_1250 : vector<16xi32>
          %shift_right_logical3A_1252 = arith.constant 19 : i32
          %shift_right_logical3A_1253 = vector.broadcast %shift_right_logical3A_1252 : i32 to vector<16xi32>
          %shift_right_logical3A_1254 = arith.shrui %add3A_1247, %shift_right_logical3A_1253 : vector<16xi32>
          %or3A_1255 = arith.ori %shift_left3A_1251, %shift_right_logical3A_1254 : vector<16xi32>
          %xor3A_1256 = arith.xori %or3A_1255, %add3A_1248 : vector<16xi32>
          %add3A_1257 = arith.addi %add3A_1248, %xor3A_1256 : vector<16xi32>
          %shift_left3A_1258 = arith.constant 15 : i32
          %shift_left3A_1259 = vector.broadcast %shift_left3A_1258 : i32 to vector<16xi32>
          %shift_left3A_1260 = arith.shli %xor3A_1256, %shift_left3A_1259 : vector<16xi32>
          %shift_right_logical3A_1261 = arith.constant 17 : i32
          %shift_right_logical3A_1262 = vector.broadcast %shift_right_logical3A_1261 : i32 to vector<16xi32>
          %shift_right_logical3A_1263 = arith.shrui %xor3A_1256, %shift_right_logical3A_1262 : vector<16xi32>
          %or3A_1264 = arith.ori %shift_left3A_1260, %shift_right_logical3A_1263 : vector<16xi32>
          %xor3A_1265 = arith.xori %or3A_1264, %add3A_1257 : vector<16xi32>
          %add3A_1266 = arith.addi %add3A_1257, %xor3A_1265 : vector<16xi32>
          %shift_left3A_1267 = arith.constant 26 : i32
          %shift_left3A_1268 = vector.broadcast %shift_left3A_1267 : i32 to vector<16xi32>
          %shift_left3A_1269 = arith.shli %xor3A_1265, %shift_left3A_1268 : vector<16xi32>
          %shift_right_logical3A_1270 = arith.constant 6 : i32
          %shift_right_logical3A_1271 = vector.broadcast %shift_right_logical3A_1270 : i32 to vector<16xi32>
          %shift_right_logical3A_1272 = arith.shrui %xor3A_1265, %shift_right_logical3A_1271 : vector<16xi32>
          %or3A_1273 = arith.ori %shift_left3A_1269, %shift_right_logical3A_1272 : vector<16xi32>
          %xor3A_1274 = arith.xori %or3A_1273, %add3A_1266 : vector<16xi32>
          %add3A_1275 = arith.addi %add3A_1266, %xor3A_1274 : vector<16xi32>
          %shift_left3A_1276 = arith.constant 6 : i32
          %shift_left3A_1277 = vector.broadcast %shift_left3A_1276 : i32 to vector<16xi32>
          %shift_left3A_1278 = arith.shli %xor3A_1274, %shift_left3A_1277 : vector<16xi32>
          %shift_right_logical3A_1279 = arith.constant 26 : i32
          %shift_right_logical3A_1280 = vector.broadcast %shift_right_logical3A_1279 : i32 to vector<16xi32>
          %shift_right_logical3A_1281 = arith.shrui %xor3A_1274, %shift_right_logical3A_1280 : vector<16xi32>
          %or3A_1282 = arith.ori %shift_left3A_1278, %shift_right_logical3A_1281 : vector<16xi32>
          %xor3A_1283 = arith.xori %or3A_1282, %add3A_1275 : vector<16xi32>
          %add3A_1284 = arith.constant 466688986 : i32
          %add3A_1285 = vector.broadcast %add3A_1284 : i32 to vector<16xi32>
          %add3A_1286 = arith.addi %add3A_1275, %add3A_1285 : vector<16xi32>
          %add3A_1287 = arith.constant 5 : i32
          %add3A_1288 = vector.broadcast %add3A_1287 : i32 to vector<16xi32>
          %add3A_1289 = arith.addi %xor3A_1283, %add3A_1288 : vector<16xi32>
          %xor3A_1290 = arith.xori %add3A_1286, %add3A_1289 : vector<16xi32>
          %swap3A_1291 = arith.index_cast %add3A_1086 : i32 to index
          %swap3A_1292 = tpu.vector_load %arg3[%swap3A_1291] {strides = array<i32>} : memref<16384xi32, #tpu.memory_space<vmem>>, vector<16xi32>,
          %swap3A_1293 = vector.shape_cast %swap3A_1292 : vector<16xi32> to vector<16xi32>
          %swap3A_1294 = vector.shape_cast %xor3A_1290 : vector<16xi32> to vector<16xi32>
          tpu.vector_store %arg3[%swap3A_1291], %swap3A_1294 {strides = array<i32>} : memref<16384xi32, #tpu.memory_space<vmem>>, vector<16xi32>,
          %add3A_1295 = arith.constant 96 : i32
          %add3A_1296 = arith.addi %mul3A_39, %add3A_1295 : i32
          %add3A_1297 = arith.addi %add3A_25, %add3A_1296 : i32
          %add3A_1298 = vector.broadcast %add3A_1297 : i32 to vector<16xi32>
          %add3A_1299 = arith.addi %iota3A, %add3A_1298 : vector<16xi32>
          %shift_left3A_1300 = arith.constant 13 : i32
          %shift_left3A_1301 = vector.broadcast %shift_left3A_1300 : i32 to vector<16xi32>
          %shift_left3A_1302 = arith.shli %add3A_1299, %shift_left3A_1301 : vector<16xi32>
          %shift_right_logical3A_1303 = arith.constant 19 : i32
          %shift_right_logical3A_1304 = vector.broadcast %shift_right_logical3A_1303 : i32 to vector<16xi32>
          %shift_right_logical3A_1305 = arith.shrui %add3A_1299, %shift_right_logical3A_1304 : vector<16xi32>
          %or3A_1306 = arith.ori %shift_left3A_1302, %shift_right_logical3A_1305 : vector<16xi32>
          %xor3A_1307 = arith.xori %or3A_1306, %add3A_1299 : vector<16xi32>
          %add3A_1308 = arith.addi %add3A_1299, %xor3A_1307 : vector<16xi32>
          %shift_left3A_1309 = arith.constant 15 : i32
          %shift_left3A_1310 = vector.broadcast %shift_left3A_1309 : i32 to vector<16xi32>
          %shift_left3A_1311 = arith.shli %xor3A_1307, %shift_left3A_1310 : vector<16xi32>
          %shift_right_logical3A_1312 = arith.constant 17 : i32
          %shift_right_logical3A_1313 = vector.broadcast %shift_right_logical3A_1312 : i32 to vector<16xi32>
          %shift_right_logical3A_1314 = arith.shrui %xor3A_1307, %shift_right_logical3A_1313 : vector<16xi32>
          %or3A_1315 = arith.ori %shift_left3A_1311, %shift_right_logical3A_1314 : vector<16xi32>
          %xor3A_1316 = arith.xori %or3A_1315, %add3A_1308 : vector<16xi32>
          %add3A_1317 = arith.addi %add3A_1308, %xor3A_1316 : vector<16xi32>
          %shift_left3A_1318 = arith.constant 26 : i32
          %shift_left3A_1319 = vector.broadcast %shift_left3A_1318 : i32 to vector<16xi32>
          %shift_left3A_1320 = arith.shli %xor3A_1316, %shift_left3A_1319 : vector<16xi32>
          %shift_right_logical3A_1321 = arith.constant 6 : i32
          %shift_right_logical3A_1322 = vector.broadcast %shift_right_logical3A_1321 : i32 to vector<16xi32>
          %shift_right_logical3A_1323 = arith.shrui %xor3A_1316, %shift_right_logical3A_1322 : vector<16xi32>
          %or3A_1324 = arith.ori %shift_left3A_1320, %shift_right_logical3A_1323 : vector<16xi32>
          %xor3A_1325 = arith.xori %or3A_1324, %add3A_1317 : vector<16xi32>
          %add3A_1326 = arith.addi %add3A_1317, %xor3A_1325 : vector<16xi32>
          %shift_left3A_1327 = arith.constant 6 : i32
          %shift_left3A_1328 = vector.broadcast %shift_left3A_1327 : i32 to vector<16xi32>
          %shift_left3A_1329 = arith.shli %xor3A_1325, %shift_left3A_1328 : vector<16xi32>
          %shift_right_logical3A_1330 = arith.constant 26 : i32
          %shift_right_logical3A_1331 = vector.broadcast %shift_right_logical3A_1330 : i32 to vector<16xi32>
          %shift_right_logical3A_1332 = arith.shrui %xor3A_1325, %shift_right_logical3A_1331 : vector<16xi32>
          %or3A_1333 = arith.ori %shift_left3A_1329, %shift_right_logical3A_1332 : vector<16xi32>
          %xor3A_1334 = arith.xori %or3A_1333, %add3A_1326 : vector<16xi32>
          %add3A_1335 = arith.constant 466688987 : i32
          %add3A_1336 = vector.broadcast %add3A_1335 : i32 to vector<16xi32>
          %add3A_1337 = arith.addi %xor3A_1334, %add3A_1336 : vector<16xi32>
          %add3A_1338 = arith.addi %add3A_1326, %add3A_1337 : vector<16xi32>
          %shift_left3A_1339 = arith.constant 17 : i32
          %shift_left3A_1340 = vector.broadcast %shift_left3A_1339 : i32 to vector<16xi32>
          %shift_left3A_1341 = arith.shli %add3A_1337, %shift_left3A_1340 : vector<16xi32>
          %shift_right_logical3A_1342 = arith.constant 15 : i32
          %shift_right_logical3A_1343 = vector.broadcast %shift_right_logical3A_1342 : i32 to vector<16xi32>
          %shift_right_logical3A_1344 = arith.shrui %add3A_1337, %shift_right_logical3A_1343 : vector<16xi32>
          %or3A_1345 = arith.ori %shift_left3A_1341, %shift_right_logical3A_1344 : vector<16xi32>
          %xor3A_1346 = arith.xori %or3A_1345, %add3A_1338 : vector<16xi32>
          %add3A_1347 = arith.addi %add3A_1338, %xor3A_1346 : vector<16xi32>
          %shift_left3A_1348 = arith.constant 29 : i32
          %shift_left3A_1349 = vector.broadcast %shift_left3A_1348 : i32 to vector<16xi32>
          %shift_left3A_1350 = arith.shli %xor3A_1346, %shift_left3A_1349 : vector<16xi32>
          %shift_right_logical3A_1351 = arith.constant 3 : i32
          %shift_right_logical3A_1352 = vector.broadcast %shift_right_logical3A_1351 : i32 to vector<16xi32>
          %shift_right_logical3A_1353 = arith.shrui %xor3A_1346, %shift_right_logical3A_1352 : vector<16xi32>
          %or3A_1354 = arith.ori %shift_left3A_1350, %shift_right_logical3A_1353 : vector<16xi32>
          %xor3A_1355 = arith.xori %or3A_1354, %add3A_1347 : vector<16xi32>
          %add3A_1356 = arith.addi %add3A_1347, %xor3A_1355 : vector<16xi32>
          %shift_left3A_1357 = arith.constant 16 : i32
          %shift_left3A_1358 = vector.broadcast %shift_left3A_1357 : i32 to vector<16xi32>
          %shift_left3A_1359 = arith.shli %xor3A_1355, %shift_left3A_1358 : vector<16xi32>
          %shift_right_logical3A_1360 = arith.constant 16 : i32
          %shift_right_logical3A_1361 = vector.broadcast %shift_right_logical3A_1360 : i32 to vector<16xi32>
          %shift_right_logical3A_1362 = arith.shrui %xor3A_1355, %shift_right_logical3A_1361 : vector<16xi32>
          %or3A_1363 = arith.ori %shift_left3A_1359, %shift_right_logical3A_1362 : vector<16xi32>
          %xor3A_1364 = arith.xori %or3A_1363, %add3A_1356 : vector<16xi32>
          %add3A_1365 = arith.addi %add3A_1356, %xor3A_1364 : vector<16xi32>
          %shift_left3A_1366 = arith.constant 24 : i32
          %shift_left3A_1367 = vector.broadcast %shift_left3A_1366 : i32 to vector<16xi32>
          %shift_left3A_1368 = arith.shli %xor3A_1364, %shift_left3A_1367 : vector<16xi32>
          %shift_right_logical3A_1369 = arith.constant 8 : i32
          %shift_right_logical3A_1370 = vector.broadcast %shift_right_logical3A_1369 : i32 to vector<16xi32>
          %shift_right_logical3A_1371 = arith.shrui %xor3A_1364, %shift_right_logical3A_1370 : vector<16xi32>
          %or3A_1372 = arith.ori %shift_left3A_1368, %shift_right_logical3A_1371 : vector<16xi32>
          %xor3A_1373 = arith.xori %or3A_1372, %add3A_1365 : vector<16xi32>
          %add3A_1374 = arith.constant 466688986 : i32
          %add3A_1375 = vector.broadcast %add3A_1374 : i32 to vector<16xi32>
          %add3A_1376 = arith.addi %add3A_1365, %add3A_1375 : vector<16xi32>
          %add3A_1377 = arith.constant 2 : i32
          %add3A_1378 = vector.broadcast %add3A_1377 : i32 to vector<16xi32>
          %add3A_1379 = arith.addi %xor3A_1373, %add3A_1378 : vector<16xi32>
          %add3A_1380 = arith.addi %add3A_1376, %add3A_1379 : vector<16xi32>
          %shift_left3A_1381 = arith.constant 13 : i32
          %shift_left3A_1382 = vector.broadcast %shift_left3A_1381 : i32 to vector<16xi32>
          %shift_left3A_1383 = arith.shli %add3A_1379, %shift_left3A_1382 : vector<16xi32>
          %shift_right_logical3A_1384 = arith.constant 19 : i32
          %shift_right_logical3A_1385 = vector.broadcast %shift_right_logical3A_1384 : i32 to vector<16xi32>
          %shift_right_logical3A_1386 = arith.shrui %add3A_1379, %shift_right_logical3A_1385 : vector<16xi32>
          %or3A_1387 = arith.ori %shift_left3A_1383, %shift_right_logical3A_1386 : vector<16xi32>
          %xor3A_1388 = arith.xori %or3A_1387, %add3A_1380 : vector<16xi32>
          %add3A_1389 = arith.addi %add3A_1380, %xor3A_1388 : vector<16xi32>
          %shift_left3A_1390 = arith.constant 15 : i32
          %shift_left3A_1391 = vector.broadcast %shift_left3A_1390 : i32 to vector<16xi32>
          %shift_left3A_1392 = arith.shli %xor3A_1388, %shift_left3A_1391 : vector<16xi32>
          %shift_right_logical3A_1393 = arith.constant 17 : i32
          %shift_right_logical3A_1394 = vector.broadcast %shift_right_logical3A_1393 : i32 to vector<16xi32>
          %shift_right_logical3A_1395 = arith.shrui %xor3A_1388, %shift_right_logical3A_1394 : vector<16xi32>
          %or3A_1396 = arith.ori %shift_left3A_1392, %shift_right_logical3A_1395 : vector<16xi32>
          %xor3A_1397 = arith.xori %or3A_1396, %add3A_1389 : vector<16xi32>
          %add3A_1398 = arith.addi %add3A_1389, %xor3A_1397 : vector<16xi32>
          %shift_left3A_1399 = arith.constant 26 : i32
          %shift_left3A_1400 = vector.broadcast %shift_left3A_1399 : i32 to vector<16xi32>
          %shift_left3A_1401 = arith.shli %xor3A_1397, %shift_left3A_1400 : vector<16xi32>
          %shift_right_logical3A_1402 = arith.constant 6 : i32
          %shift_right_logical3A_1403 = vector.broadcast %shift_right_logical3A_1402 : i32 to vector<16xi32>
          %shift_right_logical3A_1404 = arith.shrui %xor3A_1397, %shift_right_logical3A_1403 : vector<16xi32>
          %or3A_1405 = arith.ori %shift_left3A_1401, %shift_right_logical3A_1404 : vector<16xi32>
          %xor3A_1406 = arith.xori %or3A_1405, %add3A_1398 : vector<16xi32>
          %add3A_1407 = arith.addi %add3A_1398, %xor3A_1406 : vector<16xi32>
          %shift_left3A_1408 = arith.constant 6 : i32
          %shift_left3A_1409 = vector.broadcast %shift_left3A_1408 : i32 to vector<16xi32>
          %shift_left3A_1410 = arith.shli %xor3A_1406, %shift_left3A_1409 : vector<16xi32>
          %shift_right_logical3A_1411 = arith.constant 26 : i32
          %shift_right_logical3A_1412 = vector.broadcast %shift_right_logical3A_1411 : i32 to vector<16xi32>
          %shift_right_logical3A_1413 = arith.shrui %xor3A_1406, %shift_right_logical3A_1412 : vector<16xi32>
          %or3A_1414 = arith.ori %shift_left3A_1410, %shift_right_logical3A_1413 : vector<16xi32>
          %xor3A_1415 = arith.xori %or3A_1414, %add3A_1407 : vector<16xi32>
          %add3A_1416 = arith.constant 3 : i32
          %add3A_1417 = vector.broadcast %add3A_1416 : i32 to vector<16xi32>
          %add3A_1418 = arith.addi %xor3A_1415, %add3A_1417 : vector<16xi32>
          %add3A_1419 = arith.addi %add3A_1407, %add3A_1418 : vector<16xi32>
          %shift_left3A_1420 = arith.constant 17 : i32
          %shift_left3A_1421 = vector.broadcast %shift_left3A_1420 : i32 to vector<16xi32>
          %shift_left3A_1422 = arith.shli %add3A_1418, %shift_left3A_1421 : vector<16xi32>
          %shift_right_logical3A_1423 = arith.constant 15 : i32
          %shift_right_logical3A_1424 = vector.broadcast %shift_right_logical3A_1423 : i32 to vector<16xi32>
          %shift_right_logical3A_1425 = arith.shrui %add3A_1418, %shift_right_logical3A_1424 : vector<16xi32>
          %or3A_1426 = arith.ori %shift_left3A_1422, %shift_right_logical3A_1425 : vector<16xi32>
          %xor3A_1427 = arith.xori %or3A_1426, %add3A_1419 : vector<16xi32>
          %add3A_1428 = arith.addi %add3A_1419, %xor3A_1427 : vector<16xi32>
          %shift_left3A_1429 = arith.constant 29 : i32
          %shift_left3A_1430 = vector.broadcast %shift_left3A_1429 : i32 to vector<16xi32>
          %shift_left3A_1431 = arith.shli %xor3A_1427, %shift_left3A_1430 : vector<16xi32>
          %shift_right_logical3A_1432 = arith.constant 3 : i32
          %shift_right_logical3A_1433 = vector.broadcast %shift_right_logical3A_1432 : i32 to vector<16xi32>
          %shift_right_logical3A_1434 = arith.shrui %xor3A_1427, %shift_right_logical3A_1433 : vector<16xi32>
          %or3A_1435 = arith.ori %shift_left3A_1431, %shift_right_logical3A_1434 : vector<16xi32>
          %xor3A_1436 = arith.xori %or3A_1435, %add3A_1428 : vector<16xi32>
          %add3A_1437 = arith.addi %add3A_1428, %xor3A_1436 : vector<16xi32>
          %shift_left3A_1438 = arith.constant 16 : i32
          %shift_left3A_1439 = vector.broadcast %shift_left3A_1438 : i32 to vector<16xi32>
          %shift_left3A_1440 = arith.shli %xor3A_1436, %shift_left3A_1439 : vector<16xi32>
          %shift_right_logical3A_1441 = arith.constant 16 : i32
          %shift_right_logical3A_1442 = vector.broadcast %shift_right_logical3A_1441 : i32 to vector<16xi32>
          %shift_right_logical3A_1443 = arith.shrui %xor3A_1436, %shift_right_logical3A_1442 : vector<16xi32>
          %or3A_1444 = arith.ori %shift_left3A_1440, %shift_right_logical3A_1443 : vector<16xi32>
          %xor3A_1445 = arith.xori %or3A_1444, %add3A_1437 : vector<16xi32>
          %add3A_1446 = arith.addi %add3A_1437, %xor3A_1445 : vector<16xi32>
          %shift_left3A_1447 = arith.constant 24 : i32
          %shift_left3A_1448 = vector.broadcast %shift_left3A_1447 : i32 to vector<16xi32>
          %shift_left3A_1449 = arith.shli %xor3A_1445, %shift_left3A_1448 : vector<16xi32>
          %shift_right_logical3A_1450 = arith.constant 8 : i32
          %shift_right_logical3A_1451 = vector.broadcast %shift_right_logical3A_1450 : i32 to vector<16xi32>
          %shift_right_logical3A_1452 = arith.shrui %xor3A_1445, %shift_right_logical3A_1451 : vector<16xi32>
          %or3A_1453 = arith.ori %shift_left3A_1449, %shift_right_logical3A_1452 : vector<16xi32>
          %xor3A_1454 = arith.xori %or3A_1453, %add3A_1446 : vector<16xi32>
          %add3A_1455 = arith.constant 466688990 : i32
          %add3A_1456 = vector.broadcast %add3A_1455 : i32 to vector<16xi32>
          %add3A_1457 = arith.addi %xor3A_1454, %add3A_1456 : vector<16xi32>
          %add3A_1458 = arith.addi %add3A_1446, %add3A_1457 : vector<16xi32>
          %shift_left3A_1459 = arith.constant 13 : i32
          %shift_left3A_1460 = vector.broadcast %shift_left3A_1459 : i32 to vector<16xi32>
          %shift_left3A_1461 = arith.shli %add3A_1457, %shift_left3A_1460 : vector<16xi32>
          %shift_right_logical3A_1462 = arith.constant 19 : i32
          %shift_right_logical3A_1463 = vector.broadcast %shift_right_logical3A_1462 : i32 to vector<16xi32>
          %shift_right_logical3A_1464 = arith.shrui %add3A_1457, %shift_right_logical3A_1463 : vector<16xi32>
          %or3A_1465 = arith.ori %shift_left3A_1461, %shift_right_logical3A_1464 : vector<16xi32>
          %xor3A_1466 = arith.xori %or3A_1465, %add3A_1458 : vector<16xi32>
          %add3A_1467 = arith.addi %add3A_1458, %xor3A_1466 : vector<16xi32>
          %shift_left3A_1468 = arith.constant 15 : i32
          %shift_left3A_1469 = vector.broadcast %shift_left3A_1468 : i32 to vector<16xi32>
          %shift_left3A_1470 = arith.shli %xor3A_1466, %shift_left3A_1469 : vector<16xi32>
          %shift_right_logical3A_1471 = arith.constant 17 : i32
          %shift_right_logical3A_1472 = vector.broadcast %shift_right_logical3A_1471 : i32 to vector<16xi32>
          %shift_right_logical3A_1473 = arith.shrui %xor3A_1466, %shift_right_logical3A_1472 : vector<16xi32>
          %or3A_1474 = arith.ori %shift_left3A_1470, %shift_right_logical3A_1473 : vector<16xi32>
          %xor3A_1475 = arith.xori %or3A_1474, %add3A_1467 : vector<16xi32>
          %add3A_1476 = arith.addi %add3A_1467, %xor3A_1475 : vector<16xi32>
          %shift_left3A_1477 = arith.constant 26 : i32
          %shift_left3A_1478 = vector.broadcast %shift_left3A_1477 : i32 to vector<16xi32>
          %shift_left3A_1479 = arith.shli %xor3A_1475, %shift_left3A_1478 : vector<16xi32>
          %shift_right_logical3A_1480 = arith.constant 6 : i32
          %shift_right_logical3A_1481 = vector.broadcast %shift_right_logical3A_1480 : i32 to vector<16xi32>
          %shift_right_logical3A_1482 = arith.shrui %xor3A_1475, %shift_right_logical3A_1481 : vector<16xi32>
          %or3A_1483 = arith.ori %shift_left3A_1479, %shift_right_logical3A_1482 : vector<16xi32>
          %xor3A_1484 = arith.xori %or3A_1483, %add3A_1476 : vector<16xi32>
          %add3A_1485 = arith.addi %add3A_1476, %xor3A_1484 : vector<16xi32>
          %shift_left3A_1486 = arith.constant 6 : i32
          %shift_left3A_1487 = vector.broadcast %shift_left3A_1486 : i32 to vector<16xi32>
          %shift_left3A_1488 = arith.shli %xor3A_1484, %shift_left3A_1487 : vector<16xi32>
          %shift_right_logical3A_1489 = arith.constant 26 : i32
          %shift_right_logical3A_1490 = vector.broadcast %shift_right_logical3A_1489 : i32 to vector<16xi32>
          %shift_right_logical3A_1491 = arith.shrui %xor3A_1484, %shift_right_logical3A_1490 : vector<16xi32>
          %or3A_1492 = arith.ori %shift_left3A_1488, %shift_right_logical3A_1491 : vector<16xi32>
          %xor3A_1493 = arith.xori %or3A_1492, %add3A_1485 : vector<16xi32>
          %add3A_1494 = arith.constant 466688986 : i32
          %add3A_1495 = vector.broadcast %add3A_1494 : i32 to vector<16xi32>
          %add3A_1496 = arith.addi %add3A_1485, %add3A_1495 : vector<16xi32>
          %add3A_1497 = arith.constant 5 : i32
          %add3A_1498 = vector.broadcast %add3A_1497 : i32 to vector<16xi32>
          %add3A_1499 = arith.addi %xor3A_1493, %add3A_1498 : vector<16xi32>
          %xor3A_1500 = arith.xori %add3A_1496, %add3A_1499 : vector<16xi32>
          %swap3A_1501 = arith.index_cast %add3A_1296 : i32 to index
          %swap3A_1502 = tpu.vector_load %arg3[%swap3A_1501] {strides = array<i32>} : memref<16384xi32, #tpu.memory_space<vmem>>, vector<16xi32>,
          %swap3A_1503 = vector.shape_cast %swap3A_1502 : vector<16xi32> to vector<16xi32>
          %swap3A_1504 = vector.shape_cast %xor3A_1500 : vector<16xi32> to vector<16xi32>
          tpu.vector_store %arg3[%swap3A_1501], %swap3A_1504 {strides = array<i32>} : memref<16384xi32, #tpu.memory_space<vmem>>, vector<16xi32>,
          %add3A_1505 = arith.constant 112 : i32
          %add3A_1506 = arith.addi %mul3A_39, %add3A_1505 : i32
          %add3A_1507 = arith.addi %add3A_25, %add3A_1506 : i32
          %add3A_1508 = vector.broadcast %add3A_1507 : i32 to vector<16xi32>
          %add3A_1509 = arith.addi %iota3A, %add3A_1508 : vector<16xi32>
          %shift_left3A_1510 = arith.constant 13 : i32
          %shift_left3A_1511 = vector.broadcast %shift_left3A_1510 : i32 to vector<16xi32>
          %shift_left3A_1512 = arith.shli %add3A_1509, %shift_left3A_1511 : vector<16xi32>
          %shift_right_logical3A_1513 = arith.constant 19 : i32
          %shift_right_logical3A_1514 = vector.broadcast %shift_right_logical3A_1513 : i32 to vector<16xi32>
          %shift_right_logical3A_1515 = arith.shrui %add3A_1509, %shift_right_logical3A_1514 : vector<16xi32>
          %or3A_1516 = arith.ori %shift_left3A_1512, %shift_right_logical3A_1515 : vector<16xi32>
          %xor3A_1517 = arith.xori %or3A_1516, %add3A_1509 : vector<16xi32>
          %add3A_1518 = arith.addi %add3A_1509, %xor3A_1517 : vector<16xi32>
          %shift_left3A_1519 = arith.constant 15 : i32
          %shift_left3A_1520 = vector.broadcast %shift_left3A_1519 : i32 to vector<16xi32>
          %shift_left3A_1521 = arith.shli %xor3A_1517, %shift_left3A_1520 : vector<16xi32>
          %shift_right_logical3A_1522 = arith.constant 17 : i32
          %shift_right_logical3A_1523 = vector.broadcast %shift_right_logical3A_1522 : i32 to vector<16xi32>
          %shift_right_logical3A_1524 = arith.shrui %xor3A_1517, %shift_right_logical3A_1523 : vector<16xi32>
          %or3A_1525 = arith.ori %shift_left3A_1521, %shift_right_logical3A_1524 : vector<16xi32>
          %xor3A_1526 = arith.xori %or3A_1525, %add3A_1518 : vector<16xi32>
          %add3A_1527 = arith.addi %add3A_1518, %xor3A_1526 : vector<16xi32>
          %shift_left3A_1528 = arith.constant 26 : i32
          %shift_left3A_1529 = vector.broadcast %shift_left3A_1528 : i32 to vector<16xi32>
          %shift_left3A_1530 = arith.shli %xor3A_1526, %shift_left3A_1529 : vector<16xi32>
          %shift_right_logical3A_1531 = arith.constant 6 : i32
          %shift_right_logical3A_1532 = vector.broadcast %shift_right_logical3A_1531 : i32 to vector<16xi32>
          %shift_right_logical3A_1533 = arith.shrui %xor3A_1526, %shift_right_logical3A_1532 : vector<16xi32>
          %or3A_1534 = arith.ori %shift_left3A_1530, %shift_right_logical3A_1533 : vector<16xi32>
          %xor3A_1535 = arith.xori %or3A_1534, %add3A_1527 : vector<16xi32>
          %add3A_1536 = arith.addi %add3A_1527, %xor3A_1535 : vector<16xi32>
          %shift_left3A_1537 = arith.constant 6 : i32
          %shift_left3A_1538 = vector.broadcast %shift_left3A_1537 : i32 to vector<16xi32>
          %shift_left3A_1539 = arith.shli %xor3A_1535, %shift_left3A_1538 : vector<16xi32>
          %shift_right_logical3A_1540 = arith.constant 26 : i32
          %shift_right_logical3A_1541 = vector.broadcast %shift_right_logical3A_1540 : i32 to vector<16xi32>
          %shift_right_logical3A_1542 = arith.shrui %xor3A_1535, %shift_right_logical3A_1541 : vector<16xi32>
          %or3A_1543 = arith.ori %shift_left3A_1539, %shift_right_logical3A_1542 : vector<16xi32>
          %xor3A_1544 = arith.xori %or3A_1543, %add3A_1536 : vector<16xi32>
          %add3A_1545 = arith.constant 466688987 : i32
          %add3A_1546 = vector.broadcast %add3A_1545 : i32 to vector<16xi32>
          %add3A_1547 = arith.addi %xor3A_1544, %add3A_1546 : vector<16xi32>
          %add3A_1548 = arith.addi %add3A_1536, %add3A_1547 : vector<16xi32>
          %shift_left3A_1549 = arith.constant 17 : i32
          %shift_left3A_1550 = vector.broadcast %shift_left3A_1549 : i32 to vector<16xi32>
          %shift_left3A_1551 = arith.shli %add3A_1547, %shift_left3A_1550 : vector<16xi32>
          %shift_right_logical3A_1552 = arith.constant 15 : i32
          %shift_right_logical3A_1553 = vector.broadcast %shift_right_logical3A_1552 : i32 to vector<16xi32>
          %shift_right_logical3A_1554 = arith.shrui %add3A_1547, %shift_right_logical3A_1553 : vector<16xi32>
          %or3A_1555 = arith.ori %shift_left3A_1551, %shift_right_logical3A_1554 : vector<16xi32>
          %xor3A_1556 = arith.xori %or3A_1555, %add3A_1548 : vector<16xi32>
          %add3A_1557 = arith.addi %add3A_1548, %xor3A_1556 : vector<16xi32>
          %shift_left3A_1558 = arith.constant 29 : i32
          %shift_left3A_1559 = vector.broadcast %shift_left3A_1558 : i32 to vector<16xi32>
          %shift_left3A_1560 = arith.shli %xor3A_1556, %shift_left3A_1559 : vector<16xi32>
          %shift_right_logical3A_1561 = arith.constant 3 : i32
          %shift_right_logical3A_1562 = vector.broadcast %shift_right_logical3A_1561 : i32 to vector<16xi32>
          %shift_right_logical3A_1563 = arith.shrui %xor3A_1556, %shift_right_logical3A_1562 : vector<16xi32>
          %or3A_1564 = arith.ori %shift_left3A_1560, %shift_right_logical3A_1563 : vector<16xi32>
          %xor3A_1565 = arith.xori %or3A_1564, %add3A_1557 : vector<16xi32>
          %add3A_1566 = arith.addi %add3A_1557, %xor3A_1565 : vector<16xi32>
          %shift_left3A_1567 = arith.constant 16 : i32
          %shift_left3A_1568 = vector.broadcast %shift_left3A_1567 : i32 to vector<16xi32>
          %shift_left3A_1569 = arith.shli %xor3A_1565, %shift_left3A_1568 : vector<16xi32>
          %shift_right_logical3A_1570 = arith.constant 16 : i32
          %shift_right_logical3A_1571 = vector.broadcast %shift_right_logical3A_1570 : i32 to vector<16xi32>
          %shift_right_logical3A_1572 = arith.shrui %xor3A_1565, %shift_right_logical3A_1571 : vector<16xi32>
          %or3A_1573 = arith.ori %shift_left3A_1569, %shift_right_logical3A_1572 : vector<16xi32>
          %xor3A_1574 = arith.xori %or3A_1573, %add3A_1566 : vector<16xi32>
          %add3A_1575 = arith.addi %add3A_1566, %xor3A_1574 : vector<16xi32>
          %shift_left3A_1576 = arith.constant 24 : i32
          %shift_left3A_1577 = vector.broadcast %shift_left3A_1576 : i32 to vector<16xi32>
          %shift_left3A_1578 = arith.shli %xor3A_1574, %shift_left3A_1577 : vector<16xi32>
          %shift_right_logical3A_1579 = arith.constant 8 : i32
          %shift_right_logical3A_1580 = vector.broadcast %shift_right_logical3A_1579 : i32 to vector<16xi32>
          %shift_right_logical3A_1581 = arith.shrui %xor3A_1574, %shift_right_logical3A_1580 : vector<16xi32>
          %or3A_1582 = arith.ori %shift_left3A_1578, %shift_right_logical3A_1581 : vector<16xi32>
          %xor3A_1583 = arith.xori %or3A_1582, %add3A_1575 : vector<16xi32>
          %add3A_1584 = arith.constant 466688986 : i32
          %add3A_1585 = vector.broadcast %add3A_1584 : i32 to vector<16xi32>
          %add3A_1586 = arith.addi %add3A_1575, %add3A_1585 : vector<16xi32>
          %add3A_1587 = arith.constant 2 : i32
          %add3A_1588 = vector.broadcast %add3A_1587 : i32 to vector<16xi32>
          %add3A_1589 = arith.addi %xor3A_1583, %add3A_1588 : vector<16xi32>
          %add3A_1590 = arith.addi %add3A_1586, %add3A_1589 : vector<16xi32>
          %shift_left3A_1591 = arith.constant 13 : i32
          %shift_left3A_1592 = vector.broadcast %shift_left3A_1591 : i32 to vector<16xi32>
          %shift_left3A_1593 = arith.shli %add3A_1589, %shift_left3A_1592 : vector<16xi32>
          %shift_right_logical3A_1594 = arith.constant 19 : i32
          %shift_right_logical3A_1595 = vector.broadcast %shift_right_logical3A_1594 : i32 to vector<16xi32>
          %shift_right_logical3A_1596 = arith.shrui %add3A_1589, %shift_right_logical3A_1595 : vector<16xi32>
          %or3A_1597 = arith.ori %shift_left3A_1593, %shift_right_logical3A_1596 : vector<16xi32>
          %xor3A_1598 = arith.xori %or3A_1597, %add3A_1590 : vector<16xi32>
          %add3A_1599 = arith.addi %add3A_1590, %xor3A_1598 : vector<16xi32>
          %shift_left3A_1600 = arith.constant 15 : i32
          %shift_left3A_1601 = vector.broadcast %shift_left3A_1600 : i32 to vector<16xi32>
          %shift_left3A_1602 = arith.shli %xor3A_1598, %shift_left3A_1601 : vector<16xi32>
          %shift_right_logical3A_1603 = arith.constant 17 : i32
          %shift_right_logical3A_1604 = vector.broadcast %shift_right_logical3A_1603 : i32 to vector<16xi32>
          %shift_right_logical3A_1605 = arith.shrui %xor3A_1598, %shift_right_logical3A_1604 : vector<16xi32>
          %or3A_1606 = arith.ori %shift_left3A_1602, %shift_right_logical3A_1605 : vector<16xi32>
          %xor3A_1607 = arith.xori %or3A_1606, %add3A_1599 : vector<16xi32>
          %add3A_1608 = arith.addi %add3A_1599, %xor3A_1607 : vector<16xi32>
          %shift_left3A_1609 = arith.constant 26 : i32
          %shift_left3A_1610 = vector.broadcast %shift_left3A_1609 : i32 to vector<16xi32>
          %shift_left3A_1611 = arith.shli %xor3A_1607, %shift_left3A_1610 : vector<16xi32>
          %shift_right_logical3A_1612 = arith.constant 6 : i32
          %shift_right_logical3A_1613 = vector.broadcast %shift_right_logical3A_1612 : i32 to vector<16xi32>
          %shift_right_logical3A_1614 = arith.shrui %xor3A_1607, %shift_right_logical3A_1613 : vector<16xi32>
          %or3A_1615 = arith.ori %shift_left3A_1611, %shift_right_logical3A_1614 : vector<16xi32>
          %xor3A_1616 = arith.xori %or3A_1615, %add3A_1608 : vector<16xi32>
          %add3A_1617 = arith.addi %add3A_1608, %xor3A_1616 : vector<16xi32>
          %shift_left3A_1618 = arith.constant 6 : i32
          %shift_left3A_1619 = vector.broadcast %shift_left3A_1618 : i32 to vector<16xi32>
          %shift_left3A_1620 = arith.shli %xor3A_1616, %shift_left3A_1619 : vector<16xi32>
          %shift_right_logical3A_1621 = arith.constant 26 : i32
          %shift_right_logical3A_1622 = vector.broadcast %shift_right_logical3A_1621 : i32 to vector<16xi32>
          %shift_right_logical3A_1623 = arith.shrui %xor3A_1616, %shift_right_logical3A_1622 : vector<16xi32>
          %or3A_1624 = arith.ori %shift_left3A_1620, %shift_right_logical3A_1623 : vector<16xi32>
          %xor3A_1625 = arith.xori %or3A_1624, %add3A_1617 : vector<16xi32>
          %add3A_1626 = arith.constant 3 : i32
          %add3A_1627 = vector.broadcast %add3A_1626 : i32 to vector<16xi32>
          %add3A_1628 = arith.addi %xor3A_1625, %add3A_1627 : vector<16xi32>
          %add3A_1629 = arith.addi %add3A_1617, %add3A_1628 : vector<16xi32>
          %shift_left3A_1630 = arith.constant 17 : i32
          %shift_left3A_1631 = vector.broadcast %shift_left3A_1630 : i32 to vector<16xi32>
          %shift_left3A_1632 = arith.shli %add3A_1628, %shift_left3A_1631 : vector<16xi32>
          %shift_right_logical3A_1633 = arith.constant 15 : i32
          %shift_right_logical3A_1634 = vector.broadcast %shift_right_logical3A_1633 : i32 to vector<16xi32>
          %shift_right_logical3A_1635 = arith.shrui %add3A_1628, %shift_right_logical3A_1634 : vector<16xi32>
          %or3A_1636 = arith.ori %shift_left3A_1632, %shift_right_logical3A_1635 : vector<16xi32>
          %xor3A_1637 = arith.xori %or3A_1636, %add3A_1629 : vector<16xi32>
          %add3A_1638 = arith.addi %add3A_1629, %xor3A_1637 : vector<16xi32>
          %shift_left3A_1639 = arith.constant 29 : i32
          %shift_left3A_1640 = vector.broadcast %shift_left3A_1639 : i32 to vector<16xi32>
          %shift_left3A_1641 = arith.shli %xor3A_1637, %shift_left3A_1640 : vector<16xi32>
          %shift_right_logical3A_1642 = arith.constant 3 : i32
          %shift_right_logical3A_1643 = vector.broadcast %shift_right_logical3A_1642 : i32 to vector<16xi32>
          %shift_right_logical3A_1644 = arith.shrui %xor3A_1637, %shift_right_logical3A_1643 : vector<16xi32>
          %or3A_1645 = arith.ori %shift_left3A_1641, %shift_right_logical3A_1644 : vector<16xi32>
          %xor3A_1646 = arith.xori %or3A_1645, %add3A_1638 : vector<16xi32>
          %add3A_1647 = arith.addi %add3A_1638, %xor3A_1646 : vector<16xi32>
          %shift_left3A_1648 = arith.constant 16 : i32
          %shift_left3A_1649 = vector.broadcast %shift_left3A_1648 : i32 to vector<16xi32>
          %shift_left3A_1650 = arith.shli %xor3A_1646, %shift_left3A_1649 : vector<16xi32>
          %shift_right_logical3A_1651 = arith.constant 16 : i32
          %shift_right_logical3A_1652 = vector.broadcast %shift_right_logical3A_1651 : i32 to vector<16xi32>
          %shift_right_logical3A_1653 = arith.shrui %xor3A_1646, %shift_right_logical3A_1652 : vector<16xi32>
          %or3A_1654 = arith.ori %shift_left3A_1650, %shift_right_logical3A_1653 : vector<16xi32>
          %xor3A_1655 = arith.xori %or3A_1654, %add3A_1647 : vector<16xi32>
          %add3A_1656 = arith.addi %add3A_1647, %xor3A_1655 : vector<16xi32>
          %shift_left3A_1657 = arith.constant 24 : i32
          %shift_left3A_1658 = vector.broadcast %shift_left3A_1657 : i32 to vector<16xi32>
          %shift_left3A_1659 = arith.shli %xor3A_1655, %shift_left3A_1658 : vector<16xi32>
          %shift_right_logical3A_1660 = arith.constant 8 : i32
          %shift_right_logical3A_1661 = vector.broadcast %shift_right_logical3A_1660 : i32 to vector<16xi32>
          %shift_right_logical3A_1662 = arith.shrui %xor3A_1655, %shift_right_logical3A_1661 : vector<16xi32>
          %or3A_1663 = arith.ori %shift_left3A_1659, %shift_right_logical3A_1662 : vector<16xi32>
          %xor3A_1664 = arith.xori %or3A_1663, %add3A_1656 : vector<16xi32>
          %add3A_1665 = arith.constant 466688990 : i32
          %add3A_1666 = vector.broadcast %add3A_1665 : i32 to vector<16xi32>
          %add3A_1667 = arith.addi %xor3A_1664, %add3A_1666 : vector<16xi32>
          %add3A_1668 = arith.addi %add3A_1656, %add3A_1667 : vector<16xi32>
          %shift_left3A_1669 = arith.constant 13 : i32
          %shift_left3A_1670 = vector.broadcast %shift_left3A_1669 : i32 to vector<16xi32>
          %shift_left3A_1671 = arith.shli %add3A_1667, %shift_left3A_1670 : vector<16xi32>
          %shift_right_logical3A_1672 = arith.constant 19 : i32
          %shift_right_logical3A_1673 = vector.broadcast %shift_right_logical3A_1672 : i32 to vector<16xi32>
          %shift_right_logical3A_1674 = arith.shrui %add3A_1667, %shift_right_logical3A_1673 : vector<16xi32>
          %or3A_1675 = arith.ori %shift_left3A_1671, %shift_right_logical3A_1674 : vector<16xi32>
          %xor3A_1676 = arith.xori %or3A_1675, %add3A_1668 : vector<16xi32>
          %add3A_1677 = arith.addi %add3A_1668, %xor3A_1676 : vector<16xi32>
          %shift_left3A_1678 = arith.constant 15 : i32
          %shift_left3A_1679 = vector.broadcast %shift_left3A_1678 : i32 to vector<16xi32>
          %shift_left3A_1680 = arith.shli %xor3A_1676, %shift_left3A_1679 : vector<16xi32>
          %shift_right_logical3A_1681 = arith.constant 17 : i32
          %shift_right_logical3A_1682 = vector.broadcast %shift_right_logical3A_1681 : i32 to vector<16xi32>
          %shift_right_logical3A_1683 = arith.shrui %xor3A_1676, %shift_right_logical3A_1682 : vector<16xi32>
          %or3A_1684 = arith.ori %shift_left3A_1680, %shift_right_logical3A_1683 : vector<16xi32>
          %xor3A_1685 = arith.xori %or3A_1684, %add3A_1677 : vector<16xi32>
          %add3A_1686 = arith.addi %add3A_1677, %xor3A_1685 : vector<16xi32>
          %shift_left3A_1687 = arith.constant 26 : i32
          %shift_left3A_1688 = vector.broadcast %shift_left3A_1687 : i32 to vector<16xi32>
          %shift_left3A_1689 = arith.shli %xor3A_1685, %shift_left3A_1688 : vector<16xi32>
          %shift_right_logical3A_1690 = arith.constant 6 : i32
          %shift_right_logical3A_1691 = vector.broadcast %shift_right_logical3A_1690 : i32 to vector<16xi32>
          %shift_right_logical3A_1692 = arith.shrui %xor3A_1685, %shift_right_logical3A_1691 : vector<16xi32>
          %or3A_1693 = arith.ori %shift_left3A_1689, %shift_right_logical3A_1692 : vector<16xi32>
          %xor3A_1694 = arith.xori %or3A_1693, %add3A_1686 : vector<16xi32>
          %add3A_1695 = arith.addi %add3A_1686, %xor3A_1694 : vector<16xi32>
          %shift_left3A_1696 = arith.constant 6 : i32
          %shift_left3A_1697 = vector.broadcast %shift_left3A_1696 : i32 to vector<16xi32>
          %shift_left3A_1698 = arith.shli %xor3A_1694, %shift_left3A_1697 : vector<16xi32>
          %shift_right_logical3A_1699 = arith.constant 26 : i32
          %shift_right_logical3A_1700 = vector.broadcast %shift_right_logical3A_1699 : i32 to vector<16xi32>
          %shift_right_logical3A_1701 = arith.shrui %xor3A_1694, %shift_right_logical3A_1700 : vector<16xi32>
          %or3A_1702 = arith.ori %shift_left3A_1698, %shift_right_logical3A_1701 : vector<16xi32>
          %xor3A_1703 = arith.xori %or3A_1702, %add3A_1695 : vector<16xi32>
          %add3A_1704 = arith.constant 466688986 : i32
          %add3A_1705 = vector.broadcast %add3A_1704 : i32 to vector<16xi32>
          %add3A_1706 = arith.addi %add3A_1695, %add3A_1705 : vector<16xi32>
          %add3A_1707 = arith.constant 5 : i32
          %add3A_1708 = vector.broadcast %add3A_1707 : i32 to vector<16xi32>
          %add3A_1709 = arith.addi %xor3A_1703, %add3A_1708 : vector<16xi32>
          %xor3A_1710 = arith.xori %add3A_1706, %add3A_1709 : vector<16xi32>
          %swap3A_1711 = arith.index_cast %add3A_1506 : i32 to index
          %swap3A_1712 = tpu.vector_load %arg3[%swap3A_1711] {strides = array<i32>} : memref<16384xi32, #tpu.memory_space<vmem>>, vector<16xi32>,
          %swap3A_1713 = vector.shape_cast %swap3A_1712 : vector<16xi32> to vector<16xi32>
          %swap3A_1714 = vector.shape_cast %xor3A_1710 : vector<16xi32> to vector<16xi32>
          tpu.vector_store %arg3[%swap3A_1711], %swap3A_1714 {strides = array<i32>} : memref<16384xi32, #tpu.memory_space<vmem>>, vector<16xi32>,
          %scan3A_1715 = arith.constant 0 : i32
          scf.yield %scan3A_1715 : i32
        }
        %scan3A_32 = arith.constant 128 : i32
        %mul3A_33 = arith.constant 16384 : i32
        %mul3A_34 = arith.muli %scan3A_19, %mul3A_33 : i32
        "tpu.region"() ({
          %run_scoped3A = tpu.sem_alloc : memref<!tpu.dma_semaphore, #tpu.memory_space<semaphore_mem>>
          %dma_start3A = tpu.memref_slice %arg2[%add3A_11, %mul3A_34] : memref<64x294912xi32, #tpu.memory_space<hbm>> -> memref<1x16384xi32, #tpu.memory_space<hbm>>
          %dma_start3A_36 = tpu.memref_squeeze %dma_start3A : memref<1x16384xi32, #tpu.memory_space<hbm>> -> memref<16384xi32, #tpu.memory_space<hbm>>
          %dma_start3A_37 = tpu.memref_slice %arg2[%add3A_11, %mul3A_34] : memref<64x294912xi32, #tpu.memory_space<hbm>> -> memref<1x16384xi32, #tpu.memory_space<hbm>>
          %dma_start3A_38 = tpu.memref_squeeze %dma_start3A_37 : memref<1x16384xi32, #tpu.memory_space<hbm>> -> memref<16384xi32, #tpu.memory_space<hbm>>
          tpu.enqueue_dma source(%arg3 : memref<16384xi32, #tpu.memory_space<vmem>>) target(%dma_start3A_38 : memref<16384xi32, #tpu.memory_space<hbm>>) target_semaphore(%run_scoped3A : memref<!tpu.dma_semaphore, #tpu.memory_space<semaphore_mem>>)
          %dma_wait3A = tpu.memref_slice %arg2[%add3A_11, %mul3A_34] : memref<64x294912xi32, #tpu.memory_space<hbm>> -> memref<1x16384xi32, #tpu.memory_space<hbm>>
          %dma_wait3A_39 = tpu.memref_squeeze %dma_wait3A : memref<1x16384xi32, #tpu.memory_space<hbm>> -> memref<16384xi32, #tpu.memory_space<hbm>>
          %dma_wait3A_40 = tpu.memref_slice %arg2[%add3A_11, %mul3A_34] : memref<64x294912xi32, #tpu.memory_space<hbm>> -> memref<1x16384xi32, #tpu.memory_space<hbm>>
          %dma_wait3A_41 = tpu.memref_squeeze %dma_wait3A_40 : memref<1x16384xi32, #tpu.memory_space<hbm>> -> memref<16384xi32, #tpu.memory_space<hbm>>
          tpu.wait_dma2 semaphore(%run_scoped3A : memref<!tpu.dma_semaphore, #tpu.memory_space<semaphore_mem>>) src(%arg3 : memref<16384xi32, #tpu.memory_space<vmem>>) dst(%dma_wait3A_41 : memref<16384xi32, #tpu.memory_space<hbm>>)
          tpu.yield
        }) : () -> ()
        %scan3A_35 = arith.constant 0 : i32
        scf.yield %scan3A_35 : i32
      }
      %scan3A_18 = arith.constant 18 : i32
      scf.yield %scan3A_17 : i32
    }
    %scan3A_6 = arith.constant 2 : i32
    return
  }
}

module attributes {stable_mosaic.version = 14 : i64} {
  func.func @_body_gen(%arg0: i32, %arg1: memref<64x16384xf32, #tpu.memory_space<vmem>>, %arg2: memref<64x1xf32, #tpu.memory_space<vmem>>, %arg3: memref<64x1xi32, #tpu.memory_space<vmem>>, %arg4: memref<64x1xf32, #tpu.memory_space<vmem>>, %arg5: memref<64x1xi32, #tpu.memory_space<vmem>>) attributes {dimension_semantics = [#tpu.dimension_semantics<arbitrary>], iteration_bounds = array<i64: 44>, scalar_prefetch = 0 : i64, scratch_operands = 2 : i64, tpu.core_type = #tpu.core_type<tc>, window_params = [{transform_indices = @transform_0, window_bounds = array<i64: 64, 16384>}, {pipeline_mode = #tpu.pipeline_mode<synchronous>, transform_indices = @transform_1, window_bounds = array<i64: 64, 1>}, {pipeline_mode = #tpu.pipeline_mode<synchronous>, transform_indices = @transform_2, window_bounds = array<i64: 64, 1>}]} {
    %mul3A = arith.constant 16384 : i32
    %mul3A_0 = arith.muli %arg0, %mul3A : i32
    %add3A = arith.constant 294912 : i32
    %add3A_1 = arith.addi %add3A, %mul3A_0 : i32
    %iota3A = tpu.iota {dimensions = array<i32: 1>} : vector<64x256xi32>
    %iota3A_2 = tpu.iota {dimensions = array<i32: 0>} : vector<64x256xi32>
    %mul3A_3 = arith.constant 1000000 : i32
    %mul3A_4 = vector.broadcast %mul3A_3 : i32 to vector<64x256xi32>
    %mul3A_5 = arith.muli %iota3A_2, %mul3A_4 : vector<64x256xi32>
    %add3A_6 = vector.broadcast %add3A_1 : i32 to vector<64x256xi32>
    %add3A_7 = arith.addi %iota3A, %add3A_6 : vector<64x256xi32>
    %add3A_8 = arith.addi %mul3A_5, %add3A_7 : vector<64x256xi32>
    %add3A_9 = arith.constant 1000000 : i32
    %add3A_10 = vector.broadcast %add3A_9 : i32 to vector<64x256xi32>
    %add3A_11 = arith.addi %mul3A_5, %add3A_10 : vector<64x256xi32>
    %broadcast_in_dim3A = arith.constant 0xFF800000 : f32
    %broadcast_in_dim3A_12 = vector.broadcast %broadcast_in_dim3A : f32 to vector<64x256xf32>
    %broadcast_in_dim3A_13 = arith.constant 0 : i32
    %broadcast_in_dim3A_14 = vector.broadcast %broadcast_in_dim3A_13 : i32 to vector<64x256xi32>
    %scan3A = arith.constant 0 : i32
    %scan3A_15 = arith.constant 64 : i32
    %scan3A_16 = arith.addi %scan3A, %scan3A_15 : i32
    %scan3A_17 = arith.constant 1 : i32
    %scan3A_18:2 = scf.for %scan3A_42 = %scan3A to %scan3A_16 step %scan3A_17 iter_args(%scan3A_43 = %broadcast_in_dim3A_12, %scan3A_44 = %broadcast_in_dim3A_14) -> (vector<64x256xf32>, vector<64x256xi32>)  : i32 {
      %mul3A_45 = arith.constant 256 : i32
      %mul3A_46 = arith.muli %scan3A_42, %mul3A_45 : i32
      %multiple_of3A = tpu.assume_multiple %mul3A_46, 256 : i32
      %get3A = arith.constant 0 : index
      %get3A_47 = arith.index_cast %multiple_of3A : i32 to index
      %get3A_48 = vector.load %arg1[%get3A, %get3A_47] : memref<64x16384xf32, #tpu.memory_space<vmem>>, vector<64x256xf32>
      %mul3A_49 = arith.constant 256 : i32
      %mul3A_50 = arith.muli %scan3A_42, %mul3A_49 : i32
      %add3A_51 = vector.broadcast %mul3A_50 : i32 to vector<64x256xi32>
      %add3A_52 = arith.addi %add3A_8, %add3A_51 : vector<64x256xi32>
      %shift_left3A = arith.constant 13 : i32
      %shift_left3A_53 = vector.broadcast %shift_left3A : i32 to vector<64x256xi32>
      %shift_left3A_54 = arith.shli %add3A_52, %shift_left3A_53 : vector<64x256xi32>
      %shift_right_logical3A = arith.constant 19 : i32
      %shift_right_logical3A_55 = vector.broadcast %shift_right_logical3A : i32 to vector<64x256xi32>
      %shift_right_logical3A_56 = arith.shrui %add3A_52, %shift_right_logical3A_55 : vector<64x256xi32>
      %or3A = arith.ori %shift_left3A_54, %shift_right_logical3A_56 : vector<64x256xi32>
      %xor3A = arith.xori %or3A, %add3A_52 : vector<64x256xi32>
      %add3A_57 = arith.addi %add3A_52, %xor3A : vector<64x256xi32>
      %shift_left3A_58 = arith.constant 15 : i32
      %shift_left3A_59 = vector.broadcast %shift_left3A_58 : i32 to vector<64x256xi32>
      %shift_left3A_60 = arith.shli %xor3A, %shift_left3A_59 : vector<64x256xi32>
      %shift_right_logical3A_61 = arith.constant 17 : i32
      %shift_right_logical3A_62 = vector.broadcast %shift_right_logical3A_61 : i32 to vector<64x256xi32>
      %shift_right_logical3A_63 = arith.shrui %xor3A, %shift_right_logical3A_62 : vector<64x256xi32>
      %or3A_64 = arith.ori %shift_left3A_60, %shift_right_logical3A_63 : vector<64x256xi32>
      %xor3A_65 = arith.xori %or3A_64, %add3A_57 : vector<64x256xi32>
      %add3A_66 = arith.addi %add3A_57, %xor3A_65 : vector<64x256xi32>
      %shift_left3A_67 = arith.constant 26 : i32
      %shift_left3A_68 = vector.broadcast %shift_left3A_67 : i32 to vector<64x256xi32>
      %shift_left3A_69 = arith.shli %xor3A_65, %shift_left3A_68 : vector<64x256xi32>
      %shift_right_logical3A_70 = arith.constant 6 : i32
      %shift_right_logical3A_71 = vector.broadcast %shift_right_logical3A_70 : i32 to vector<64x256xi32>
      %shift_right_logical3A_72 = arith.shrui %xor3A_65, %shift_right_logical3A_71 : vector<64x256xi32>
      %or3A_73 = arith.ori %shift_left3A_69, %shift_right_logical3A_72 : vector<64x256xi32>
      %xor3A_74 = arith.xori %or3A_73, %add3A_66 : vector<64x256xi32>
      %add3A_75 = arith.addi %add3A_66, %xor3A_74 : vector<64x256xi32>
      %shift_left3A_76 = arith.constant 6 : i32
      %shift_left3A_77 = vector.broadcast %shift_left3A_76 : i32 to vector<64x256xi32>
      %shift_left3A_78 = arith.shli %xor3A_74, %shift_left3A_77 : vector<64x256xi32>
      %shift_right_logical3A_79 = arith.constant 26 : i32
      %shift_right_logical3A_80 = vector.broadcast %shift_right_logical3A_79 : i32 to vector<64x256xi32>
      %shift_right_logical3A_81 = arith.shrui %xor3A_74, %shift_right_logical3A_80 : vector<64x256xi32>
      %or3A_82 = arith.ori %shift_left3A_78, %shift_right_logical3A_81 : vector<64x256xi32>
      %xor3A_83 = arith.xori %or3A_82, %add3A_75 : vector<64x256xi32>
      %add3A_84 = arith.constant 466688987 : i32
      %add3A_85 = vector.broadcast %add3A_84 : i32 to vector<64x256xi32>
      %add3A_86 = arith.addi %xor3A_83, %add3A_85 : vector<64x256xi32>
      %add3A_87 = arith.addi %add3A_75, %add3A_86 : vector<64x256xi32>
      %shift_left3A_88 = arith.constant 17 : i32
      %shift_left3A_89 = vector.broadcast %shift_left3A_88 : i32 to vector<64x256xi32>
      %shift_left3A_90 = arith.shli %add3A_86, %shift_left3A_89 : vector<64x256xi32>
      %shift_right_logical3A_91 = arith.constant 15 : i32
      %shift_right_logical3A_92 = vector.broadcast %shift_right_logical3A_91 : i32 to vector<64x256xi32>
      %shift_right_logical3A_93 = arith.shrui %add3A_86, %shift_right_logical3A_92 : vector<64x256xi32>
      %or3A_94 = arith.ori %shift_left3A_90, %shift_right_logical3A_93 : vector<64x256xi32>
      %xor3A_95 = arith.xori %or3A_94, %add3A_87 : vector<64x256xi32>
      %add3A_96 = arith.addi %add3A_87, %xor3A_95 : vector<64x256xi32>
      %shift_left3A_97 = arith.constant 29 : i32
      %shift_left3A_98 = vector.broadcast %shift_left3A_97 : i32 to vector<64x256xi32>
      %shift_left3A_99 = arith.shli %xor3A_95, %shift_left3A_98 : vector<64x256xi32>
      %shift_right_logical3A_100 = arith.constant 3 : i32
      %shift_right_logical3A_101 = vector.broadcast %shift_right_logical3A_100 : i32 to vector<64x256xi32>
      %shift_right_logical3A_102 = arith.shrui %xor3A_95, %shift_right_logical3A_101 : vector<64x256xi32>
      %or3A_103 = arith.ori %shift_left3A_99, %shift_right_logical3A_102 : vector<64x256xi32>
      %xor3A_104 = arith.xori %or3A_103, %add3A_96 : vector<64x256xi32>
      %add3A_105 = arith.addi %add3A_96, %xor3A_104 : vector<64x256xi32>
      %shift_left3A_106 = arith.constant 16 : i32
      %shift_left3A_107 = vector.broadcast %shift_left3A_106 : i32 to vector<64x256xi32>
      %shift_left3A_108 = arith.shli %xor3A_104, %shift_left3A_107 : vector<64x256xi32>
      %shift_right_logical3A_109 = arith.constant 16 : i32
      %shift_right_logical3A_110 = vector.broadcast %shift_right_logical3A_109 : i32 to vector<64x256xi32>
      %shift_right_logical3A_111 = arith.shrui %xor3A_104, %shift_right_logical3A_110 : vector<64x256xi32>
      %or3A_112 = arith.ori %shift_left3A_108, %shift_right_logical3A_111 : vector<64x256xi32>
      %xor3A_113 = arith.xori %or3A_112, %add3A_105 : vector<64x256xi32>
      %add3A_114 = arith.addi %add3A_105, %xor3A_113 : vector<64x256xi32>
      %shift_left3A_115 = arith.constant 24 : i32
      %shift_left3A_116 = vector.broadcast %shift_left3A_115 : i32 to vector<64x256xi32>
      %shift_left3A_117 = arith.shli %xor3A_113, %shift_left3A_116 : vector<64x256xi32>
      %shift_right_logical3A_118 = arith.constant 8 : i32
      %shift_right_logical3A_119 = vector.broadcast %shift_right_logical3A_118 : i32 to vector<64x256xi32>
      %shift_right_logical3A_120 = arith.shrui %xor3A_113, %shift_right_logical3A_119 : vector<64x256xi32>
      %or3A_121 = arith.ori %shift_left3A_117, %shift_right_logical3A_120 : vector<64x256xi32>
      %xor3A_122 = arith.xori %or3A_121, %add3A_114 : vector<64x256xi32>
      %add3A_123 = arith.constant 466688986 : i32
      %add3A_124 = vector.broadcast %add3A_123 : i32 to vector<64x256xi32>
      %add3A_125 = arith.addi %add3A_114, %add3A_124 : vector<64x256xi32>
      %add3A_126 = arith.constant 2 : i32
      %add3A_127 = vector.broadcast %add3A_126 : i32 to vector<64x256xi32>
      %add3A_128 = arith.addi %xor3A_122, %add3A_127 : vector<64x256xi32>
      %add3A_129 = arith.addi %add3A_125, %add3A_128 : vector<64x256xi32>
      %shift_left3A_130 = arith.constant 13 : i32
      %shift_left3A_131 = vector.broadcast %shift_left3A_130 : i32 to vector<64x256xi32>
      %shift_left3A_132 = arith.shli %add3A_128, %shift_left3A_131 : vector<64x256xi32>
      %shift_right_logical3A_133 = arith.constant 19 : i32
      %shift_right_logical3A_134 = vector.broadcast %shift_right_logical3A_133 : i32 to vector<64x256xi32>
      %shift_right_logical3A_135 = arith.shrui %add3A_128, %shift_right_logical3A_134 : vector<64x256xi32>
      %or3A_136 = arith.ori %shift_left3A_132, %shift_right_logical3A_135 : vector<64x256xi32>
      %xor3A_137 = arith.xori %or3A_136, %add3A_129 : vector<64x256xi32>
      %add3A_138 = arith.addi %add3A_129, %xor3A_137 : vector<64x256xi32>
      %shift_left3A_139 = arith.constant 15 : i32
      %shift_left3A_140 = vector.broadcast %shift_left3A_139 : i32 to vector<64x256xi32>
      %shift_left3A_141 = arith.shli %xor3A_137, %shift_left3A_140 : vector<64x256xi32>
      %shift_right_logical3A_142 = arith.constant 17 : i32
      %shift_right_logical3A_143 = vector.broadcast %shift_right_logical3A_142 : i32 to vector<64x256xi32>
      %shift_right_logical3A_144 = arith.shrui %xor3A_137, %shift_right_logical3A_143 : vector<64x256xi32>
      %or3A_145 = arith.ori %shift_left3A_141, %shift_right_logical3A_144 : vector<64x256xi32>
      %xor3A_146 = arith.xori %or3A_145, %add3A_138 : vector<64x256xi32>
      %add3A_147 = arith.addi %add3A_138, %xor3A_146 : vector<64x256xi32>
      %shift_left3A_148 = arith.constant 26 : i32
      %shift_left3A_149 = vector.broadcast %shift_left3A_148 : i32 to vector<64x256xi32>
      %shift_left3A_150 = arith.shli %xor3A_146, %shift_left3A_149 : vector<64x256xi32>
      %shift_right_logical3A_151 = arith.constant 6 : i32
      %shift_right_logical3A_152 = vector.broadcast %shift_right_logical3A_151 : i32 to vector<64x256xi32>
      %shift_right_logical3A_153 = arith.shrui %xor3A_146, %shift_right_logical3A_152 : vector<64x256xi32>
      %or3A_154 = arith.ori %shift_left3A_150, %shift_right_logical3A_153 : vector<64x256xi32>
      %xor3A_155 = arith.xori %or3A_154, %add3A_147 : vector<64x256xi32>
      %add3A_156 = arith.addi %add3A_147, %xor3A_155 : vector<64x256xi32>
      %shift_left3A_157 = arith.constant 6 : i32
      %shift_left3A_158 = vector.broadcast %shift_left3A_157 : i32 to vector<64x256xi32>
      %shift_left3A_159 = arith.shli %xor3A_155, %shift_left3A_158 : vector<64x256xi32>
      %shift_right_logical3A_160 = arith.constant 26 : i32
      %shift_right_logical3A_161 = vector.broadcast %shift_right_logical3A_160 : i32 to vector<64x256xi32>
      %shift_right_logical3A_162 = arith.shrui %xor3A_155, %shift_right_logical3A_161 : vector<64x256xi32>
      %or3A_163 = arith.ori %shift_left3A_159, %shift_right_logical3A_162 : vector<64x256xi32>
      %xor3A_164 = arith.xori %or3A_163, %add3A_156 : vector<64x256xi32>
      %add3A_165 = arith.constant 3 : i32
      %add3A_166 = vector.broadcast %add3A_165 : i32 to vector<64x256xi32>
      %add3A_167 = arith.addi %xor3A_164, %add3A_166 : vector<64x256xi32>
      %add3A_168 = arith.addi %add3A_156, %add3A_167 : vector<64x256xi32>
      %shift_left3A_169 = arith.constant 17 : i32
      %shift_left3A_170 = vector.broadcast %shift_left3A_169 : i32 to vector<64x256xi32>
      %shift_left3A_171 = arith.shli %add3A_167, %shift_left3A_170 : vector<64x256xi32>
      %shift_right_logical3A_172 = arith.constant 15 : i32
      %shift_right_logical3A_173 = vector.broadcast %shift_right_logical3A_172 : i32 to vector<64x256xi32>
      %shift_right_logical3A_174 = arith.shrui %add3A_167, %shift_right_logical3A_173 : vector<64x256xi32>
      %or3A_175 = arith.ori %shift_left3A_171, %shift_right_logical3A_174 : vector<64x256xi32>
      %xor3A_176 = arith.xori %or3A_175, %add3A_168 : vector<64x256xi32>
      %add3A_177 = arith.addi %add3A_168, %xor3A_176 : vector<64x256xi32>
      %shift_left3A_178 = arith.constant 29 : i32
      %shift_left3A_179 = vector.broadcast %shift_left3A_178 : i32 to vector<64x256xi32>
      %shift_left3A_180 = arith.shli %xor3A_176, %shift_left3A_179 : vector<64x256xi32>
      %shift_right_logical3A_181 = arith.constant 3 : i32
      %shift_right_logical3A_182 = vector.broadcast %shift_right_logical3A_181 : i32 to vector<64x256xi32>
      %shift_right_logical3A_183 = arith.shrui %xor3A_176, %shift_right_logical3A_182 : vector<64x256xi32>
      %or3A_184 = arith.ori %shift_left3A_180, %shift_right_logical3A_183 : vector<64x256xi32>
      %xor3A_185 = arith.xori %or3A_184, %add3A_177 : vector<64x256xi32>
      %add3A_186 = arith.addi %add3A_177, %xor3A_185 : vector<64x256xi32>
      %shift_left3A_187 = arith.constant 16 : i32
      %shift_left3A_188 = vector.broadcast %shift_left3A_187 : i32 to vector<64x256xi32>
      %shift_left3A_189 = arith.shli %xor3A_185, %shift_left3A_188 : vector<64x256xi32>
      %shift_right_logical3A_190 = arith.constant 16 : i32
      %shift_right_logical3A_191 = vector.broadcast %shift_right_logical3A_190 : i32 to vector<64x256xi32>
      %shift_right_logical3A_192 = arith.shrui %xor3A_185, %shift_right_logical3A_191 : vector<64x256xi32>
      %or3A_193 = arith.ori %shift_left3A_189, %shift_right_logical3A_192 : vector<64x256xi32>
      %xor3A_194 = arith.xori %or3A_193, %add3A_186 : vector<64x256xi32>
      %add3A_195 = arith.addi %add3A_186, %xor3A_194 : vector<64x256xi32>
      %shift_left3A_196 = arith.constant 24 : i32
      %shift_left3A_197 = vector.broadcast %shift_left3A_196 : i32 to vector<64x256xi32>
      %shift_left3A_198 = arith.shli %xor3A_194, %shift_left3A_197 : vector<64x256xi32>
      %shift_right_logical3A_199 = arith.constant 8 : i32
      %shift_right_logical3A_200 = vector.broadcast %shift_right_logical3A_199 : i32 to vector<64x256xi32>
      %shift_right_logical3A_201 = arith.shrui %xor3A_194, %shift_right_logical3A_200 : vector<64x256xi32>
      %or3A_202 = arith.ori %shift_left3A_198, %shift_right_logical3A_201 : vector<64x256xi32>
      %xor3A_203 = arith.xori %or3A_202, %add3A_195 : vector<64x256xi32>
      %add3A_204 = arith.constant 466688990 : i32
      %add3A_205 = vector.broadcast %add3A_204 : i32 to vector<64x256xi32>
      %add3A_206 = arith.addi %xor3A_203, %add3A_205 : vector<64x256xi32>
      %add3A_207 = arith.addi %add3A_195, %add3A_206 : vector<64x256xi32>
      %shift_left3A_208 = arith.constant 13 : i32
      %shift_left3A_209 = vector.broadcast %shift_left3A_208 : i32 to vector<64x256xi32>
      %shift_left3A_210 = arith.shli %add3A_206, %shift_left3A_209 : vector<64x256xi32>
      %shift_right_logical3A_211 = arith.constant 19 : i32
      %shift_right_logical3A_212 = vector.broadcast %shift_right_logical3A_211 : i32 to vector<64x256xi32>
      %shift_right_logical3A_213 = arith.shrui %add3A_206, %shift_right_logical3A_212 : vector<64x256xi32>
      %or3A_214 = arith.ori %shift_left3A_210, %shift_right_logical3A_213 : vector<64x256xi32>
      %xor3A_215 = arith.xori %or3A_214, %add3A_207 : vector<64x256xi32>
      %add3A_216 = arith.addi %add3A_207, %xor3A_215 : vector<64x256xi32>
      %shift_left3A_217 = arith.constant 15 : i32
      %shift_left3A_218 = vector.broadcast %shift_left3A_217 : i32 to vector<64x256xi32>
      %shift_left3A_219 = arith.shli %xor3A_215, %shift_left3A_218 : vector<64x256xi32>
      %shift_right_logical3A_220 = arith.constant 17 : i32
      %shift_right_logical3A_221 = vector.broadcast %shift_right_logical3A_220 : i32 to vector<64x256xi32>
      %shift_right_logical3A_222 = arith.shrui %xor3A_215, %shift_right_logical3A_221 : vector<64x256xi32>
      %or3A_223 = arith.ori %shift_left3A_219, %shift_right_logical3A_222 : vector<64x256xi32>
      %xor3A_224 = arith.xori %or3A_223, %add3A_216 : vector<64x256xi32>
      %add3A_225 = arith.addi %add3A_216, %xor3A_224 : vector<64x256xi32>
      %shift_left3A_226 = arith.constant 26 : i32
      %shift_left3A_227 = vector.broadcast %shift_left3A_226 : i32 to vector<64x256xi32>
      %shift_left3A_228 = arith.shli %xor3A_224, %shift_left3A_227 : vector<64x256xi32>
      %shift_right_logical3A_229 = arith.constant 6 : i32
      %shift_right_logical3A_230 = vector.broadcast %shift_right_logical3A_229 : i32 to vector<64x256xi32>
      %shift_right_logical3A_231 = arith.shrui %xor3A_224, %shift_right_logical3A_230 : vector<64x256xi32>
      %or3A_232 = arith.ori %shift_left3A_228, %shift_right_logical3A_231 : vector<64x256xi32>
      %xor3A_233 = arith.xori %or3A_232, %add3A_225 : vector<64x256xi32>
      %add3A_234 = arith.addi %add3A_225, %xor3A_233 : vector<64x256xi32>
      %shift_left3A_235 = arith.constant 6 : i32
      %shift_left3A_236 = vector.broadcast %shift_left3A_235 : i32 to vector<64x256xi32>
      %shift_left3A_237 = arith.shli %xor3A_233, %shift_left3A_236 : vector<64x256xi32>
      %shift_right_logical3A_238 = arith.constant 26 : i32
      %shift_right_logical3A_239 = vector.broadcast %shift_right_logical3A_238 : i32 to vector<64x256xi32>
      %shift_right_logical3A_240 = arith.shrui %xor3A_233, %shift_right_logical3A_239 : vector<64x256xi32>
      %or3A_241 = arith.ori %shift_left3A_237, %shift_right_logical3A_240 : vector<64x256xi32>
      %xor3A_242 = arith.xori %or3A_241, %add3A_234 : vector<64x256xi32>
      %add3A_243 = arith.constant 466688986 : i32
      %add3A_244 = vector.broadcast %add3A_243 : i32 to vector<64x256xi32>
      %add3A_245 = arith.addi %add3A_234, %add3A_244 : vector<64x256xi32>
      %add3A_246 = arith.constant 5 : i32
      %add3A_247 = vector.broadcast %add3A_246 : i32 to vector<64x256xi32>
      %add3A_248 = arith.addi %xor3A_242, %add3A_247 : vector<64x256xi32>
      %xor3A_249 = arith.xori %add3A_245, %add3A_248 : vector<64x256xi32>
      %shift_right_logical3A_250 = arith.constant 9 : i32
      %shift_right_logical3A_251 = vector.broadcast %shift_right_logical3A_250 : i32 to vector<64x256xi32>
      %shift_right_logical3A_252 = arith.shrui %xor3A_249, %shift_right_logical3A_251 : vector<64x256xi32>
      %or3A_253 = arith.constant 1065353216 : i32
      %or3A_254 = vector.broadcast %or3A_253 : i32 to vector<64x256xi32>
      %or3A_255 = arith.ori %shift_right_logical3A_252, %or3A_254 : vector<64x256xi32>
      %bitcast_convert_type3A = tpu.bitcast %or3A_255 : vector<64x256xi32> -> vector<64x256xf32>
      %sub3A_256 = arith.constant 1.000000e+00 : f32
      %sub3A_257 = vector.broadcast %sub3A_256 : f32 to vector<64x256xf32>
      %sub3A_258 = arith.subf %bitcast_convert_type3A, %sub3A_257 : vector<64x256xf32>
      %mul3A_259 = arith.constant 1.000000e+00 : f32
      %mul3A_260 = vector.broadcast %mul3A_259 : f32 to vector<64x256xf32>
      %mul3A_261 = arith.mulf %sub3A_258, %mul3A_260 : vector<64x256xf32>
      %add3A_262 = arith.constant 1.17549435E-38 : f32
      %add3A_263 = vector.broadcast %add3A_262 : f32 to vector<64x256xf32>
      %add3A_264 = arith.addf %mul3A_261, %add3A_263 : vector<64x256xf32>
      %max3A = arith.constant 1.17549435E-38 : f32
      %max3A_265 = vector.broadcast %max3A : f32 to vector<64x256xf32>
      %max3A_266 = arith.maximumf %max3A_265, %add3A_264 : vector<64x256xf32>
      %log3A = math.log %max3A_266 : vector<64x256xf32>
      %neg3A = arith.constant 0.000000e+00 : f32
      %neg3A_267 = vector.broadcast %neg3A : f32 to vector<64x256xf32>
      %neg3A_268 = arith.subf %neg3A_267, %log3A : vector<64x256xf32>
      %log3A_269 = math.log %neg3A_268 : vector<64x256xf32>
      %neg3A_270 = arith.constant 0.000000e+00 : f32
      %neg3A_271 = vector.broadcast %neg3A_270 : f32 to vector<64x256xf32>
      %neg3A_272 = arith.subf %neg3A_271, %log3A_269 : vector<64x256xf32>
      %add3A_273 = arith.addf %neg3A_272, %get3A_48 : vector<64x256xf32>
      %gt3A_274 = arith.cmpf ogt, %add3A_273, %scan3A_43 : vector<64x256xf32>
      %lt3A = arith.cmpi slt, %add3A_52, %add3A_11 : vector<64x256xi32>
      %and3A = arith.andi %gt3A_274, %lt3A : vector<64x256xi1>
      %select_n3A_275 = arith.select %and3A, %add3A_273, %scan3A_43 : vector<64x256xi1>, vector<64x256xf32>
      %select_n3A_276 = arith.select %and3A, %add3A_52, %scan3A_44 : vector<64x256xi1>, vector<64x256xi32>
      scf.yield %select_n3A_275, %select_n3A_276 : vector<64x256xf32>, vector<64x256xi32>
    }
    %scan3A_19 = arith.constant 64 : i32
    %reduce_max3A = arith.constant dense<0xFF800000> : vector<64xf32>
    %reduce_max3A_20 = vector.multi_reduction <maximumf>, %scan3A_18#0, %reduce_max3A [1] : vector<64x256xf32> to vector<64xf32>
    %broadcast_in_dim3A_21 = vector.shape_cast %reduce_max3A_20 : vector<64xf32> to vector<64x1xf32>
    %eq3A = vector.broadcast %broadcast_in_dim3A_21 : vector<64x1xf32> to vector<64x256xf32>
    %eq3A_22 = arith.cmpf oeq, %scan3A_18#0, %eq3A : vector<64x256xf32>
    %jit3A = arith.constant 2147483647 : i32
    %broadcast_in_dim3A_23 = vector.broadcast %jit3A : i32 to vector<64x256xi32>
    %select_n3A = arith.select %eq3A_22, %scan3A_18#1, %broadcast_in_dim3A_23 : vector<64x256xi1>, vector<64x256xi32>
    %reduce_min3A = arith.constant dense<2147483647> : vector<64xi32>
    %reduce_min3A_24 = vector.multi_reduction <minsi>, %select_n3A, %reduce_min3A [1] : vector<64x256xi32> to vector<64xi32>
    %broadcast_in_dim3A_25 = vector.shape_cast %reduce_min3A_24 : vector<64xi32> to vector<64x1xi32>
    %iota3A_26 = tpu.iota {dimensions = array<i32: 0>} : vector<64x1xi32>
    %mul3A_27 = arith.constant 1000000 : i32
    %mul3A_28 = vector.broadcast %mul3A_27 : i32 to vector<64x1xi32>
    %mul3A_29 = arith.muli %iota3A_26, %mul3A_28 : vector<64x1xi32>
    %sub3A = arith.subi %broadcast_in_dim3A_25, %mul3A_29 : vector<64x1xi32>
    %eq3A_30 = arith.constant 0 : i32
    %eq3A_31 = arith.cmpi eq, %arg0, %eq3A_30 : i32
    %convert_element_type3A = arith.extui %eq3A_31 : i1 to i32
    %cond3A = arith.constant 0 : i32
    %cond3A_32 = arith.cmpi ne, %convert_element_type3A, %cond3A : i32
    scf.if %cond3A_32 {
      %swap3A = arith.constant 0 : index
      %swap3A_42 = arith.constant 0 : index
      %swap3A_43 = vector.load %arg4[%swap3A, %swap3A_42] : memref<64x1xf32, #tpu.memory_space<vmem>>, vector<64x1xf32>
      tpu.vector_store %arg4[%swap3A, %swap3A_42], %broadcast_in_dim3A_21 {strides = array<i32>} : memref<64x1xf32, #tpu.memory_space<vmem>>, vector<64x1xf32>,
      %swap3A_44 = arith.constant 0 : index
      %swap3A_45 = arith.constant 0 : index
      %swap3A_46 = vector.load %arg5[%swap3A_44, %swap3A_45] : memref<64x1xi32, #tpu.memory_space<vmem>>, vector<64x1xi32>
      tpu.vector_store %arg5[%swap3A_44, %swap3A_45], %sub3A {strides = array<i32>} : memref<64x1xi32, #tpu.memory_space<vmem>>, vector<64x1xi32>,
    } else {
    }
    %gt3A = arith.constant 0 : i32
    %gt3A_33 = arith.cmpi sgt, %arg0, %gt3A : i32
    %convert_element_type3A_34 = arith.extui %gt3A_33 : i1 to i32
    %cond3A_35 = arith.constant 0 : i32
    %cond3A_36 = arith.cmpi ne, %convert_element_type3A_34, %cond3A_35 : i32
    scf.if %cond3A_36 {
      %get3A = arith.constant 0 : index
      %get3A_42 = arith.constant 0 : index
      %get3A_43 = vector.load %arg4[%get3A, %get3A_42] : memref<64x1xf32, #tpu.memory_space<vmem>>, vector<64x1xf32>
      %gt3A_44 = arith.cmpf ogt, %broadcast_in_dim3A_21, %get3A_43 : vector<64x1xf32>
      %get3A_45 = arith.constant 0 : index
      %get3A_46 = arith.constant 0 : index
      %get3A_47 = vector.load %arg4[%get3A_45, %get3A_46] : memref<64x1xf32, #tpu.memory_space<vmem>>, vector<64x1xf32>
      %select_n3A_48 = arith.select %gt3A_44, %broadcast_in_dim3A_21, %get3A_47 : vector<64x1xi1>, vector<64x1xf32>
      %swap3A = arith.constant 0 : index
      %swap3A_49 = arith.constant 0 : index
      %swap3A_50 = vector.load %arg4[%swap3A, %swap3A_49] : memref<64x1xf32, #tpu.memory_space<vmem>>, vector<64x1xf32>
      tpu.vector_store %arg4[%swap3A, %swap3A_49], %select_n3A_48 {strides = array<i32>} : memref<64x1xf32, #tpu.memory_space<vmem>>, vector<64x1xf32>,
      %get3A_51 = arith.constant 0 : index
      %get3A_52 = arith.constant 0 : index
      %get3A_53 = vector.load %arg5[%get3A_51, %get3A_52] : memref<64x1xi32, #tpu.memory_space<vmem>>, vector<64x1xi32>
      %select_n3A_54 = arith.select %gt3A_44, %sub3A, %get3A_53 : vector<64x1xi1>, vector<64x1xi32>
      %swap3A_55 = arith.constant 0 : index
      %swap3A_56 = arith.constant 0 : index
      %swap3A_57 = vector.load %arg5[%swap3A_55, %swap3A_56] : memref<64x1xi32, #tpu.memory_space<vmem>>, vector<64x1xi32>
      tpu.vector_store %arg5[%swap3A_55, %swap3A_56], %select_n3A_54 {strides = array<i32>} : memref<64x1xi32, #tpu.memory_space<vmem>>, vector<64x1xi32>,
    } else {
    }
    %eq3A_37 = arith.constant 43 : i32
    %eq3A_38 = arith.cmpi eq, %arg0, %eq3A_37 : i32
    %convert_element_type3A_39 = arith.extui %eq3A_38 : i1 to i32
    %cond3A_40 = arith.constant 0 : i32
    %cond3A_41 = arith.cmpi ne, %convert_element_type3A_39, %cond3A_40 : i32
    scf.if %cond3A_41 {
      %get3A = arith.constant 0 : index
      %get3A_42 = arith.constant 0 : index
      %get3A_43 = vector.load %arg4[%get3A, %get3A_42] : memref<64x1xf32, #tpu.memory_space<vmem>>, vector<64x1xf32>
      %swap3A = arith.constant 0 : index
      %swap3A_44 = arith.constant 0 : index
      %swap3A_45 = vector.load %arg2[%swap3A, %swap3A_44] : memref<64x1xf32, #tpu.memory_space<vmem>>, vector<64x1xf32>
      tpu.vector_store %arg2[%swap3A, %swap3A_44], %get3A_43 {strides = array<i32>} : memref<64x1xf32, #tpu.memory_space<vmem>>, vector<64x1xf32>,
      %get3A_46 = arith.constant 0 : index
      %get3A_47 = arith.constant 0 : index
      %get3A_48 = vector.load %arg5[%get3A_46, %get3A_47] : memref<64x1xi32, #tpu.memory_space<vmem>>, vector<64x1xi32>
      %swap3A_49 = arith.constant 0 : index
      %swap3A_50 = arith.constant 0 : index
      %swap3A_51 = vector.load %arg3[%swap3A_49, %swap3A_50] : memref<64x1xi32, #tpu.memory_space<vmem>>, vector<64x1xi32>
      tpu.vector_store %arg3[%swap3A_49, %swap3A_50], %get3A_48 {strides = array<i32>} : memref<64x1xi32, #tpu.memory_space<vmem>>, vector<64x1xi32>,
    } else {
    }
    return
  }
  func.func @transform_0(%arg0: i32) -> (i32, i32) {
    %add3A = arith.constant 18 : i32
    %add3A_0 = arith.addi %arg0, %add3A : i32
    %c0_i32 = arith.constant 0 : i32
    %c0_i32_1 = arith.constant 0 : i32
    return %c0_i32, %add3A_0 : i32, i32
  }
  func.func @transform_1(%arg0: i32) -> (i32, i32) {
    %c0_i32 = arith.constant 0 : i32
    %c0_i32_0 = arith.constant 0 : i32
    %c0_i32_1 = arith.constant 0 : i32
    return %c0_i32, %c0_i32_0 : i32, i32
  }
  func.func @transform_2(%arg0: i32) -> (i32, i32) {
    %c0_i32 = arith.constant 0 : i32
    %c0_i32_0 = arith.constant 0 : i32
    %c0_i32_1 = arith.constant 0 : i32
    return %c0_i32, %c0_i32_0 : i32, i32
  }
}

module attributes {stable_mosaic.version = 14 : i64} {
  func.func @_body_bits(%arg0: i32, %arg1: memref<64x16384xf32, #tpu.memory_space<vmem>>, %arg2: memref<64x16384xi32, #tpu.memory_space<vmem>>, %arg3: memref<64x1xf32, #tpu.memory_space<vmem>>, %arg4: memref<64x1xi32, #tpu.memory_space<vmem>>, %arg5: memref<64x1xi32, #tpu.memory_space<vmem>>, %arg6: memref<64x1xf32, #tpu.memory_space<vmem>>, %arg7: memref<64x1xi32, #tpu.memory_space<vmem>>) attributes {dimension_semantics = [#tpu.dimension_semantics<arbitrary>], iteration_bounds = array<i64: 18>, scalar_prefetch = 0 : i64, scratch_operands = 2 : i64, tpu.core_type = #tpu.core_type<tc>, window_params = [{transform_indices = @transform_0, window_bounds = array<i64: 64, 16384>}, {transform_indices = @transform_1, window_bounds = array<i64: 64, 16384>}, {pipeline_mode = #tpu.pipeline_mode<synchronous>, transform_indices = @transform_2, window_bounds = array<i64: 64, 1>}, {pipeline_mode = #tpu.pipeline_mode<synchronous>, transform_indices = @transform_3, window_bounds = array<i64: 64, 1>}, {pipeline_mode = #tpu.pipeline_mode<synchronous>, transform_indices = @transform_4, window_bounds = array<i64: 64, 1>}]} {
    %mul3A = arith.constant 16384 : i32
    %mul3A_0 = arith.muli %arg0, %mul3A : i32
    %iota3A = tpu.iota {dimensions = array<i32: 1>} : vector<64x256xi32>
    %iota3A_1 = tpu.iota {dimensions = array<i32: 0>} : vector<64x256xi32>
    %mul3A_2 = arith.constant 1000000 : i32
    %mul3A_3 = vector.broadcast %mul3A_2 : i32 to vector<64x256xi32>
    %mul3A_4 = arith.muli %iota3A_1, %mul3A_3 : vector<64x256xi32>
    %add3A = vector.broadcast %mul3A_0 : i32 to vector<64x256xi32>
    %add3A_5 = arith.addi %iota3A, %add3A : vector<64x256xi32>
    %add3A_6 = arith.addi %mul3A_4, %add3A_5 : vector<64x256xi32>
    %broadcast_in_dim3A = arith.constant 0xFF800000 : f32
    %broadcast_in_dim3A_7 = vector.broadcast %broadcast_in_dim3A : f32 to vector<64x256xf32>
    %broadcast_in_dim3A_8 = arith.constant 0 : i32
    %broadcast_in_dim3A_9 = vector.broadcast %broadcast_in_dim3A_8 : i32 to vector<64x256xi32>
    %scan3A = arith.constant 0 : i32
    %scan3A_10 = arith.constant 64 : i32
    %scan3A_11 = arith.addi %scan3A, %scan3A_10 : i32
    %scan3A_12 = arith.constant 1 : i32
    %scan3A_13:2 = scf.for %scan3A_37 = %scan3A to %scan3A_11 step %scan3A_12 iter_args(%scan3A_38 = %broadcast_in_dim3A_7, %scan3A_39 = %broadcast_in_dim3A_9) -> (vector<64x256xf32>, vector<64x256xi32>)  : i32 {
      %mul3A_40 = arith.constant 256 : i32
      %mul3A_41 = arith.muli %scan3A_37, %mul3A_40 : i32
      %multiple_of3A = tpu.assume_multiple %mul3A_41, 256 : i32
      %get3A = arith.constant 0 : index
      %get3A_42 = arith.index_cast %multiple_of3A : i32 to index
      %get3A_43 = vector.load %arg1[%get3A, %get3A_42] : memref<64x16384xf32, #tpu.memory_space<vmem>>, vector<64x256xf32>
      %get3A_44 = arith.constant 0 : index
      %get3A_45 = arith.index_cast %multiple_of3A : i32 to index
      %get3A_46 = vector.load %arg2[%get3A_44, %get3A_45] : memref<64x16384xi32, #tpu.memory_space<vmem>>, vector<64x256xi32>
      %shift_right_logical3A = arith.constant 9 : i32
      %shift_right_logical3A_47 = vector.broadcast %shift_right_logical3A : i32 to vector<64x256xi32>
      %shift_right_logical3A_48 = arith.shrui %get3A_46, %shift_right_logical3A_47 : vector<64x256xi32>
      %or3A = arith.constant 1065353216 : i32
      %or3A_49 = vector.broadcast %or3A : i32 to vector<64x256xi32>
      %or3A_50 = arith.ori %shift_right_logical3A_48, %or3A_49 : vector<64x256xi32>
      %bitcast_convert_type3A = tpu.bitcast %or3A_50 : vector<64x256xi32> -> vector<64x256xf32>
      %sub3A_51 = arith.constant 1.000000e+00 : f32
      %sub3A_52 = vector.broadcast %sub3A_51 : f32 to vector<64x256xf32>
      %sub3A_53 = arith.subf %bitcast_convert_type3A, %sub3A_52 : vector<64x256xf32>
      %mul3A_54 = arith.constant 1.000000e+00 : f32
      %mul3A_55 = vector.broadcast %mul3A_54 : f32 to vector<64x256xf32>
      %mul3A_56 = arith.mulf %sub3A_53, %mul3A_55 : vector<64x256xf32>
      %add3A_57 = arith.constant 1.17549435E-38 : f32
      %add3A_58 = vector.broadcast %add3A_57 : f32 to vector<64x256xf32>
      %add3A_59 = arith.addf %mul3A_56, %add3A_58 : vector<64x256xf32>
      %max3A = arith.constant 1.17549435E-38 : f32
      %max3A_60 = vector.broadcast %max3A : f32 to vector<64x256xf32>
      %max3A_61 = arith.maximumf %max3A_60, %add3A_59 : vector<64x256xf32>
      %log3A = math.log %max3A_61 : vector<64x256xf32>
      %neg3A = arith.constant 0.000000e+00 : f32
      %neg3A_62 = vector.broadcast %neg3A : f32 to vector<64x256xf32>
      %neg3A_63 = arith.subf %neg3A_62, %log3A : vector<64x256xf32>
      %log3A_64 = math.log %neg3A_63 : vector<64x256xf32>
      %neg3A_65 = arith.constant 0.000000e+00 : f32
      %neg3A_66 = vector.broadcast %neg3A_65 : f32 to vector<64x256xf32>
      %neg3A_67 = arith.subf %neg3A_66, %log3A_64 : vector<64x256xf32>
      %add3A_68 = arith.addf %neg3A_67, %get3A_43 : vector<64x256xf32>
      %mul3A_69 = arith.constant 256 : i32
      %mul3A_70 = arith.muli %scan3A_37, %mul3A_69 : i32
      %add3A_71 = vector.broadcast %mul3A_70 : i32 to vector<64x256xi32>
      %add3A_72 = arith.addi %add3A_6, %add3A_71 : vector<64x256xi32>
      %gt3A_73 = arith.cmpf ogt, %add3A_68, %scan3A_38 : vector<64x256xf32>
      %select_n3A_74 = arith.select %gt3A_73, %add3A_68, %scan3A_38 : vector<64x256xi1>, vector<64x256xf32>
      %select_n3A_75 = arith.select %gt3A_73, %add3A_72, %scan3A_39 : vector<64x256xi1>, vector<64x256xi32>
      scf.yield %select_n3A_74, %select_n3A_75 : vector<64x256xf32>, vector<64x256xi32>
    }
    %scan3A_14 = arith.constant 64 : i32
    %reduce_max3A = arith.constant dense<0xFF800000> : vector<64xf32>
    %reduce_max3A_15 = vector.multi_reduction <maximumf>, %scan3A_13#0, %reduce_max3A [1] : vector<64x256xf32> to vector<64xf32>
    %broadcast_in_dim3A_16 = vector.shape_cast %reduce_max3A_15 : vector<64xf32> to vector<64x1xf32>
    %eq3A = vector.broadcast %broadcast_in_dim3A_16 : vector<64x1xf32> to vector<64x256xf32>
    %eq3A_17 = arith.cmpf oeq, %scan3A_13#0, %eq3A : vector<64x256xf32>
    %jit3A = arith.constant 2147483647 : i32
    %broadcast_in_dim3A_18 = vector.broadcast %jit3A : i32 to vector<64x256xi32>
    %select_n3A = arith.select %eq3A_17, %scan3A_13#1, %broadcast_in_dim3A_18 : vector<64x256xi1>, vector<64x256xi32>
    %reduce_min3A = arith.constant dense<2147483647> : vector<64xi32>
    %reduce_min3A_19 = vector.multi_reduction <minsi>, %select_n3A, %reduce_min3A [1] : vector<64x256xi32> to vector<64xi32>
    %broadcast_in_dim3A_20 = vector.shape_cast %reduce_min3A_19 : vector<64xi32> to vector<64x1xi32>
    %iota3A_21 = tpu.iota {dimensions = array<i32: 0>} : vector<64x1xi32>
    %mul3A_22 = arith.constant 1000000 : i32
    %mul3A_23 = vector.broadcast %mul3A_22 : i32 to vector<64x1xi32>
    %mul3A_24 = arith.muli %iota3A_21, %mul3A_23 : vector<64x1xi32>
    %sub3A = arith.subi %broadcast_in_dim3A_20, %mul3A_24 : vector<64x1xi32>
    %eq3A_25 = arith.constant 0 : i32
    %eq3A_26 = arith.cmpi eq, %arg0, %eq3A_25 : i32
    %convert_element_type3A = arith.extui %eq3A_26 : i1 to i32
    %cond3A = arith.constant 0 : i32
    %cond3A_27 = arith.cmpi ne, %convert_element_type3A, %cond3A : i32
    scf.if %cond3A_27 {
      %swap3A = arith.constant 0 : index
      %swap3A_37 = arith.constant 0 : index
      %swap3A_38 = vector.load %arg6[%swap3A, %swap3A_37] : memref<64x1xf32, #tpu.memory_space<vmem>>, vector<64x1xf32>
      tpu.vector_store %arg6[%swap3A, %swap3A_37], %broadcast_in_dim3A_16 {strides = array<i32>} : memref<64x1xf32, #tpu.memory_space<vmem>>, vector<64x1xf32>,
      %swap3A_39 = arith.constant 0 : index
      %swap3A_40 = arith.constant 0 : index
      %swap3A_41 = vector.load %arg7[%swap3A_39, %swap3A_40] : memref<64x1xi32, #tpu.memory_space<vmem>>, vector<64x1xi32>
      tpu.vector_store %arg7[%swap3A_39, %swap3A_40], %sub3A {strides = array<i32>} : memref<64x1xi32, #tpu.memory_space<vmem>>, vector<64x1xi32>,
    } else {
    }
    %gt3A = arith.constant 0 : i32
    %gt3A_28 = arith.cmpi sgt, %arg0, %gt3A : i32
    %convert_element_type3A_29 = arith.extui %gt3A_28 : i1 to i32
    %cond3A_30 = arith.constant 0 : i32
    %cond3A_31 = arith.cmpi ne, %convert_element_type3A_29, %cond3A_30 : i32
    scf.if %cond3A_31 {
      %get3A = arith.constant 0 : index
      %get3A_37 = arith.constant 0 : index
      %get3A_38 = vector.load %arg6[%get3A, %get3A_37] : memref<64x1xf32, #tpu.memory_space<vmem>>, vector<64x1xf32>
      %gt3A_39 = arith.cmpf ogt, %broadcast_in_dim3A_16, %get3A_38 : vector<64x1xf32>
      %get3A_40 = arith.constant 0 : index
      %get3A_41 = arith.constant 0 : index
      %get3A_42 = vector.load %arg6[%get3A_40, %get3A_41] : memref<64x1xf32, #tpu.memory_space<vmem>>, vector<64x1xf32>
      %select_n3A_43 = arith.select %gt3A_39, %broadcast_in_dim3A_16, %get3A_42 : vector<64x1xi1>, vector<64x1xf32>
      %swap3A = arith.constant 0 : index
      %swap3A_44 = arith.constant 0 : index
      %swap3A_45 = vector.load %arg6[%swap3A, %swap3A_44] : memref<64x1xf32, #tpu.memory_space<vmem>>, vector<64x1xf32>
      tpu.vector_store %arg6[%swap3A, %swap3A_44], %select_n3A_43 {strides = array<i32>} : memref<64x1xf32, #tpu.memory_space<vmem>>, vector<64x1xf32>,
      %get3A_46 = arith.constant 0 : index
      %get3A_47 = arith.constant 0 : index
      %get3A_48 = vector.load %arg7[%get3A_46, %get3A_47] : memref<64x1xi32, #tpu.memory_space<vmem>>, vector<64x1xi32>
      %select_n3A_49 = arith.select %gt3A_39, %sub3A, %get3A_48 : vector<64x1xi1>, vector<64x1xi32>
      %swap3A_50 = arith.constant 0 : index
      %swap3A_51 = arith.constant 0 : index
      %swap3A_52 = vector.load %arg7[%swap3A_50, %swap3A_51] : memref<64x1xi32, #tpu.memory_space<vmem>>, vector<64x1xi32>
      tpu.vector_store %arg7[%swap3A_50, %swap3A_51], %select_n3A_49 {strides = array<i32>} : memref<64x1xi32, #tpu.memory_space<vmem>>, vector<64x1xi32>,
    } else {
    }
    %eq3A_32 = arith.constant 17 : i32
    %eq3A_33 = arith.cmpi eq, %arg0, %eq3A_32 : i32
    %convert_element_type3A_34 = arith.extui %eq3A_33 : i1 to i32
    %cond3A_35 = arith.constant 0 : i32
    %cond3A_36 = arith.cmpi ne, %convert_element_type3A_34, %cond3A_35 : i32
    scf.if %cond3A_36 {
      %get3A = arith.constant 0 : index
      %get3A_37 = arith.constant 0 : index
      %get3A_38 = vector.load %arg3[%get3A, %get3A_37] : memref<64x1xf32, #tpu.memory_space<vmem>>, vector<64x1xf32>
      %get3A_39 = arith.constant 0 : index
      %get3A_40 = arith.constant 0 : index
      %get3A_41 = vector.load %arg6[%get3A_39, %get3A_40] : memref<64x1xf32, #tpu.memory_space<vmem>>, vector<64x1xf32>
      %gt3A_42 = arith.cmpf ogt, %get3A_38, %get3A_41 : vector<64x1xf32>
      %get3A_43 = arith.constant 0 : index
      %get3A_44 = arith.constant 0 : index
      %get3A_45 = vector.load %arg4[%get3A_43, %get3A_44] : memref<64x1xi32, #tpu.memory_space<vmem>>, vector<64x1xi32>
      %get3A_46 = arith.constant 0 : index
      %get3A_47 = arith.constant 0 : index
      %get3A_48 = vector.load %arg7[%get3A_46, %get3A_47] : memref<64x1xi32, #tpu.memory_space<vmem>>, vector<64x1xi32>
      %select_n3A_49 = arith.select %gt3A_42, %get3A_45, %get3A_48 : vector<64x1xi1>, vector<64x1xi32>
      %swap3A = arith.constant 0 : index
      %swap3A_50 = arith.constant 0 : index
      %swap3A_51 = vector.load %arg5[%swap3A, %swap3A_50] : memref<64x1xi32, #tpu.memory_space<vmem>>, vector<64x1xi32>
      tpu.vector_store %arg5[%swap3A, %swap3A_50], %select_n3A_49 {strides = array<i32>} : memref<64x1xi32, #tpu.memory_space<vmem>>, vector<64x1xi32>,
    } else {
    }
    return
  }
  func.func @transform_0(%arg0: i32) -> (i32, i32) {
    %c0_i32 = arith.constant 0 : i32
    %c0_i32_0 = arith.constant 0 : i32
    return %c0_i32, %arg0 : i32, i32
  }
  func.func @transform_1(%arg0: i32) -> (i32, i32) {
    %c0_i32 = arith.constant 0 : i32
    %c0_i32_0 = arith.constant 0 : i32
    return %c0_i32, %arg0 : i32, i32
  }
  func.func @transform_2(%arg0: i32) -> (i32, i32) {
    %c0_i32 = arith.constant 0 : i32
    %c0_i32_0 = arith.constant 0 : i32
    %c0_i32_1 = arith.constant 0 : i32
    return %c0_i32, %c0_i32_0 : i32, i32
  }
  func.func @transform_3(%arg0: i32) -> (i32, i32) {
    %c0_i32 = arith.constant 0 : i32
    %c0_i32_0 = arith.constant 0 : i32
    %c0_i32_1 = arith.constant 0 : i32
    return %c0_i32, %c0_i32_0 : i32, i32
  }
  func.func @transform_4(%arg0: i32) -> (i32, i32) {
    %c0_i32 = arith.constant 0 : i32
    %c0_i32_0 = arith.constant 0 : i32
    %c0_i32_1 = arith.constant 0 : i32
    return %c0_i32, %c0_i32_0 : i32, i32
  }
}

</mosaic_0001>

<sc_bundles>
// kernel: kernel.5.cloned.1.call-start
scs
__scs_entry_jumppad:
0x0: {  	(pc) =	sbr.rel $0x88, $3  }
0x1: {  	(tag) =	ssettag $0x0;
	lr =	simm.s32 $0x1  }
0x2: {  	[smem:$0x3FA0] =	sst lr;
	_ =	strace $0xD0000000  }
0x3: {  	_ = 	snop  }
0x4: {  	_ = 	snop  }
0x5: {  	_ = 	snop  }
0x6: {  	_ = 	snop  }
0x7: {  	_ = 	snop  }
__scs_overlays_trampoline_lowered:
0x8: {  	[smem:$0x3FAF] =	sst s0  }
0x9: {  	[smem:$0x3FB0] =	sst s1  }
0xa: {  	[smem:$0x3FB1] =	sst s2  }
0xb: {  	[smem:$0x3FB2] =	sst s3  }
0xc: {  	[smem:$0x3FB3] =	sst s4  }
0xd: {  	[smem:$0x3FB4] =	sst s5  }
0xe: {  	[smem:$0x3FB5] =	sst s6  }
0xf: {  	[smem:$0x3FB6] =	sst s7  }
0x10: {  	[smem:$0x3FB7] =	sst s8  }
0x11: {  	[smem:$0x3FB8] =	sst s9;
	s0 =	simm.s32 @!p0 $0x0  }
0x12: {  	s1 =	sld [smem:$0x3F9E];
	s0 =	simm.s32 @p0 $0x1  }
0x13: {  	[smem:$0x3FB9] =	sst s0;
	s0 =	simm.s32 @!p1 $0x0  }
0x14: {  	s2 =	sld [smem:$0x3F9D];
	s0 =	simm.s32 @p1 $0x1  }
0x15: {  	[smem:$0x3FBA] =	sst s0;
	s0 =	simm.s32 @!p2 $0x0  }
0x16: {  	s3 =	sld [smem:$0x3FDB];
	s0 =	simm.s32 @p2 $0x1  }
0x17: {  	s4 =	simm.s32 $0x1BF5;
	[smem:$0x3FBC] =	sst s0  }
0x18: {  	s0 =	sld [smem:$0x3F9F];
	_ =	swait.ge [sflag:s4], $0x0  }
0x19: {  	s7 =	sld [smem:$0x3FA0]  }
0x1a: {  	s8 =	sadd.s32 $0xFFFFE003, lr  }
0x1b: {  	s9 =	sadd.s32 $0xFFFFFEF7, lr;
	s5 =	simm.s32 $0xFFFFFFFF;
	p2 =	slt.u32 s8, $0xFFFFF086  }
0x1c: {  	p1 =	slt.u32 s9, $0xF7A;
	s5 =	simm.s32 @!p2 $0x0  }
0x1d: {  	s5 =	simm.s32 @p1 $0x1;
	p0 =	seq.s32 s7, s2  }
0x1e: {  	s7 =	smul.u32 @!p0 $0xF7A, s2;
	p2 =	seq.s32 @!p0 s5, $0x0  }
0x1f: {  	s9 =	smul.u32 $0xF7A, s1;
	s8 =	simm.s32 @!p0 $0x1BF5;
	p2 =	por !p2, p0  }
0x20: {  	[sflag:s8] =	ssyncset.s32 @!p0 $0xFFFFF086;
	s6 =	sadd.s32 @!p0 s3, s7;
	s7 =	simm.s32 @!p0 $0x108  }
0x21: {  	s3 =	sadd.s32 s3, s9;
	s6 =	sadd.s32 @!p0 $0x88, s6;
	s7 =	simm.s32 @p2 $0x1082  }
0x22: {  	[simem:s7], [sflag:s8] =	dma.local @!p0 [hbm:s6], $0xF7A  }
0x23: {  	s9 =	sor.u32 $0xD0000000, s2;
	s6 =	simm.s32 $0x108;
	_ =	swait.ge @!p0 [sflag:s8], $0x0  }
0x24: {  	s3 =	sadd.s32 $0x88, s3;
	s6 =	simm.s32 @!p1 $0x1082;
	[sflag:s4] =	ssyncset.s32 $0xFFFFF086  }
0x25: {  	[simem:s6], [sflag:s4] =	dma.local [hbm:s3], $0xF7A  }
0x26: {  	[smem:$0x3FA0] =	sst s1;
	(tag) =	ssettag s2;
	_ =	strace s9  }
0x27: {  	s1 =	sld [smem:$0x3FB0]  }
0x28: {  	s2 =	sld [smem:$0x3FB1]  }
0x29: {  	s4 =	sld [smem:$0x3FB3]  }
0x2a: {  	p0 =	seq.s32 s5, $0x0;
	s5 =	sld [smem:$0x3FB4]  }
0x2b: {  	s6 =	sld [smem:$0x3FB5]  }
0x2c: {  	s7 =	sld [smem:$0x3FB6]  }
0x2d: {  	s3 =	simm.s32 $0x108;
	s8 =	sld [smem:$0x3FB7]  }
0x2e: {  	s3 =	simm.s32 @!p0 $0x1082;
	s9 =	sld [smem:$0x3FB8]  }
0x2f: {  	lr =	sadd.s32 s0, s3;
	s0 =	sld [smem:$0x3FAF]  }
0x30: {  	s3 =	sld [smem:$0x3FB2]  }
0x31: {  	[smem:$0x3FBB] =	sst s10  }
0x32: {  	s10 =	sld [smem:$0x3FB9];
	_ =	sdelay $0x3  }
0x33: {  	p0 =	seq.s32 s10, $0x1;
	s10 =	sld [smem:$0x3FBB];
	_ =	sdelay $0x3  }
0x34: {  	[smem:$0x3FBB] =	sst s10  }
0x35: {  	s10 =	sld [smem:$0x3FBA];
	_ =	sdelay $0x3  }
0x36: {  	p1 =	seq.s32 s10, $0x1;
	s10 =	sld [smem:$0x3FBB];
	_ =	sdelay $0x3  }
0x37: {  	[smem:$0x3FBB] =	sst s10  }
0x38: {  	s10 =	sld [smem:$0x3FBC]  }
0x39: {  	_ = 	snop;
	(pc) =	sbr.ind lr, $3  }
0x3a: {  	_ = 	snop  }
0x3b: {  	_ = 	snop  }
0x3c: {  	p2 =	seq.s32 s10, $0x1;
	s10 =	sld [smem:$0x3FBB]  }
0x3d: {  	_ =	shalt  }
0x3e: {  	_ =	shalt  }
0x3f: {  	_ =	shalt  }
0x40: {  	_ =	shalt  }
0x41: {  	_ =	shalt  }
0x42: {  	_ =	shalt  }
0x43: {  	_ =	shalt  }
0x44: {  	_ =	shalt  }
0x45: {  	_ =	shalt  }
0x46: {  	_ =	shalt  }
0x47: {  	_ =	shalt  }
0x48: {  	_ =	shalt  }
0x49: {  	_ =	shalt  }
0x4a: {  	_ =	shalt  }
0x4b: {  	_ =	shalt  }
0x4c: {  	_ =	shalt  }
0x4d: {  	_ =	shalt  }
0x4e: {  	_ =	shalt  }
0x4f: {  	_ =	shalt  }
0x50: {  	_ =	shalt  }
0x51: {  	_ =	shalt  }
0x52: {  	_ =	shalt  }
0x53: {  	_ =	shalt  }
0x54: {  	_ =	shalt  }
0x55: {  	_ =	shalt  }
0x56: {  	_ =	shalt  }
0x57: {  	_ =	shalt  }
0x58: {  	_ =	shalt  }
0x59: {  	_ =	shalt  }
0x5a: {  	_ =	shalt  }
0x5b: {  	_ =	shalt  }
0x5c: {  	_ =	shalt  }
0x5d: {  	_ =	shalt  }
0x5e: {  	_ =	shalt  }
0x5f: {  	_ =	shalt  }
0x60: {  	_ =	shalt  }
0x61: {  	_ =	shalt  }
0x62: {  	_ =	shalt  }
0x63: {  	_ =	shalt  }
0x64: {  	_ =	shalt  }
0x65: {  	_ =	shalt  }
0x66: {  	_ =	shalt  }
0x67: {  	_ =	shalt  }
0x68: {  	_ =	shalt  }
0x69: {  	_ =	shalt  }
0x6a: {  	_ =	shalt  }
0x6b: {  	_ =	shalt  }
0x6c: {  	_ =	shalt  }
0x6d: {  	_ =	shalt  }
0x6e: {  	_ =	shalt  }
0x6f: {  	_ =	shalt  }
0x70: {  	_ =	shalt  }
0x71: {  	_ =	shalt  }
0x72: {  	_ =	shalt  }
0x73: {  	_ =	shalt  }
0x74: {  	_ =	shalt  }
0x75: {  	_ =	shalt  }
0x76: {  	_ =	shalt  }
0x77: {  	_ =	shalt  }
0x78: {  	_ =	shalt  }
0x79: {  	_ =	shalt  }
0x7a: {  	_ =	shalt  }
0x7b: {  	_ =	shalt  }
0x7c: {  	_ =	shalt  }
0x7d: {  	_ =	shalt  }
0x7e: {  	_ =	shalt  }
0x7f: {  	_ =	shalt  }
0x80: {  	_ =	shalt  }
0x81: {  	_ =	shalt  }
0x82: {  	_ =	shalt  }
0x83: {  	_ =	shalt  }
0x84: {  	_ =	shalt  }
0x85: {  	_ =	shalt  }
0x86: {  	_ =	shalt  }
0x87: {  	_ =	shalt  }
.Lfunc_end0:
.L_simem_size_0:
called_computation_lowered:
.L_overlay_start_0:
0x88: {  	s2 =	sld [smem:$0x3FD9]  }
0x89: {  	s3 =	sld [smem:$0x3FFE];
	_ =	sdelay $0x1  }
0x8a: {  	s1 =	srdreg.scid  }
0x8b: {  	s0 =	sand.u32 $0x1, s1  }
0x8c: {  	s16 =	sshll.u32 s0, $0xA;
	s2 =	sadd.s32 s3, s2  }
0x8d: {  	s2 =	sadd.s32 s2, s16  }
0x8e: {  	[smem:$0x3FC7] =	sst s2  }
0x8f: {  	_ = 	snop  }
0x90: {  	(tm) =	ssettm $0x1  }
0x91: {  	s17 =	sld [smem:$0x3FFB];
	_ =	sdelay $0x3  }
0x92: {  	_ =	strace s17  }
0x93: {  	s2 =	sld [smem:$0x3FFC];
	_ =	sdelay $0x3  }
0x94: {  	_ =	strace s2  }
0x95: {  	s2 =	sld [smem:$0x3FFD];
	_ =	sdelay $0x3  }
0x96: {  	_ =	strace s2  }
0x97: {  	_ =	strace $0x8FFFFFFF  }
0x98: {  	s18 =	sld [smem:$0x3FDB];
	_ =	sdelay $0x1  }
0x99: {  	s19 =	simm.s32 $_scs_section_size  }
0x9a: {  	s4 =	simm.s32 $_size__tile_overlayer_lowered;
	s5 =	simm.s32 $_tile_overlayer_lowered  }
0x9b: {  	s22 =	simm.s32 $0x1BFF;
	s21 =	sshll.u32 s5, $0x1;
	s2 =	sadd.s32 s19, s18  }
0x9c: {  	s6 =	simm.s32 $0x0;
	s20 =	sshll.u32 s4, $0x1;
	s4 =	sadd.s32 s21, s2  }
0x9d: {  	[timem:s6], [sflag:s22] =	dma.local [hbm:s4], s20  }
0x9e: {  	_ =	swait.ge [sflag:s22], s20  }
0x9f: {  	s3 =	ssub.s32 $0x0, s20;
	[sflag:s22] =	ssyncset.done $0x0  }
0xa0: {  	[sflag:s22] =	ssyncadd.s32 s3;
	_ =	sdelay $0x1  }
0xa1: {  	s23 =	simm.s32 $0x1B8B  }
0xa2: {  	_ =	swait.ge [sflag:s23], $0x1  }
0xa3: {  	[sflag:s23] =	ssyncset.done $0x0  }
0xa4: {  	s25 =	simm.s32 $0x1B8E;
	s24 =	sld [smem:$0x3FFE];
	[sflag:s23] =	ssyncadd.s32 $0xFFFFFFFF  }
0xa5: {  	s26 =	simm.s32 $execute0_lowered;
	[smem:$0x3FD2] =	sst s25  }
0xa6: {  	s4 =	sshll.u32 s26, $0x1;
	_ =	strace $0x80000046;
	[dreg:$0x1] =	wrdreg $0xFFFFFFFF  }
0xa7: {  	s28 =	simm.s32 $_size_execute0_lowered;
	s2 =	sadd.s32 s2, s4;
	[dreg:$0x0] =	wrdreg $0x0  }
0xa8: {  	s4 =	sshll.u32 s28, $0x1;
	[dreg:$0x2] =	wrdreg s2  }
0xa9: {  	[dreg:$0x3] =	wrdreg s4  }
0xaa: {  	[dreg:$0x4] =	wrdreg $0xC0  }
0xab: {  	_ =	task [dreg:s6], $0x5FFFF  }
0xac: {  	[dreg:$0x1] =	wrdreg $0xFFFFFFFF  }
0xad: {  	[dreg:$0x0] =	wrdreg $0x60  }
0xae: {  	[dreg:$0x2] =	wrdreg s24  }
0xaf: {  	[dreg:$0x3] =	wrdreg $0x9  }
0xb0: {  	_ =	task.clear_ibuf [dreg:s6], $0x4FFFF;
	_ =	strace $0x90000046  }
0xb1: {  	s29 =	simm.s32 $0x9;
	_ =	strace $0x80000048  }
0xb2: {  	_ =	swait.ge [sflag:s29], $0x1  }
0xb3: {  	[sflag:s29] =	ssyncadd.s32 $0xFFFFFFFF  }
0xb4: {  	_ =	strace $0x90000048  }
0xb5: {  	_ =	sfence  }
0xb6: {  	s30 =	sld [smem:$0x0];
	_ =	sdelay $0x2  }
0xb7: {  	s31 =	sshll.u32 s1, $0xD;
	s1 =	sshrl.u32 s1, $0x2  }
0xb8: {  	s3 =	sand.u32 $0x4000, s31;
	s1 =	sadd.s32 s1, s30  }
0xb9: {  	s0 =	sor.u32 s3, s0;
	s1 =	sshll.u32 s1, $0x11  }
0xba: {  	s0 =	sor.u32 s1, s0  }
0xbb: {  	s0 =	sadd.s32 $0x8F2B, s0  }
0xbc: {  	[sflag:s0] =	ssyncadd.remote.s32 $0x1  }
0xbd: {  	_ =	sfence.sel $0xFFFF  }
0xbe: {  	[dreg:$0x0] =	wrdreg $0xFFFFFFFF;
	(pc) =	sbr.abs _section_cstart, $3  }
0xbf: {  	[dreg:$0x1] =	wrdreg $0xFFFFFFFF  }
0xc0: {  	_ =	task.clear_ibuf [dreg:s6], $0x2FFFF;
	_ =	strace $0x9FFFFFFF  }
0xc1: {  	(tm) =	ssettm $0x7FFFFFFF  }
tec
execute0_lowered:
.L_overlay_start_1:
0x0: {  	(tag) =	ssettag $0x1  }
0x1: {  	s2 =	rddreg [dreg:$0x0]  }
0x2: {  	s0 =	rddreg [dreg:$0x1];
	s1 =	simm.s32 $0x0;
	s3 =	srdreg.scid  }
0x3: {  	[smem:$0x7FF] =	sst s1;
	s4 =	sand.u32 $0x1, s3;
	s3 =	sadd.s32 $0x200, s2  }
0x4: {  	s2 =	stileid.u32;
	_ =	strace $0x80000047;
	s5 =	ssub.s32 $0x2, s4  }
0x5: {  	s7 =	sshll.u32 s2, $0x2;
	s8 =	smul.u32 $0x3D0900, s2;
	s9 =	sshll.u32 s4, $0x1  }
0x6: {  	s10 =	sshrl.u32 s2, $0x1;
	s11 =	smul.u32 $0x1E8480, s4;
	s6 =	sshrl.u32 s5, $0x1  }
0x7: {  	s4 =	sor.u32 s9, s7;
	s9 =	simm.s32 $0x400;
	s6 =	ssub.s32 s5, s6  }
0x8: {  	s5 =	smul.u32 $0x240000, s10;
	s7 =	sadd.s32 s11, s8;
	s8 =	simm.s32 $0x80  }
0x9: {  	v0 =	vlaneseq.u32;
	s10 =	simm.s32 $0x1;
	s11 =	simm.s32 $0x0;
	s6 =	smax.u32 s6, $0x1  }
.LBB2_1:
0xa: {  	p1 =	por $0x1, $0x1;
	s12 =	simm.s32 $0x0  }
.LBB2_2:
0xb: {  	s13 =	sor.u32 s4, s12  }
0xc: {  	s14 =	smul.u32 $0xF4240, s12;
	s13 =	sshll.u32 s13, $0x7  }
0xd: {  	p0 =	por p1, p1;
	s31 =	sand.u32 $0x380, s13  }
0xe: {  	s13 =	sadd.s32 s14, s7;
	s14 =	simm.s32 $0x0;
	s12 =	sor.u32 s31, s5  }
.LBB2_3:
0xf: {  	s15 =	sadd.s32 $0x0, s13  }
0x10: {  	v5 =	vmov s15;
	v1 =	vor.u32 s15, v0;
	s16 =	sadd.s32 $0x10, s15;
	s17 =	sadd.s32 $0x70, s15  }
0x11: {  	s28 =	sadd.s32 $0x20, s15;
	s29 =	sadd.s32 $0x30, s15;
	v6 =	vmov s16;
	v3 =	vmov s17;
	v7 =	vor.u32 s17, v0  }
0x12: {  	s30 =	sadd.s32 $0x40, s15;
	s31 =	sadd.s32 $0x50, s15;
	v2 =	vor.u32 s16, v0;
	v9 =	vmov s28;
	v10 =	vmov s29  }
0x13: {  	s15 =	sadd.s32 $0x60, s15;
	v11 =	vmov s30;
	v14 =	vor.u32 s30, v0;
	v61 =	vmov s31  }
0x14: {  	v15 =	vmov s15;
	v18 =	vor.u32 s15, v0;
	v5 =	vshrl.u32 v5, $0x13  }
0x15: {  	v25 =	vshll.u32 v1, $0xD;
	v4 =	vshrl.u32 v3, $0x13;
	v8 =	vshll.u32 v7, $0xD  }
0x16: {  	v3 =	vor.u32 s28, v0;
	v6 =	vshrl.u32 v6, $0x13;
	v63 =	vshll.u32 v2, $0xD  }
0x17: {  	v9 =	vshrl.u32 v9, $0x13;
	v10 =	vshrl.u32 v10, $0x13;
	v11 =	vshrl.u32 v11, $0x13  }
0x18: {  	v30 =	vshll.u32 v14, $0xD;
	v15 =	vshrl.u32 v15, $0x13;
	v32 =	vshll.u32 v18, $0xD  }
0x19: {  	v5 =	vor.u32 v5, v25;
	v8 =	vor.u32 v4, v8;
	v4 =	vor.u32 s29, v0  }
0x1a: {  	v20 =	vshll.u32 v3, $0xD;
	v6 =	vor.u32 v6, v63;
	v8 =	vxor.u32 v7, v8  }
0x1b: {  	v11 =	vor.u32 v11, v30;
	v12 =	vshrl.u32 v8, $0x11;
	v13 =	vshll.u32 v8, $0xF  }
0x1c: {  	v15 =	vor.u32 v15, v32;
	v7 =	vadd.s32 v7, v8;
	v60 =	vor.u32 v12, v13  }
0x1d: {  	v5 =	vxor.u32 v1, v5;
	v29 =	vshll.u32 v4, $0xD;
	v8 =	vxor.u32 v7, v60  }
0x1e: {  	v9 =	vor.u32 v9, v20;
	v16 =	vshrl.u32 v8, $0x6;
	v17 =	vshll.u32 v8, $0x1A  }
0x1f: {  	v6 =	vxor.u32 v2, v6;
	v7 =	vadd.s32 v7, v8;
	v62 =	vor.u32 v16, v17  }
0x20: {  	v11 =	vxor.u32 v14, v11;
	v15 =	vxor.u32 v18, v15;
	v8 =	vxor.u32 v7, v62  }
0x21: {  	v58 =	vshrl.u32 v5, $0x11;
	v27 =	vshrl.u32 v8, $0x1A;
	v19 =	vshll.u32 v8, $0x6  }
0x22: {  	v30 =	vshll.u32 v5, $0xF;
	v7 =	vadd.s32 v7, v8;
	v28 =	vor.u32 v27, v19  }
0x23: {  	v5 =	vadd.s32 v1, v5;
	v10 =	vor.u32 v10, v29;
	v8 =	vxor.u32 v7, v28  }
0x24: {  	v9 =	vxor.u32 v3, v9;
	v42 =	vshrl.u32 v6, $0x11;
	v8 =	vadd.s32 $0x1BD11BDB, v8  }
0x25: {  	v43 =	vshll.u32 v6, $0xF;
	v21 =	vshrl.u32 v8, $0xF;
	v22 =	vshll.u32 v8, $0x11  }
0x26: {  	v53 =	vshrl.u32 v11, $0x11;
	v7 =	vadd.s32 v7, v8;
	v31 =	vor.u32 v21, v22  }
0x27: {  	v55 =	vshll.u32 v11, $0xF;
	v29 =	vshrl.u32 v15, $0x11;
	v8 =	vxor.u32 v7, v31  }
0x28: {  	v59 =	vshll.u32 v15, $0xF;
	v33 =	vshrl.u32 v8, $0x3;
	v24 =	vshll.u32 v8, $0x1D  }
0x29: {  	v2 =	vadd.s32 v2, v6;
	v7 =	vadd.s32 v7, v8;
	v34 =	vor.u32 v33, v24  }
0x2a: {  	v13 =	vor.u32 s31, v0;
	v12 =	vshrl.u32 v61, $0x13;
	v8 =	vxor.u32 v7, v34  }
0x2b: {  	v10 =	vxor.u32 v4, v10;
	v35 =	vshrl.u32 v8, $0x10;
	v36 =	vshll.u32 v8, $0x10  }
0x2c: {  	v46 =	vshrl.u32 v9, $0x11;
	v7 =	vadd.s32 v7, v8;
	v37 =	vor.u32 v35, v36  }
0x2d: {  	v48 =	vshll.u32 v9, $0xF;
	v3 =	vadd.s32 v3, v9;
	v8 =	vxor.u32 v7, v37  }
0x2e: {  	v9 =	vadd.s32 v18, v15;
	v38 =	vshrl.u32 v8, $0x8;
	v39 =	vshll.u32 v8, $0x18  }
0x2f: {  	v23 =	vshll.u32 v13, $0xD;
	v7 =	vadd.s32 v7, v8;
	v40 =	vor.u32 v38, v39  }
0x30: {  	v49 =	vshrl.u32 v10, $0x11;
	v50 =	vshll.u32 v10, $0xF;
	v8 =	vxor.u32 v7, v40  }
0x31: {  	v60 =	vor.u32 v46, v48;
	v4 =	vadd.s32 v4, v10;
	v8 =	vadd.s32 $0x2, v8  }
0x32: {  	v7 =	vadd.s32 v8, v7;
	v41 =	vshrl.u32 v8, $0x13;
	v8 =	vshll.u32 v8, $0xD  }
0x33: {  	v10 =	vadd.s32 v14, v11;
	v7 =	vadd.s32 $0x1BD11BDA, v7;
	v8 =	vor.u32 v41, v8  }
0x34: {  	v12 =	vor.u32 v12, v23;
	v20 =	vor.u32 v49, v50;
	v8 =	vxor.u32 v7, v8  }
0x35: {  	v12 =	vxor.u32 v13, v12;
	v44 =	vshrl.u32 v8, $0x11;
	v45 =	vshll.u32 v8, $0xF  }
0x36: {  	v16 =	vor.u32 v42, v43;
	v7 =	vadd.s32 v7, v8;
	v47 =	vor.u32 v44, v45  }
0x37: {  	v56 =	vshrl.u32 v12, $0x11;
	v26 =	vshll.u32 v12, $0xF;
	v8 =	vxor.u32 v7, v47  }
0x38: {  	v32 =	vor.u32 v56, v26;
	v51 =	vshrl.u32 v8, $0x6;
	v52 =	vshll.u32 v8, $0x1A  }
0x39: {  	v33 =	vor.u32 v29, v59;
	v7 =	vadd.s32 v7, v8;
	v54 =	vor.u32 v51, v52  }
0x3a: {  	v31 =	vor.u32 v53, v55;
	v15 =	vxor.u32 v9, v33;
	v8 =	vxor.u32 v7, v54  }
0x3b: {  	v9 =	vadd.s32 v9, v15;
	v27 =	vshrl.u32 v8, $0x1A;
	v28 =	vshll.u32 v8, $0x6  }
0x3c: {  	v40 =	vxor.u32 v4, v20;
	v7 =	vadd.s32 v7, v8;
	v57 =	vor.u32 v27, v28  }
0x3d: {  	v36 =	vor.u32 v58, v30;
	v53 =	vshll.u32 v40, $0x1A;
	v8 =	vxor.u32 v7, v57  }
0x3e: {  	v4 =	vadd.s32 v4, v40;
	v41 =	vxor.u32 v10, v31;
	v8 =	vadd.s32 $0x3, v8  }
0x3f: {  	v45 =	vxor.u32 v5, v36;
	v61 =	vshrl.u32 v8, $0xF;
	v62 =	vshll.u32 v8, $0x11  }
0x40: {  	v33 =	vshrl.u32 v45, $0x6;
	v7 =	vadd.s32 v7, v8;
	v63 =	vor.u32 v61, v62  }
0x41: {  	v5 =	vadd.s32 v5, v45;
	v52 =	vshrl.u32 v40, $0x6;
	v8 =	vxor.u32 v7, v63  }
0x42: {  	v54 =	vshrl.u32 v41, $0x6;
	v34 =	vshrl.u32 v8, $0x3;
	v35 =	vshll.u32 v8, $0x1D  }
0x43: {  	v36 =	vor.u32 v52, v53;
	v7 =	vadd.s32 v7, v8;
	v37 =	vor.u32 v34, v35  }
0x44: {  	v57 =	vshll.u32 v41, $0x1A;
	v63 =	vshll.u32 v15, $0x1A;
	v6 =	vxor.u32 v7, v37  }
0x45: {  	v34 =	vshll.u32 v45, $0x1A;
	v8 =	vshrl.u32 v6, $0x10;
	v38 =	vshll.u32 v6, $0x10  }
0x46: {  	v6 =	vadd.s32 v7, v6;
	v7 =	vor.u32 v8, v38;
	v8 =	vadd.s32 v13, v12  }
0x47: {  	v12 =	vxor.u32 v2, v16;
	v7 =	vxor.u32 v6, v7;
	v42 =	vxor.u32 v8, v32  }
0x48: {  	v46 =	vshrl.u32 v12, $0x6;
	v47 =	vshll.u32 v12, $0x1A;
	v2 =	vadd.s32 v2, v12  }
0x49: {  	v1 =	vshrl.u32 v7, $0x8;
	v39 =	vshll.u32 v7, $0x18;
	v6 =	vadd.s32 v6, v7  }
0x4a: {  	v7 =	vxor.u32 v3, v60;
	v58 =	vshrl.u32 v42, $0x6;
	v59 =	vshll.u32 v42, $0x1A  }
0x4b: {  	v60 =	vshrl.u32 v15, $0x6;
	v16 =	vor.u32 v46, v47;
	v8 =	vadd.s32 v8, v42  }
0x4c: {  	v42 =	vxor.u32 v4, v36;
	v1 =	vor.u32 v1, v39;
	v48 =	vshrl.u32 v7, $0x6  }
0x4d: {  	v51 =	vshll.u32 v7, $0x1A;
	v37 =	vor.u32 v58, v59;
	v38 =	vor.u32 v60, v63  }
0x4e: {  	v39 =	vor.u32 v33, v34;
	v3 =	vadd.s32 v3, v7;
	v7 =	vadd.s32 v10, v41  }
0x4f: {  	v40 =	vxor.u32 v2, v16;
	v47 =	vshrl.u32 v42, $0x1A;
	v4 =	vadd.s32 v4, v42  }
0x50: {  	v1 =	vxor.u32 v6, v1;
	v35 =	vor.u32 v48, v51;
	v14 =	vxor.u32 v8, v37  }
0x51: {  	v15 =	vxor.u32 v9, v38;
	v16 =	vshrl.u32 v40, $0x1A;
	v48 =	vshll.u32 v42, $0x6  }
0x52: {  	v2 =	vadd.s32 v2, v40;
	v1 =	vadd.s32 $0x1BD11BDE, v1;
	v41 =	vxor.u32 v3, v35  }
0x53: {  	v51 =	vshrl.u32 v14, $0x1A;
	v52 =	vshll.u32 v14, $0x6;
	v53 =	vshrl.u32 v15, $0x1A  }
0x54: {  	v58 =	vor.u32 v47, v48;
	v63 =	vadd.s32 v9, v15;
	v43 =	vshrl.u32 v1, $0x13  }
0x55: {  	v44 =	vshll.u32 v1, $0xD;
	v1 =	vadd.s32 v6, v1;
	v45 =	vshrl.u32 v41, $0x1A  }
0x56: {  	v46 =	vshll.u32 v41, $0x6;
	v3 =	vadd.s32 v3, v41;
	v33 =	vxor.u32 v4, v58  }
0x57: {  	v6 =	vor.u32 v43, v44;
	v43 =	vxor.u32 v5, v39;
	v44 =	vshll.u32 v40, $0x6  }
0x58: {  	v11 =	vadd.s32 $0x1BD11BDB, v33;
	v6 =	vxor.u32 v1, v6;
	v16 =	vor.u32 v16, v44  }
0x59: {  	v5 =	vadd.s32 v5, v43;
	v41 =	vshrl.u32 v11, $0xF;
	v42 =	vshll.u32 v11, $0x11  }
0x5a: {  	v49 =	vshrl.u32 v6, $0x11;
	v50 =	vshll.u32 v6, $0xF;
	v31 =	vxor.u32 v2, v16  }
0x5b: {  	v1 =	vadd.s32 v1, v6;
	v6 =	vor.u32 v49, v50;
	v9 =	vadd.s32 $0x1BD11BDB, v31  }
0x5c: {  	v4 =	vadd.s32 v4, v11;
	v6 =	vxor.u32 v1, v6;
	v37 =	vshrl.u32 v9, $0xF  }
0x5d: {  	v38 =	vshll.u32 v9, $0x11;
	v2 =	vadd.s32 v2, v9;
	v55 =	vshrl.u32 v6, $0x6  }
0x5e: {  	v56 =	vshll.u32 v6, $0x1A;
	v1 =	vadd.s32 v1, v6;
	v16 =	vor.u32 v37, v38  }
0x5f: {  	v6 =	vor.u32 v55, v56;
	v55 =	vshrl.u32 v43, $0x1A;
	v56 =	vshll.u32 v43, $0x6  }
0x60: {  	v9 =	vxor.u32 v2, v16;
	v6 =	vxor.u32 v1, v6;
	v60 =	vor.u32 v55, v56  }
0x61: {  	v2 =	vadd.s32 v2, v9;
	v61 =	vshrl.u32 v6, $0x1A;
	v62 =	vshll.u32 v6, $0x6  }
0x62: {  	v1 =	vadd.s32 v1, v6;
	v36 =	vxor.u32 v5, v60;
	v6 =	vor.u32 v61, v62  }
0x63: {  	v61 =	vor.u32 v51, v52;
	v52 =	vor.u32 v41, v42;
	v6 =	vxor.u32 v1, v6  }
0x64: {  	v1 =	vadd.s32 $0x1BD11BDA, v1;
	v11 =	vxor.u32 v4, v52;
	v6 =	vadd.s32 $0x5, v6  }
0x65: {  	v4 =	vadd.s32 v4, v11;
	v1 =	vxor.u32 v1, v6;
	v6 =	vor.u32 v54, v57  }
0x66: {  	v54 =	vshll.u32 v15, $0x6;
	v57 =	vor.u32 v45, v46;
	v6 =	vxor.u32 v7, v6  }
0x67: {  	v62 =	vor.u32 v53, v54;
	v32 =	vxor.u32 v3, v57;
	v57 =	vshrl.u32 v9, $0x3  }
0x68: {  	v49 =	vshrl.u32 v6, $0x1A;
	v50 =	vshll.u32 v6, $0x6;
	v6 =	vadd.s32 v7, v6  }
0x69: {  	v7 =	vadd.s32 v8, v14;
	v15 =	vxor.u32 v63, v62;
	v10 =	vadd.s32 $0x1BD11BDB, v32  }
0x6a: {  	v14 =	vadd.s32 $0x1BD11BDB, v36;
	v62 =	vshrl.u32 v11, $0x3;
	v59 =	vor.u32 v49, v50  }
0x6b: {  	v35 =	vxor.u32 v7, v61;
	v15 =	vadd.s32 $0x1BD11BDB, v15;
	v39 =	vshrl.u32 v10, $0xF  }
0x6c: {  	v40 =	vshll.u32 v10, $0x11;
	v49 =	vshrl.u32 v14, $0xF;
	v50 =	vshll.u32 v14, $0x11  }
0x6d: {  	v3 =	vadd.s32 v3, v10;
	v5 =	vadd.s32 v5, v14;
	v34 =	vxor.u32 v6, v59  }
0x6e: {  	v13 =	vadd.s32 $0x1BD11BDB, v35;
	v47 =	vshrl.u32 v15, $0xF;
	v48 =	vshll.u32 v15, $0x11  }
0x6f: {  	v51 =	vor.u32 v39, v40;
	v54 =	vor.u32 v49, v50;
	v8 =	vadd.s32 v63, v15  }
0x70: {  	v59 =	vshll.u32 v9, $0x1D;
	v63 =	vshll.u32 v11, $0x1D;
	v12 =	vadd.s32 $0x1BD11BDB, v34  }
0x71: {  	v45 =	vshrl.u32 v13, $0xF;
	v46 =	vshll.u32 v13, $0x11;
	v56 =	vor.u32 v47, v48  }
0x72: {  	v7 =	vadd.s32 v7, v13;
	v10 =	vxor.u32 v3, v51;
	v14 =	vxor.u32 v5, v54  }
0x73: {  	v15 =	vor.u32 v57, v59;
	v41 =	vor.u32 v62, v63;
	v43 =	vshrl.u32 v12, $0xF  }
0x74: {  	v44 =	vshll.u32 v12, $0x11;
	v55 =	vor.u32 v45, v46;
	v6 =	vadd.s32 v6, v12  }
0x75: {  	v58 =	vxor.u32 v8, v56;
	v60 =	vshrl.u32 v10, $0x3;
	v61 =	vshll.u32 v10, $0x1D  }
0x76: {  	v36 =	vshrl.u32 v14, $0x3;
	v39 =	vshll.u32 v14, $0x1D;
	v3 =	vadd.s32 v3, v10  }
0x77: {  	v5 =	vadd.s32 v5, v14;
	v46 =	vxor.u32 v2, v15;
	v48 =	vxor.u32 v4, v41  }
0x78: {  	v53 =	vor.u32 v43, v44;
	v13 =	vxor.u32 v7, v55;
	v37 =	vshrl.u32 v58, $0x3  }
0x79: {  	v38 =	vshll.u32 v58, $0x1D;
	v40 =	vor.u32 v60, v61;
	v44 =	vor.u32 v36, v39  }
0x7a: {  	v8 =	vadd.s32 v8, v58;
	v52 =	vshrl.u32 v46, $0x10;
	v56 =	vshrl.u32 v48, $0x10  }
0x7b: {  	v57 =	vshll.u32 v48, $0x10;
	v2 =	vadd.s32 v2, v46;
	v4 =	vadd.s32 v4, v48  }
0x7c: {  	v12 =	vxor.u32 v6, v53;
	v34 =	vshrl.u32 v13, $0x3;
	v35 =	vshll.u32 v13, $0x1D  }
0x7d: {  	v45 =	vor.u32 v37, v38;
	v7 =	vadd.s32 v7, v13;
	v47 =	vxor.u32 v3, v40  }
0x7e: {  	v51 =	vxor.u32 v5, v44;
	v53 =	vshll.u32 v46, $0x10;
	v32 =	vshrl.u32 v12, $0x3  }
0x7f: {  	v33 =	vshll.u32 v12, $0x1D;
	v43 =	vor.u32 v34, v35;
	v6 =	vadd.s32 v6, v12  }
0x80: {  	v9 =	vxor.u32 v8, v45;
	v54 =	vshrl.u32 v47, $0x10;
	v55 =	vshll.u32 v47, $0x10  }
0x81: {  	v63 =	vshrl.u32 v51, $0x10;
	v16 =	vor.u32 v52, v53;
	v35 =	vor.u32 v56, v57  }
0x82: {  	v3 =	vadd.s32 v3, v47;
	v5 =	vadd.s32 v5, v51;
	v42 =	vor.u32 v32, v33  }
0x83: {  	v50 =	vxor.u32 v7, v43;
	v62 =	vshrl.u32 v9, $0x10;
	v32 =	vshll.u32 v51, $0x10  }
0x84: {  	v33 =	vshll.u32 v9, $0x10;
	v34 =	vor.u32 v54, v55;
	v10 =	vxor.u32 v2, v16  }
0x85: {  	v8 =	vadd.s32 v8, v9;
	v41 =	vxor.u32 v4, v35;
	v49 =	vxor.u32 v6, v42  }
0x86: {  	v60 =	vshrl.u32 v50, $0x10;
	v61 =	vshll.u32 v50, $0x10;
	v38 =	vor.u32 v62, v33  }
0x87: {  	v39 =	vor.u32 v63, v32;
	v7 =	vadd.s32 v7, v50;
	v40 =	vxor.u32 v3, v34  }
0x88: {  	v16 =	vshrl.u32 v10, $0x8;
	v45 =	vshll.u32 v10, $0x18;
	v48 =	vshrl.u32 v41, $0x8  }
0x89: {  	v2 =	vadd.s32 v2, v10;
	v4 =	vadd.s32 v4, v41;
	v58 =	vshrl.u32 v49, $0x10  }
0x8a: {  	v59 =	vshll.u32 v49, $0x10;
	v37 =	vor.u32 v60, v61;
	v6 =	vadd.s32 v6, v49  }
0x8b: {  	v43 =	vxor.u32 v5, v39;
	v44 =	vxor.u32 v8, v38;
	v46 =	vshrl.u32 v40, $0x8  }
0x8c: {  	v47 =	vshll.u32 v40, $0x18;
	v49 =	vshll.u32 v41, $0x18;
	v16 =	vor.u32 v16, v45  }
0x8d: {  	v3 =	vadd.s32 v3, v40;
	v36 =	vor.u32 v58, v59;
	v14 =	vxor.u32 v7, v37  }
0x8e: {  	v54 =	vshrl.u32 v44, $0x8;
	v55 =	vshll.u32 v44, $0x18;
	v56 =	vshrl.u32 v43, $0x8  }
0x8f: {  	v57 =	vshll.u32 v43, $0x18;
	v58 =	vor.u32 v46, v47;
	v59 =	vor.u32 v48, v49  }
0x90: {  	v8 =	vadd.s32 v8, v44;
	v5 =	vadd.s32 v5, v43;
	v24 =	vxor.u32 v2, v16  }
0x91: {  	v42 =	vxor.u32 v6, v36;
	v52 =	vshrl.u32 v14, $0x8;
	v53 =	vshll.u32 v14, $0x18  }
0x92: {  	v61 =	vor.u32 v56, v57;
	v63 =	vor.u32 v54, v55;
	v7 =	vadd.s32 v7, v14  }
0x93: {  	v25 =	vxor.u32 v3, v58;
	v11 =	vxor.u32 v4, v59;
	v9 =	vadd.s32 $0x2, v24  }
0x94: {  	v50 =	vshrl.u32 v42, $0x8;
	v51 =	vshll.u32 v42, $0x18;
	v62 =	vor.u32 v52, v53  }
0x95: {  	v6 =	vadd.s32 v6, v42;
	v27 =	vxor.u32 v5, v61;
	v15 =	vxor.u32 v8, v63  }
0x96: {  	v10 =	vadd.s32 $0x2, v25;
	v11 =	vadd.s32 $0x2, v11;
	v2 =	vadd.s32 v9, v2  }
0x97: {  	v28 =	vshrl.u32 v9, $0x13;
	v9 =	vshll.u32 v9, $0xD;
	v60 =	vor.u32 v50, v51  }
0x98: {  	v26 =	vxor.u32 v7, v62;
	v14 =	vadd.s32 $0x2, v27;
	v15 =	vadd.s32 $0x2, v15  }
0x99: {  	v3 =	vadd.s32 v10, v3;
	v29 =	vshrl.u32 v10, $0x13;
	v10 =	vshll.u32 v10, $0xD  }
0x9a: {  	v4 =	vadd.s32 v11, v4;
	v30 =	vshrl.u32 v11, $0x13;
	v11 =	vshll.u32 v11, $0xD  }
0x9b: {  	v2 =	vadd.s32 $0x1BD11BDA, v2;
	v9 =	vor.u32 v28, v9;
	v12 =	vxor.u32 v6, v60  }
0x9c: {  	v13 =	vadd.s32 $0x2, v26;
	v8 =	vadd.s32 v15, v8;
	v33 =	vshrl.u32 v15, $0x13  }
0x9d: {  	v15 =	vshll.u32 v15, $0xD;
	v5 =	vadd.s32 v14, v5;
	v34 =	vshrl.u32 v14, $0x13  }
0x9e: {  	v14 =	vshll.u32 v14, $0xD;
	v3 =	vadd.s32 $0x1BD11BDA, v3;
	v10 =	vor.u32 v29, v10  }
0x9f: {  	v4 =	vadd.s32 $0x1BD11BDA, v4;
	v11 =	vor.u32 v30, v11;
	v9 =	vxor.u32 v2, v9  }
0xa0: {  	v12 =	vadd.s32 $0x2, v12;
	v7 =	vadd.s32 v13, v7;
	v32 =	vshrl.u32 v13, $0x13  }
0xa1: {  	v13 =	vshll.u32 v13, $0xD;
	v8 =	vadd.s32 $0x1BD11BDA, v8;
	v15 =	vor.u32 v33, v15  }
0xa2: {  	v5 =	vadd.s32 $0x1BD11BDA, v5;
	v14 =	vor.u32 v34, v14;
	v10 =	vxor.u32 v3, v10  }
0xa3: {  	v11 =	vxor.u32 v4, v11;
	v35 =	vshrl.u32 v9, $0x11;
	v36 =	vshll.u32 v9, $0xF  }
0xa4: {  	v2 =	vadd.s32 v2, v9;
	v6 =	vadd.s32 v12, v6;
	v31 =	vshrl.u32 v12, $0x13  }
0xa5: {  	v12 =	vshll.u32 v12, $0xD;
	v7 =	vadd.s32 $0x1BD11BDA, v7;
	v13 =	vor.u32 v32, v13  }
0xa6: {  	v14 =	vxor.u32 v5, v14;
	v15 =	vxor.u32 v8, v15;
	v37 =	vshrl.u32 v10, $0x11  }
0xa7: {  	v38 =	vshll.u32 v10, $0xF;
	v39 =	vshrl.u32 v11, $0x11;
	v40 =	vshll.u32 v11, $0xF  }
0xa8: {  	v16 =	vor.u32 v35, v36;
	v3 =	vadd.s32 v3, v10;
	v4 =	vadd.s32 v4, v11  }
0xa9: {  	v6 =	vadd.s32 $0x1BD11BDA, v6;
	v12 =	vor.u32 v31, v12;
	v13 =	vxor.u32 v7, v13  }
0xaa: {  	v45 =	vshrl.u32 v15, $0x11;
	v46 =	vshll.u32 v15, $0xF;
	v47 =	vshrl.u32 v14, $0x11  }
0xab: {  	v48 =	vshll.u32 v14, $0xF;
	v49 =	vor.u32 v37, v38;
	v50 =	vor.u32 v39, v40  }
0xac: {  	v8 =	vadd.s32 v8, v15;
	v5 =	vadd.s32 v5, v14;
	v9 =	vxor.u32 v2, v16  }
0xad: {  	v12 =	vxor.u32 v6, v12;
	v43 =	vshrl.u32 v13, $0x11;
	v44 =	vshll.u32 v13, $0xF  }
0xae: {  	v52 =	vor.u32 v47, v48;
	v54 =	vor.u32 v45, v46;
	v7 =	vadd.s32 v7, v13  }
0xaf: {  	v10 =	vxor.u32 v3, v49;
	v11 =	vxor.u32 v4, v50;
	v55 =	vshrl.u32 v9, $0x6  }
0xb0: {  	v57 =	vshll.u32 v9, $0x1A;
	v2 =	vadd.s32 v2, v9;
	v41 =	vshrl.u32 v12, $0x11  }
0xb1: {  	v42 =	vshll.u32 v12, $0xF;
	v53 =	vor.u32 v43, v44;
	v6 =	vadd.s32 v6, v12  }
0xb2: {  	v14 =	vxor.u32 v5, v52;
	v56 =	vxor.u32 v8, v54;
	v58 =	vshrl.u32 v10, $0x6  }
0xb3: {  	v59 =	vshll.u32 v10, $0x1A;
	v60 =	vshrl.u32 v11, $0x6;
	v61 =	vshll.u32 v11, $0x1A  }
0xb4: {  	v15 =	vor.u32 v55, v57;
	v3 =	vadd.s32 v3, v10;
	v4 =	vadd.s32 v4, v11  }
0xb5: {  	v51 =	vor.u32 v41, v42;
	v13 =	vxor.u32 v7, v53;
	v34 =	vshrl.u32 v14, $0x6  }
0xb6: {  	v35 =	vshrl.u32 v56, $0x6;
	v36 =	vshll.u32 v56, $0x1A;
	v37 =	vshll.u32 v14, $0x1A  }
0xb7: {  	v38 =	vor.u32 v58, v59;
	v39 =	vor.u32 v60, v61;
	v5 =	vadd.s32 v5, v14  }
0xb8: {  	v8 =	vadd.s32 v8, v56;
	v44 =	vxor.u32 v2, v15;
	v12 =	vxor.u32 v6, v51  }
0xb9: {  	v32 =	vshrl.u32 v13, $0x6;
	v33 =	vshll.u32 v13, $0x1A;
	v42 =	vor.u32 v34, v37  }
0xba: {  	v43 =	vor.u32 v35, v36;
	v7 =	vadd.s32 v7, v13;
	v45 =	vxor.u32 v3, v38  }
0xbb: {  	v46 =	vxor.u32 v4, v39;
	v50 =	vshrl.u32 v44, $0x1A;
	v51 =	vshll.u32 v44, $0x6  }
0xbc: {  	v2 =	vadd.s32 v2, v44;
	v62 =	vshrl.u32 v12, $0x6;
	v63 =	vshll.u32 v12, $0x1A  }
0xbd: {  	v41 =	vor.u32 v32, v33;
	v6 =	vadd.s32 v6, v12;
	v9 =	vxor.u32 v8, v43  }
0xbe: {  	v49 =	vxor.u32 v5, v42;
	v52 =	vshrl.u32 v45, $0x1A;
	v53 =	vshll.u32 v45, $0x6  }
0xbf: {  	v54 =	vshrl.u32 v46, $0x1A;
	v55 =	vshll.u32 v46, $0x6;
	v16 =	vor.u32 v50, v51  }
0xc0: {  	v3 =	vadd.s32 v3, v45;
	v4 =	vadd.s32 v4, v46;
	v40 =	vor.u32 v62, v63  }
0xc1: {  	v48 =	vxor.u32 v7, v41;
	v60 =	vshrl.u32 v9, $0x1A;
	v61 =	vshrl.u32 v49, $0x1A  }
0xc2: {  	v62 =	vshll.u32 v49, $0x6;
	v63 =	vshll.u32 v9, $0x6;
	v30 =	vor.u32 v52, v53  }
0xc3: {  	v31 =	vor.u32 v54, v55;
	v5 =	vadd.s32 v5, v49;
	v10 =	vxor.u32 v2, v16  }
0xc4: {  	v8 =	vadd.s32 v8, v9;
	v47 =	vxor.u32 v6, v40;
	v58 =	vshrl.u32 v48, $0x1A  }
0xc5: {  	v59 =	vshll.u32 v48, $0x6;
	v34 =	vor.u32 v60, v63;
	v35 =	vor.u32 v61, v62  }
0xc6: {  	v7 =	vadd.s32 v7, v48;
	v36 =	vxor.u32 v3, v30;
	v37 =	vxor.u32 v4, v31  }
0xc7: {  	v10 =	vadd.s32 $0x3, v10;
	v56 =	vshrl.u32 v47, $0x1A;
	v57 =	vshll.u32 v47, $0x6  }
0xc8: {  	v33 =	vor.u32 v58, v59;
	v6 =	vadd.s32 v6, v47;
	v39 =	vxor.u32 v5, v35  }
0xc9: {  	v40 =	vxor.u32 v8, v34;
	v9 =	vadd.s32 $0x3, v36;
	v11 =	vadd.s32 $0x3, v37  }
0xca: {  	v41 =	vshrl.u32 v10, $0xF;
	v42 =	vshll.u32 v10, $0x11;
	v2 =	vadd.s32 v2, v10  }
0xcb: {  	v32 =	vor.u32 v56, v57;
	v14 =	vxor.u32 v7, v33;
	v15 =	vadd.s32 $0x3, v40  }
0xcc: {  	v13 =	vadd.s32 $0x3, v39;
	v43 =	vshrl.u32 v9, $0xF;
	v44 =	vshll.u32 v9, $0x11  }
0xcd: {  	v45 =	vshrl.u32 v11, $0xF;
	v46 =	vshll.u32 v11, $0x11;
	v16 =	vor.u32 v41, v42  }
0xce: {  	v3 =	vadd.s32 v3, v9;
	v4 =	vadd.s32 v4, v11;
	v38 =	vxor.u32 v6, v32  }
0xcf: {  	v14 =	vadd.s32 $0x3, v14;
	v51 =	vshrl.u32 v15, $0xF;
	v52 =	vshrl.u32 v13, $0xF  }
0xd0: {  	v53 =	vshll.u32 v13, $0x11;
	v54 =	vshll.u32 v15, $0x11;
	v55 =	vor.u32 v43, v44  }
0xd1: {  	v56 =	vor.u32 v45, v46;
	v5 =	vadd.s32 v5, v13;
	v61 =	vxor.u32 v2, v16  }
0xd2: {  	v8 =	vadd.s32 v8, v15;
	v12 =	vadd.s32 $0x3, v38;
	v49 =	vshrl.u32 v14, $0xF  }
0xd3: {  	v50 =	vshll.u32 v14, $0x11;
	v59 =	vor.u32 v51, v54;
	v60 =	vor.u32 v52, v53  }
0xd4: {  	v7 =	vadd.s32 v7, v14;
	v62 =	vxor.u32 v3, v55;
	v11 =	vxor.u32 v4, v56  }
0xd5: {  	v16 =	vshrl.u32 v61, $0x3;
	v63 =	vshll.u32 v61, $0x1D;
	v2 =	vadd.s32 v2, v61  }
0xd6: {  	v47 =	vshrl.u32 v12, $0xF;
	v48 =	vshll.u32 v12, $0x11;
	v58 =	vor.u32 v49, v50  }
0xd7: {  	v6 =	vadd.s32 v6, v12;
	v13 =	vxor.u32 v5, v60;
	v15 =	vxor.u32 v8, v59  }
0xd8: {  	v32 =	vshrl.u32 v62, $0x3;
	v33 =	vshll.u32 v62, $0x1D;
	v34 =	vshrl.u32 v11, $0x3  }
0xd9: {  	v35 =	vshll.u32 v11, $0x1D;
	v16 =	vor.u32 v16, v63;
	v3 =	vadd.s32 v3, v62  }
0xda: {  	v4 =	vadd.s32 v4, v11;
	v57 =	vor.u32 v47, v48;
	v14 =	vxor.u32 v7, v58  }
0xdb: {  	v40 =	vshrl.u32 v15, $0x3;
	v41 =	vshll.u32 v15, $0x1D;
	v42 =	vshrl.u32 v13, $0x3  }
0xdc: {  	v43 =	vshll.u32 v13, $0x1D;
	v44 =	vor.u32 v32, v33;
	v45 =	vor.u32 v34, v35  }
0xdd: {  	v8 =	vadd.s32 v8, v15;
	v5 =	vadd.s32 v5, v13;
	v9 =	vxor.u32 v2, v16  }
0xde: {  	v12 =	vxor.u32 v6, v57;
	v38 =	vshrl.u32 v14, $0x3;
	v39 =	vshll.u32 v14, $0x1D  }
0xdf: {  	v47 =	vor.u32 v42, v43;
	v49 =	vor.u32 v40, v41;
	v7 =	vadd.s32 v7, v14  }
0xe0: {  	v10 =	vxor.u32 v3, v44;
	v11 =	vxor.u32 v4, v45;
	v52 =	vshrl.u32 v9, $0x10  }
0xe1: {  	v54 =	vshll.u32 v9, $0x10;
	v2 =	vadd.s32 v2, v9;
	v36 =	vshrl.u32 v12, $0x3  }
0xe2: {  	v37 =	vshll.u32 v12, $0x1D;
	v48 =	vor.u32 v38, v39;
	v6 =	vadd.s32 v6, v12  }
0xe3: {  	v51 =	vxor.u32 v5, v47;
	v53 =	vxor.u32 v8, v49;
	v55 =	vshrl.u32 v10, $0x10  }
0xe4: {  	v56 =	vshll.u32 v10, $0x10;
	v57 =	vshrl.u32 v11, $0x10;
	v58 =	vshll.u32 v11, $0x10  }
0xe5: {  	v15 =	vor.u32 v52, v54;
	v3 =	vadd.s32 v3, v10;
	v4 =	vadd.s32 v4, v11  }
0xe6: {  	v46 =	vor.u32 v36, v37;
	v50 =	vxor.u32 v7, v48;
	v63 =	vshrl.u32 v51, $0x10  }
0xe7: {  	v32 =	vshrl.u32 v53, $0x10;
	v33 =	vshll.u32 v53, $0x10;
	v34 =	vshll.u32 v51, $0x10  }
0xe8: {  	v35 =	vor.u32 v55, v56;
	v36 =	vor.u32 v57, v58;
	v5 =	vadd.s32 v5, v51  }
0xe9: {  	v8 =	vadd.s32 v8, v53;
	v41 =	vxor.u32 v2, v15;
	v12 =	vxor.u32 v6, v46  }
0xea: {  	v61 =	vshrl.u32 v50, $0x10;
	v62 =	vshll.u32 v50, $0x10;
	v39 =	vor.u32 v63, v34  }
0xeb: {  	v40 =	vor.u32 v32, v33;
	v7 =	vadd.s32 v7, v50;
	v42 =	vxor.u32 v3, v35  }
0xec: {  	v43 =	vxor.u32 v4, v36;
	v47 =	vshrl.u32 v41, $0x8;
	v48 =	vshll.u32 v41, $0x18  }
0xed: {  	v2 =	vadd.s32 v2, v41;
	v59 =	vshrl.u32 v12, $0x10;
	v60 =	vshll.u32 v12, $0x10  }
0xee: {  	v38 =	vor.u32 v61, v62;
	v6 =	vadd.s32 v6, v12;
	v9 =	vxor.u32 v8, v40  }
0xef: {  	v46 =	vxor.u32 v5, v39;
	v49 =	vshrl.u32 v42, $0x8;
	v50 =	vshll.u32 v42, $0x18  }
0xf0: {  	v51 =	vshrl.u32 v43, $0x8;
	v52 =	vshll.u32 v43, $0x18;
	v16 =	vor.u32 v47, v48  }
0xf1: {  	v3 =	vadd.s32 v3, v42;
	v4 =	vadd.s32 v4, v43;
	v37 =	vor.u32 v59, v60  }
0xf2: {  	v45 =	vxor.u32 v7, v38;
	v57 =	vshrl.u32 v9, $0x8;
	v58 =	vshrl.u32 v46, $0x8  }
0xf3: {  	v59 =	vshll.u32 v46, $0x18;
	v60 =	vshll.u32 v9, $0x18;
	v61 =	vor.u32 v49, v50  }
0xf4: {  	v62 =	vor.u32 v51, v52;
	v5 =	vadd.s32 v5, v46;
	v10 =	vxor.u32 v2, v16  }
0xf5: {  	v8 =	vadd.s32 v8, v9;
	v44 =	vxor.u32 v6, v37;
	v55 =	vshrl.u32 v45, $0x8  }
0xf6: {  	v56 =	vshll.u32 v45, $0x18;
	v26 =	vor.u32 v57, v60;
	v29 =	vor.u32 v58, v59  }
0xf7: {  	v7 =	vadd.s32 v7, v45;
	v30 =	vxor.u32 v3, v61;
	v31 =	vxor.u32 v4, v62  }
0xf8: {  	v10 =	vadd.s32 $0x1BD11BDE, v10;
	v53 =	vshrl.u32 v44, $0x8;
	v54 =	vshll.u32 v44, $0x18  }
0xf9: {  	v25 =	vor.u32 v55, v56;
	v6 =	vadd.s32 v6, v44;
	v33 =	vxor.u32 v5, v29  }
0xfa: {  	v34 =	vxor.u32 v8, v26;
	v9 =	vadd.s32 $0x1BD11BDE, v30;
	v11 =	vadd.s32 $0x1BD11BDE, v31  }
0xfb: {  	v35 =	vshrl.u32 v10, $0x13;
	v36 =	vshll.u32 v10, $0xD;
	v2 =	vadd.s32 v2, v10  }
0xfc: {  	v63 =	vor.u32 v53, v54;
	v14 =	vxor.u32 v7, v25;
	v15 =	vadd.s32 $0x1BD11BDE, v34  }
0xfd: {  	v13 =	vadd.s32 $0x1BD11BDE, v33;
	v37 =	vshrl.u32 v9, $0x13;
	v38 =	vshll.u32 v9, $0xD  }
0xfe: {  	v39 =	vshrl.u32 v11, $0x13;
	v40 =	vshll.u32 v11, $0xD;
	v16 =	vor.u32 v35, v36  }
0xff: {  	v3 =	vadd.s32 v3, v9;
	v4 =	vadd.s32 v4, v11;
	v32 =	vxor.u32 v6, v63  }
0x100: {  	v14 =	vadd.s32 $0x1BD11BDE, v14;
	v45 =	vshrl.u32 v15, $0x13;
	v46 =	vshrl.u32 v13, $0x13  }
0x101: {  	v47 =	vshll.u32 v13, $0xD;
	v48 =	vshll.u32 v15, $0xD;
	v49 =	vor.u32 v37, v38  }
0x102: {  	v50 =	vor.u32 v39, v40;
	v5 =	vadd.s32 v5, v13;
	v55 =	vxor.u32 v2, v16  }
0x103: {  	v8 =	vadd.s32 v8, v15;
	v12 =	vadd.s32 $0x1BD11BDE, v32;
	v43 =	vshrl.u32 v14, $0x13  }
0x104: {  	v44 =	vshll.u32 v14, $0xD;
	v53 =	vor.u32 v45, v48;
	v54 =	vor.u32 v46, v47  }
0x105: {  	v7 =	vadd.s32 v7, v14;
	v56 =	vxor.u32 v3, v49;
	v11 =	vxor.u32 v4, v50  }
0x106: {  	v16 =	vshrl.u32 v55, $0x11;
	v57 =	vshll.u32 v55, $0xF;
	v2 =	vadd.s32 v2, v55  }
0x107: {  	v41 =	vshrl.u32 v12, $0x13;
	v42 =	vshll.u32 v12, $0xD;
	v52 =	vor.u32 v43, v44  }
0x108: {  	v6 =	vadd.s32 v6, v12;
	v13 =	vxor.u32 v5, v54;
	v15 =	vxor.u32 v8, v53  }
0x109: {  	v58 =	vshrl.u32 v56, $0x11;
	v59 =	vshll.u32 v56, $0xF;
	v60 =	vshrl.u32 v11, $0x11  }
0x10a: {  	v61 =	vshll.u32 v11, $0xF;
	v16 =	vor.u32 v16, v57;
	v3 =	vadd.s32 v3, v56  }
0x10b: {  	v4 =	vadd.s32 v4, v11;
	v51 =	vor.u32 v41, v42;
	v14 =	vxor.u32 v7, v52  }
0x10c: {  	v34 =	vshrl.u32 v15, $0x11;
	v35 =	vshll.u32 v15, $0xF;
	v36 =	vshrl.u32 v13, $0x11  }
0x10d: {  	v37 =	vshll.u32 v13, $0xF;
	v38 =	vor.u32 v58, v59;
	v39 =	vor.u32 v60, v61  }
0x10e: {  	v8 =	vadd.s32 v8, v15;
	v5 =	vadd.s32 v5, v13;
	v9 =	vxor.u32 v2, v16  }
0x10f: {  	v12 =	vxor.u32 v6, v51;
	v32 =	vshrl.u32 v14, $0x11;
	v33 =	vshll.u32 v14, $0xF  }
0x110: {  	v41 =	vor.u32 v36, v37;
	v43 =	vor.u32 v34, v35;
	v7 =	vadd.s32 v7, v14  }
0x111: {  	v10 =	vxor.u32 v3, v38;
	v11 =	vxor.u32 v4, v39;
	v46 =	vshrl.u32 v9, $0x6  }
0x112: {  	v48 =	vshll.u32 v9, $0x1A;
	v2 =	vadd.s32 v2, v9;
	v62 =	vshrl.u32 v12, $0x11  }
0x113: {  	v63 =	vshll.u32 v12, $0xF;
	v42 =	vor.u32 v32, v33;
	v6 =	vadd.s32 v6, v12  }
0x114: {  	v45 =	vxor.u32 v5, v41;
	v47 =	vxor.u32 v8, v43;
	v49 =	vshrl.u32 v10, $0x6  }
0x115: {  	v50 =	vshll.u32 v10, $0x1A;
	v51 =	vshrl.u32 v11, $0x6;
	v52 =	vshll.u32 v11, $0x1A  }
0x116: {  	v15 =	vor.u32 v46, v48;
	v3 =	vadd.s32 v3, v10;
	v4 =	vadd.s32 v4, v11  }
0x117: {  	v40 =	vor.u32 v62, v63;
	v44 =	vxor.u32 v7, v42;
	v57 =	vshrl.u32 v45, $0x6  }
0x118: {  	v58 =	vshrl.u32 v47, $0x6;
	v59 =	vshll.u32 v47, $0x1A;
	v60 =	vshll.u32 v45, $0x1A  }
0x119: {  	v61 =	vor.u32 v49, v50;
	v62 =	vor.u32 v51, v52;
	v5 =	vadd.s32 v5, v45  }
0x11a: {  	v8 =	vadd.s32 v8, v47;
	v33 =	vxor.u32 v2, v15;
	v12 =	vxor.u32 v6, v40  }
0x11b: {  	v55 =	vshrl.u32 v44, $0x6;
	v56 =	vshll.u32 v44, $0x1A;
	v31 =	vor.u32 v57, v60  }
0x11c: {  	v32 =	vor.u32 v58, v59;
	v7 =	vadd.s32 v7, v44;
	v34 =	vxor.u32 v3, v61  }
0x11d: {  	v35 =	vxor.u32 v4, v62;
	v39 =	vshrl.u32 v33, $0x1A;
	v40 =	vshll.u32 v33, $0x6  }
0x11e: {  	v2 =	vadd.s32 v2, v33;
	v53 =	vshrl.u32 v12, $0x6;
	v54 =	vshll.u32 v12, $0x1A  }
0x11f: {  	v30 =	vor.u32 v55, v56;
	v6 =	vadd.s32 v6, v12;
	v9 =	vxor.u32 v8, v32  }
0x120: {  	v38 =	vxor.u32 v5, v31;
	v41 =	vshrl.u32 v34, $0x1A;
	v42 =	vshll.u32 v34, $0x6  }
0x121: {  	v43 =	vshrl.u32 v35, $0x1A;
	v44 =	vshll.u32 v35, $0x6;
	v16 =	vor.u32 v39, v40  }
0x122: {  	v3 =	vadd.s32 v3, v34;
	v4 =	vadd.s32 v4, v35;
	v63 =	vor.u32 v53, v54  }
0x123: {  	v37 =	vxor.u32 v7, v30;
	v49 =	vshrl.u32 v9, $0x1A;
	v50 =	vshrl.u32 v38, $0x1A  }
0x124: {  	v51 =	vshll.u32 v38, $0x6;
	v52 =	vshll.u32 v9, $0x6;
	v53 =	vor.u32 v41, v42  }
0x125: {  	v54 =	vor.u32 v43, v44;
	v5 =	vadd.s32 v5, v38;
	v10 =	vxor.u32 v2, v16  }
0x126: {  	v8 =	vadd.s32 v8, v9;
	v2 =	vadd.s32 $0x1BD11BDA, v2;
	v36 =	vxor.u32 v6, v63  }
0x127: {  	v47 =	vshrl.u32 v37, $0x1A;
	v48 =	vshll.u32 v37, $0x6;
	v57 =	vor.u32 v49, v52  }
0x128: {  	v58 =	vor.u32 v50, v51;
	v7 =	vadd.s32 v7, v37;
	v59 =	vxor.u32 v3, v53  }
0x129: {  	s15 =	simm.s32 $0x40;
	v60 =	vxor.u32 v4, v54;
	v10 =	vadd.s32 $0x5, v10;
	v3 =	vadd.s32 $0x1BD11BDA, v3  }
0x12a: {  	[tilespmem:s15+$0x30] =	vst v1;
	v4 =	vadd.s32 $0x1BD11BDA, v4;
	v1 =	vadd.s32 $0x1BD11BDA, v5;
	v45 =	vshrl.u32 v36, $0x1A  }
0x12b: {  	v46 =	vshll.u32 v36, $0x6;
	v56 =	vor.u32 v47, v48;
	v6 =	vadd.s32 v6, v36  }
0x12c: {  	v62 =	vxor.u32 v5, v58;
	v63 =	vxor.u32 v8, v57;
	v9 =	vadd.s32 $0x5, v59  }
0x12d: {  	v11 =	vadd.s32 $0x5, v60;
	v2 =	vxor.u32 v2, v10;
	v8 =	vadd.s32 $0x1BD11BDA, v8  }
0x12e: {  	v55 =	vor.u32 v45, v46;
	v14 =	vxor.u32 v7, v56;
	v15 =	vadd.s32 $0x5, v63  }
0x12f: {  	v13 =	vadd.s32 $0x5, v62;
	v7 =	vadd.s32 $0x1BD11BDA, v7;
	[tilespmem:s15+$0xFFFFFFD0] =	vst v2;
	v2 =	vxor.u32 v3, v9  }
0x130: {  	v5 =	vxor.u32 v4, v11;
	v61 =	vxor.u32 v6, v55;
	v14 =	vadd.s32 $0x5, v14  }
0x131: {  	v6 =	vadd.s32 $0x1BD11BDA, v6;
	v1 =	vxor.u32 v1, v13;
	v12 =	vadd.s32 $0x5, v61  }
0x132: {  	s17 =	sadd.s32 $0x80, s13;
	s16 =	simm.s32 $0x100;
	[tilespmem:s15+$0xFFFFFFE0] =	vst v2;
	v2 =	vxor.u32 v8, v15;
	v4 =	vxor.u32 v7, v14;
	v3 =	vxor.u32 v6, v12  }
.LBB2_4:
0x133: {  	p1 =	sne.s32 s16, $0x3F80;
	v8 =	vmov s17;
	v6 =	vor.u32 s17, v0;
	s18 =	sadd.s32 $0x10, s17;
	s19 =	sadd.s32 $0x70, s17;
	[tilespmem:s15+$0xFFFFFFF0] =	vst v5  }
0x134: {  	s20 =	sadd.s32 $0x20, s17;
	s21 =	sadd.s32 $0x30, s17;
	s22 =	sadd.s32 $0x40, s17;
	v9 =	vmov s18;
	v5 =	vmov s19;
	v7 =	vor.u32 s19, v0;
	[tilespmem:s15+$0x0] =	vst v3  }
0x135: {  	v3 =	vor.u32 s18, v0;
	s18 =	sadd.s32 $0x50, s17;
	s17 =	sadd.s32 $0x60, s17;
	v5 =	vshrl.u32 v5, $0x13;
	v10 =	vshll.u32 v7, $0xD;
	[tilespmem:s15+$0x10] =	vst v4  }
0x136: {  	v11 =	vmov s20;
	v4 =	vor.u32 s20, v0;
	v5 =	vor.u32 v5, v10;
	[tilespmem:s15+$0x20] =	vst v2  }
0x137: {  	v10 =	vmov s21;
	v2 =	vor.u32 s21, v0;
	v5 =	vxor.u32 v7, v5;
	[tilespmem:s15+$0xFFFFFFC0] =	vst v1  }
0x138: {  	v12 =	vmov s22;
	v13 =	vshrl.u32 v5, $0x11;
	v14 =	vshll.u32 v5, $0xF  }
0x139: {  	v1 =	vor.u32 s22, v0;
	v15 =	vadd.s32 v7, v5;
	v7 =	vor.u32 v13, v14  }
0x13a: {  	v5 =	vor.u32 s18, v0;
	v13 =	vmov s18;
	v14 =	vxor.u32 v15, v7  }
0x13b: {  	v16 =	vmov s17;
	v17 =	vshrl.u32 v14, $0x6;
	v18 =	vshll.u32 v14, $0x1A  }
0x13c: {  	v7 =	vor.u32 s17, v0;
	v14 =	vadd.s32 v15, v14;
	v15 =	vor.u32 v17, v18  }
0x13d: {  	v9 =	vshrl.u32 v9, $0x13;
	v17 =	vshll.u32 v3, $0xD;
	v15 =	vxor.u32 v14, v15  }
0x13e: {  	v11 =	vshrl.u32 v11, $0x13;
	v18 =	vshrl.u32 v15, $0x1A;
	v19 =	vshll.u32 v15, $0x6  }
0x13f: {  	v20 =	vshll.u32 v4, $0xD;
	v14 =	vadd.s32 v14, v15;
	v15 =	vor.u32 v18, v19  }
0x140: {  	v10 =	vshrl.u32 v10, $0x13;
	v18 =	vshll.u32 v2, $0xD;
	v15 =	vxor.u32 v14, v15  }
0x141: {  	v12 =	vshrl.u32 v12, $0x13;
	v19 =	vshll.u32 v1, $0xD;
	v15 =	vadd.s32 $0x1BD11BDB, v15  }
0x142: {  	v13 =	vshrl.u32 v13, $0x13;
	v21 =	vshrl.u32 v15, $0xF;
	v22 =	vshll.u32 v15, $0x11  }
0x143: {  	v23 =	vshll.u32 v5, $0xD;
	v14 =	vadd.s32 v14, v15;
	v15 =	vor.u32 v21, v22  }
0x144: {  	v16 =	vshrl.u32 v16, $0x13;
	v21 =	vshll.u32 v7, $0xD;
	v15 =	vxor.u32 v14, v15  }
0x145: {  	v8 =	vshrl.u32 v8, $0x13;
	v22 =	vshrl.u32 v15, $0x3;
	v24 =	vshll.u32 v15, $0x1D  }
0x146: {  	v25 =	vshll.u32 v6, $0xD;
	v14 =	vadd.s32 v14, v15;
	v15 =	vor.u32 v22, v24  }
0x147: {  	v11 =	vor.u32 v11, v20;
	v9 =	vor.u32 v9, v17;
	v15 =	vxor.u32 v14, v15  }
0x148: {  	v10 =	vor.u32 v10, v18;
	v17 =	vshrl.u32 v15, $0x10;
	v18 =	vshll.u32 v15, $0x10  }
0x149: {  	v12 =	vor.u32 v12, v19;
	v14 =	vadd.s32 v14, v15;
	v15 =	vor.u32 v17, v18  }
0x14a: {  	v13 =	vor.u32 v13, v23;
	v16 =	vor.u32 v16, v21;
	v15 =	vxor.u32 v14, v15  }
0x14b: {  	v8 =	vor.u32 v8, v25;
	v17 =	vshrl.u32 v15, $0x8;
	v18 =	vshll.u32 v15, $0x18  }
0x14c: {  	v9 =	vxor.u32 v3, v9;
	v14 =	vadd.s32 v14, v15;
	v15 =	vor.u32 v17, v18  }
0x14d: {  	v11 =	vxor.u32 v4, v11;
	v10 =	vxor.u32 v2, v10;
	v15 =	vxor.u32 v14, v15  }
0x14e: {  	v13 =	vxor.u32 v5, v13;
	v12 =	vxor.u32 v1, v12;
	v15 =	vadd.s32 $0x2, v15  }
0x14f: {  	v14 =	vadd.s32 v15, v14;
	v17 =	vshrl.u32 v15, $0x13;
	v15 =	vshll.u32 v15, $0xD  }
0x150: {  	v16 =	vxor.u32 v7, v16;
	v14 =	vadd.s32 $0x1BD11BDA, v14;
	v15 =	vor.u32 v17, v15  }
0x151: {  	v8 =	vxor.u32 v6, v8;
	v17 =	vshrl.u32 v9, $0x11;
	v15 =	vxor.u32 v14, v15  }
0x152: {  	v18 =	vshll.u32 v9, $0xF;
	v19 =	vshrl.u32 v15, $0x11;
	v20 =	vshll.u32 v15, $0xF  }
0x153: {  	v21 =	vshrl.u32 v11, $0x11;
	v14 =	vadd.s32 v14, v15;
	v15 =	vor.u32 v19, v20  }
0x154: {  	v19 =	vshll.u32 v11, $0xF;
	v20 =	vshrl.u32 v10, $0x11;
	v15 =	vxor.u32 v14, v15  }
0x155: {  	v22 =	vshll.u32 v10, $0xF;
	v23 =	vshrl.u32 v15, $0x6;
	v24 =	vshll.u32 v15, $0x1A  }
0x156: {  	v25 =	vshrl.u32 v12, $0x11;
	v14 =	vadd.s32 v14, v15;
	v15 =	vor.u32 v23, v24  }
0x157: {  	v23 =	vshll.u32 v12, $0xF;
	v24 =	vshrl.u32 v13, $0x11;
	v15 =	vxor.u32 v14, v15  }
0x158: {  	v26 =	vshll.u32 v13, $0xF;
	v27 =	vshrl.u32 v15, $0x1A;
	v28 =	vshll.u32 v15, $0x6  }
0x159: {  	v29 =	vshrl.u32 v16, $0x11;
	v14 =	vadd.s32 v14, v15;
	v15 =	vor.u32 v27, v28  }
0x15a: {  	v27 =	vshrl.u32 v8, $0x11;
	v28 =	vshll.u32 v16, $0xF;
	v15 =	vxor.u32 v14, v15  }
0x15b: {  	v30 =	vshll.u32 v8, $0xF;
	v17 =	vor.u32 v17, v18;
	v15 =	vadd.s32 $0x3, v15  }
0x15c: {  	v18 =	vor.u32 v21, v19;
	v19 =	vshrl.u32 v15, $0xF;
	v21 =	vshll.u32 v15, $0x11  }
0x15d: {  	v20 =	vor.u32 v20, v22;
	v14 =	vadd.s32 v14, v15;
	v15 =	vor.u32 v19, v21  }
0x15e: {  	v19 =	vor.u32 v25, v23;
	v21 =	vor.u32 v24, v26;
	v15 =	vxor.u32 v14, v15  }
0x15f: {  	v22 =	vor.u32 v29, v28;
	v23 =	vshrl.u32 v15, $0x3;
	v24 =	vshll.u32 v15, $0x1D  }
0x160: {  	v25 =	vor.u32 v27, v30;
	v14 =	vadd.s32 v14, v15;
	v15 =	vor.u32 v23, v24  }
0x161: {  	v4 =	vadd.s32 v4, v11;
	v3 =	vadd.s32 v3, v9;
	v9 =	vxor.u32 v14, v15  }
0x162: {  	v2 =	vadd.s32 v2, v10;
	v10 =	vshrl.u32 v9, $0x10;
	v11 =	vshll.u32 v9, $0x10  }
0x163: {  	v1 =	vadd.s32 v1, v12;
	v9 =	vadd.s32 v14, v9;
	v10 =	vor.u32 v10, v11  }
0x164: {  	v5 =	vadd.s32 v5, v13;
	v7 =	vadd.s32 v7, v16;
	v10 =	vxor.u32 v9, v10  }
0x165: {  	v6 =	vadd.s32 v6, v8;
	v8 =	vshrl.u32 v10, $0x8;
	v11 =	vshll.u32 v10, $0x18  }
0x166: {  	v12 =	vxor.u32 v3, v17;
	v9 =	vadd.s32 v9, v10;
	v8 =	vor.u32 v8, v11  }
0x167: {  	v10 =	vxor.u32 v4, v18;
	v11 =	vxor.u32 v2, v20;
	v8 =	vxor.u32 v9, v8  }
0x168: {  	v13 =	vxor.u32 v1, v19;
	v14 =	vxor.u32 v5, v21;
	v8 =	vadd.s32 $0x1BD11BDE, v8  }
0x169: {  	v15 =	vxor.u32 v7, v22;
	v16 =	vshrl.u32 v8, $0x13;
	v17 =	vshll.u32 v8, $0xD  }
0x16a: {  	v18 =	vxor.u32 v6, v25;
	v8 =	vadd.s32 v9, v8;
	v9 =	vor.u32 v16, v17  }
0x16b: {  	v16 =	vshrl.u32 v12, $0x6;
	v17 =	vshll.u32 v12, $0x1A;
	v9 =	vxor.u32 v8, v9  }
0x16c: {  	v19 =	vshrl.u32 v10, $0x6;
	v20 =	vshrl.u32 v9, $0x11;
	v21 =	vshll.u32 v9, $0xF  }
0x16d: {  	v22 =	vshll.u32 v10, $0x1A;
	v8 =	vadd.s32 v8, v9;
	v9 =	vor.u32 v20, v21  }
0x16e: {  	v20 =	vshrl.u32 v11, $0x6;
	v21 =	vshll.u32 v11, $0x1A;
	v9 =	vxor.u32 v8, v9  }
0x16f: {  	v23 =	vshrl.u32 v13, $0x6;
	v24 =	vshrl.u32 v9, $0x6;
	v25 =	vshll.u32 v9, $0x1A  }
0x170: {  	v26 =	vshll.u32 v13, $0x1A;
	v8 =	vadd.s32 v8, v9;
	v9 =	vor.u32 v24, v25  }
0x171: {  	v24 =	vshrl.u32 v14, $0x6;
	v25 =	vshll.u32 v14, $0x1A;
	v9 =	vxor.u32 v8, v9  }
0x172: {  	v27 =	vshrl.u32 v15, $0x6;
	v28 =	vshrl.u32 v9, $0x1A;
	v29 =	vshll.u32 v9, $0x6  }
0x173: {  	v30 =	vshll.u32 v15, $0x1A;
	v8 =	vadd.s32 v8, v9;
	v9 =	vor.u32 v28, v29  }
0x174: {  	v28 =	vshrl.u32 v18, $0x6;
	v29 =	vshll.u32 v18, $0x1A;
	v9 =	vxor.u32 v8, v9  }
0x175: {  	v16 =	vor.u32 v16, v17;
	v8 =	vadd.s32 $0x1BD11BDA, v8;
	v9 =	vadd.s32 $0x5, v9  }
0x176: {  	s15 =	sadd.s32 $0x80, s15;
	v17 =	vor.u32 v19, v22;
	v19 =	vor.u32 v20, v21;
	v8 =	vxor.u32 v8, v9  }
0x177: {  	v21 =	vor.u32 v27, v30;
	v20 =	vor.u32 v24, v25;
	v9 =	vor.u32 v23, v26;
	[tilespmem:s15+$0x30] =	vst v8  }
0x178: {  	v3 =	vadd.s32 v3, v12;
	v4 =	vadd.s32 v4, v10;
	v8 =	vor.u32 v28, v29  }
0x179: {  	v1 =	vadd.s32 v1, v13;
	v5 =	vadd.s32 v5, v14;
	v2 =	vadd.s32 v2, v11  }
0x17a: {  	v7 =	vadd.s32 v7, v15;
	v6 =	vadd.s32 v6, v18;
	v10 =	vxor.u32 v3, v16  }
0x17b: {  	v11 =	vxor.u32 v4, v17;
	v12 =	vxor.u32 v2, v19;
	v9 =	vxor.u32 v1, v9  }
0x17c: {  	v14 =	vxor.u32 v7, v21;
	v13 =	vxor.u32 v5, v20;
	v8 =	vxor.u32 v6, v8  }
0x17d: {  	v15 =	vshrl.u32 v10, $0x1A;
	v16 =	vshll.u32 v10, $0x6;
	v17 =	vshrl.u32 v11, $0x1A  }
0x17e: {  	v19 =	vshrl.u32 v12, $0x1A;
	v20 =	vshll.u32 v12, $0x6;
	v18 =	vshll.u32 v11, $0x6  }
0x17f: {  	v23 =	vshrl.u32 v13, $0x1A;
	v21 =	vshrl.u32 v9, $0x1A;
	v22 =	vshll.u32 v9, $0x6  }
0x180: {  	v25 =	vshrl.u32 v14, $0x1A;
	v24 =	vshll.u32 v13, $0x6;
	v26 =	vshll.u32 v14, $0x6  }
0x181: {  	v15 =	vor.u32 v15, v16;
	v27 =	vshrl.u32 v8, $0x1A;
	v28 =	vshll.u32 v8, $0x6  }
0x182: {  	v16 =	vor.u32 v17, v18;
	v17 =	vor.u32 v19, v20;
	v18 =	vor.u32 v21, v22  }
0x183: {  	v20 =	vor.u32 v23, v24;
	v21 =	vor.u32 v25, v26;
	v19 =	vor.u32 v27, v28  }
0x184: {  	v3 =	vadd.s32 v3, v10;
	v4 =	vadd.s32 v4, v11;
	v2 =	vadd.s32 v2, v12  }
0x185: {  	v7 =	vadd.s32 v7, v14;
	v5 =	vadd.s32 v5, v13;
	v1 =	vadd.s32 v1, v9  }
0x186: {  	v9 =	vxor.u32 v4, v16;
	v6 =	vadd.s32 v6, v8;
	v8 =	vxor.u32 v3, v15  }
0x187: {  	v10 =	vxor.u32 v2, v17;
	v12 =	vxor.u32 v5, v20;
	v11 =	vxor.u32 v1, v18  }
0x188: {  	v8 =	vadd.s32 $0x1BD11BDB, v8;
	v14 =	vxor.u32 v7, v21;
	v13 =	vxor.u32 v6, v19  }
0x189: {  	v10 =	vadd.s32 $0x1BD11BDB, v10;
	v9 =	vadd.s32 $0x1BD11BDB, v9;
	v11 =	vadd.s32 $0x1BD11BDB, v11  }
0x18a: {  	v12 =	vadd.s32 $0x1BD11BDB, v12;
	v14 =	vadd.s32 $0x1BD11BDB, v14;
	v13 =	vadd.s32 $0x1BD11BDB, v13  }
0x18b: {  	v17 =	vshrl.u32 v9, $0xF;
	v15 =	vshrl.u32 v8, $0xF;
	v16 =	vshll.u32 v8, $0x11  }
0x18c: {  	v20 =	vshll.u32 v10, $0x11;
	v18 =	vshll.u32 v9, $0x11;
	v19 =	vshrl.u32 v10, $0xF  }
0x18d: {  	v23 =	vshrl.u32 v12, $0xF;
	v21 =	vshrl.u32 v11, $0xF;
	v22 =	vshll.u32 v11, $0x11  }
0x18e: {  	v24 =	vshll.u32 v12, $0x11;
	v25 =	vshrl.u32 v14, $0xF;
	v26 =	vshll.u32 v14, $0x11  }
0x18f: {  	v15 =	vor.u32 v15, v16;
	v27 =	vshrl.u32 v13, $0xF;
	v28 =	vshll.u32 v13, $0x11  }
0x190: {  	v16 =	vor.u32 v17, v18;
	v17 =	vor.u32 v19, v20;
	v18 =	vor.u32 v21, v22  }
0x191: {  	v20 =	vor.u32 v23, v24;
	v21 =	vor.u32 v25, v26;
	v19 =	vor.u32 v27, v28  }
0x192: {  	v2 =	vadd.s32 v2, v10;
	v4 =	vadd.s32 v4, v9;
	v3 =	vadd.s32 v3, v8  }
0x193: {  	v5 =	vadd.s32 v5, v12;
	v1 =	vadd.s32 v1, v11;
	v7 =	vadd.s32 v7, v14  }
0x194: {  	v6 =	vadd.s32 v6, v13;
	v8 =	vxor.u32 v3, v15;
	v9 =	vxor.u32 v4, v16  }
0x195: {  	v10 =	vxor.u32 v2, v17;
	v12 =	vxor.u32 v5, v20;
	v11 =	vxor.u32 v1, v18  }
0x196: {  	v14 =	vshrl.u32 v8, $0x3;
	v15 =	vxor.u32 v7, v21;
	v13 =	vxor.u32 v6, v19  }
0x197: {  	v16 =	vshll.u32 v8, $0x1D;
	v17 =	vshrl.u32 v9, $0x3;
	v18 =	vshll.u32 v9, $0x1D  }
0x198: {  	v20 =	vshll.u32 v10, $0x1D;
	v19 =	vshrl.u32 v10, $0x3;
	v21 =	vshrl.u32 v11, $0x3  }
0x199: {  	v23 =	vshrl.u32 v12, $0x3;
	v24 =	vshll.u32 v12, $0x1D;
	v22 =	vshll.u32 v11, $0x1D  }
0x19a: {  	v26 =	vshrl.u32 v15, $0x3;
	v27 =	vshll.u32 v15, $0x1D;
	v25 =	vshrl.u32 v13, $0x3  }
0x19b: {  	v14 =	vor.u32 v14, v16;
	v16 =	vor.u32 v17, v18;
	v28 =	vshll.u32 v13, $0x1D  }
0x19c: {  	v17 =	vor.u32 v19, v20;
	v18 =	vor.u32 v21, v22;
	v19 =	vor.u32 v23, v24  }
0x19d: {  	v3 =	vadd.s32 v3, v8;
	v8 =	vor.u32 v26, v27;
	v20 =	vor.u32 v25, v28  }
0x19e: {  	v4 =	vadd.s32 v4, v9;
	v2 =	vadd.s32 v2, v10;
	v1 =	vadd.s32 v1, v11  }
0x19f: {  	v5 =	vadd.s32 v5, v12;
	v7 =	vadd.s32 v7, v15;
	v6 =	vadd.s32 v6, v13  }
0x1a0: {  	v9 =	vxor.u32 v3, v14;
	v10 =	vxor.u32 v4, v16;
	v11 =	vxor.u32 v2, v17  }
0x1a1: {  	v12 =	vxor.u32 v1, v18;
	v13 =	vxor.u32 v5, v19;
	v8 =	vxor.u32 v7, v8  }
0x1a2: {  	v15 =	vshrl.u32 v9, $0x10;
	v16 =	vshll.u32 v9, $0x10;
	v14 =	vxor.u32 v6, v20  }
0x1a3: {  	v17 =	vshrl.u32 v10, $0x10;
	v18 =	vshll.u32 v10, $0x10;
	v19 =	vshrl.u32 v11, $0x10  }
0x1a4: {  	v20 =	vshll.u32 v11, $0x10;
	v21 =	vshrl.u32 v12, $0x10;
	v22 =	vshll.u32 v12, $0x10  }
0x1a5: {  	v23 =	vshrl.u32 v13, $0x10;
	v24 =	vshll.u32 v13, $0x10;
	v25 =	vshrl.u32 v8, $0x10  }
0x1a6: {  	v28 =	vshll.u32 v8, $0x10;
	v26 =	vshrl.u32 v14, $0x10;
	v27 =	vshll.u32 v14, $0x10  }
0x1a7: {  	v15 =	vor.u32 v15, v16;
	v16 =	vor.u32 v17, v18;
	v17 =	vor.u32 v19, v20  }
0x1a8: {  	v18 =	vor.u32 v21, v22;
	v19 =	vor.u32 v23, v24;
	v20 =	vor.u32 v25, v28  }
0x1a9: {  	v3 =	vadd.s32 v3, v9;
	v4 =	vadd.s32 v4, v10;
	v21 =	vor.u32 v26, v27  }
0x1aa: {  	v2 =	vadd.s32 v2, v11;
	v1 =	vadd.s32 v1, v12;
	v5 =	vadd.s32 v5, v13  }
0x1ab: {  	v7 =	vadd.s32 v7, v8;
	v6 =	vadd.s32 v6, v14;
	v9 =	vxor.u32 v3, v15  }
0x1ac: {  	v8 =	vxor.u32 v4, v16;
	v10 =	vxor.u32 v2, v17;
	v11 =	vxor.u32 v1, v18  }
0x1ad: {  	v13 =	vxor.u32 v5, v19;
	v14 =	vxor.u32 v7, v20;
	v12 =	vxor.u32 v6, v21  }
0x1ae: {  	v15 =	vshrl.u32 v9, $0x8;
	v16 =	vshll.u32 v9, $0x18;
	v17 =	vshrl.u32 v8, $0x8  }
0x1af: {  	v18 =	vshll.u32 v8, $0x18;
	v19 =	vshrl.u32 v10, $0x8;
	v20 =	vshll.u32 v10, $0x18  }
0x1b0: {  	v21 =	vshrl.u32 v11, $0x8;
	v22 =	vshll.u32 v11, $0x18;
	v23 =	vshrl.u32 v13, $0x8  }
0x1b1: {  	v24 =	vshll.u32 v13, $0x18;
	v25 =	vshrl.u32 v14, $0x8;
	v26 =	vshll.u32 v14, $0x18  }
0x1b2: {  	v15 =	vor.u32 v15, v16;
	v27 =	vshrl.u32 v12, $0x8;
	v28 =	vshll.u32 v12, $0x18  }
0x1b3: {  	v16 =	vor.u32 v17, v18;
	v17 =	vor.u32 v19, v20;
	v18 =	vor.u32 v21, v22  }
0x1b4: {  	v20 =	vor.u32 v23, v24;
	v21 =	vor.u32 v25, v26;
	v19 =	vor.u32 v27, v28  }
0x1b5: {  	v3 =	vadd.s32 v3, v9;
	v4 =	vadd.s32 v4, v8;
	v2 =	vadd.s32 v2, v10  }
0x1b6: {  	v1 =	vadd.s32 v1, v11;
	v5 =	vadd.s32 v5, v13;
	v7 =	vadd.s32 v7, v14  }
0x1b7: {  	v6 =	vadd.s32 v6, v12;
	v8 =	vxor.u32 v3, v15;
	v9 =	vxor.u32 v4, v16  }
0x1b8: {  	v10 =	vxor.u32 v2, v17;
	v11 =	vxor.u32 v1, v18;
	v12 =	vxor.u32 v5, v20  }
0x1b9: {  	v8 =	vadd.s32 $0x2, v8;
	v14 =	vxor.u32 v7, v21;
	v13 =	vxor.u32 v6, v19  }
0x1ba: {  	v9 =	vadd.s32 $0x2, v9;
	v10 =	vadd.s32 $0x2, v10;
	v11 =	vadd.s32 $0x2, v11  }
0x1bb: {  	v12 =	vadd.s32 $0x2, v12;
	v14 =	vadd.s32 $0x2, v14;
	v13 =	vadd.s32 $0x2, v13  }
0x1bc: {  	v3 =	vadd.s32 v8, v3;
	v15 =	vshrl.u32 v8, $0x13;
	v8 =	vshll.u32 v8, $0xD  }
0x1bd: {  	v4 =	vadd.s32 v9, v4;
	v16 =	vshrl.u32 v9, $0x13;
	v9 =	vshll.u32 v9, $0xD  }
0x1be: {  	v2 =	vadd.s32 v10, v2;
	v17 =	vshrl.u32 v10, $0x13;
	v10 =	vshll.u32 v10, $0xD  }
0x1bf: {  	v1 =	vadd.s32 v11, v1;
	v18 =	vshrl.u32 v11, $0x13;
	v11 =	vshll.u32 v11, $0xD  }
0x1c0: {  	v5 =	vadd.s32 v12, v5;
	v19 =	vshrl.u32 v12, $0x13;
	v12 =	vshll.u32 v12, $0xD  }
0x1c1: {  	v7 =	vadd.s32 v14, v7;
	v20 =	vshrl.u32 v14, $0x13;
	v14 =	vshll.u32 v14, $0xD  }
0x1c2: {  	v6 =	vadd.s32 v13, v6;
	v21 =	vshrl.u32 v13, $0x13;
	v13 =	vshll.u32 v13, $0xD  }
0x1c3: {  	v3 =	vadd.s32 $0x1BD11BDA, v3;
	v8 =	vor.u32 v15, v8;
	v4 =	vadd.s32 $0x1BD11BDA, v4  }
0x1c4: {  	v9 =	vor.u32 v16, v9;
	v2 =	vadd.s32 $0x1BD11BDA, v2;
	v10 =	vor.u32 v17, v10  }
0x1c5: {  	v1 =	vadd.s32 $0x1BD11BDA, v1;
	v11 =	vor.u32 v18, v11;
	v5 =	vadd.s32 $0x1BD11BDA, v5  }
0x1c6: {  	v12 =	vor.u32 v19, v12;
	v7 =	vadd.s32 $0x1BD11BDA, v7;
	v14 =	vor.u32 v20, v14  }
0x1c7: {  	v8 =	vxor.u32 v3, v8;
	v6 =	vadd.s32 $0x1BD11BDA, v6;
	v13 =	vor.u32 v21, v13  }
0x1c8: {  	v9 =	vxor.u32 v4, v9;
	v10 =	vxor.u32 v2, v10;
	v11 =	vxor.u32 v1, v11  }
0x1c9: {  	v12 =	vxor.u32 v5, v12;
	v14 =	vxor.u32 v7, v14;
	v13 =	vxor.u32 v6, v13  }
0x1ca: {  	v15 =	vshrl.u32 v8, $0x11;
	v16 =	vshll.u32 v8, $0xF;
	v17 =	vshrl.u32 v9, $0x11  }
0x1cb: {  	v18 =	vshll.u32 v9, $0xF;
	v19 =	vshrl.u32 v10, $0x11;
	v20 =	vshll.u32 v10, $0xF  }
0x1cc: {  	v21 =	vshrl.u32 v11, $0x11;
	v22 =	vshll.u32 v11, $0xF;
	v23 =	vshrl.u32 v12, $0x11  }
0x1cd: {  	v24 =	vshll.u32 v12, $0xF;
	v25 =	vshrl.u32 v14, $0x11;
	v26 =	vshll.u32 v14, $0xF  }
0x1ce: {  	v15 =	vor.u32 v15, v16;
	v27 =	vshrl.u32 v13, $0x11;
	v28 =	vshll.u32 v13, $0xF  }
0x1cf: {  	v16 =	vor.u32 v17, v18;
	v17 =	vor.u32 v19, v20;
	v18 =	vor.u32 v21, v22  }
0x1d0: {  	v20 =	vor.u32 v23, v24;
	v21 =	vor.u32 v25, v26;
	v19 =	vor.u32 v27, v28  }
0x1d1: {  	v3 =	vadd.s32 v3, v8;
	v4 =	vadd.s32 v4, v9;
	v2 =	vadd.s32 v2, v10  }
0x1d2: {  	v1 =	vadd.s32 v1, v11;
	v5 =	vadd.s32 v5, v12;
	v7 =	vadd.s32 v7, v14  }
0x1d3: {  	v6 =	vadd.s32 v6, v13;
	v8 =	vxor.u32 v3, v15;
	v9 =	vxor.u32 v4, v16  }
0x1d4: {  	v10 =	vxor.u32 v2, v17;
	v11 =	vxor.u32 v1, v18;
	v12 =	vxor.u32 v5, v20  }
0x1d5: {  	v14 =	vshrl.u32 v8, $0x6;
	v15 =	vxor.u32 v7, v21;
	v13 =	vxor.u32 v6, v19  }
0x1d6: {  	v16 =	vshll.u32 v8, $0x1A;
	v17 =	vshrl.u32 v9, $0x6;
	v18 =	vshll.u32 v9, $0x1A  }
0x1d7: {  	v19 =	vshrl.u32 v10, $0x6;
	v20 =	vshll.u32 v10, $0x1A;
	v21 =	vshrl.u32 v11, $0x6  }
0x1d8: {  	v22 =	vshll.u32 v11, $0x1A;
	v23 =	vshrl.u32 v12, $0x6;
	v24 =	vshll.u32 v12, $0x1A  }
0x1d9: {  	v26 =	vshrl.u32 v15, $0x6;
	v27 =	vshll.u32 v15, $0x1A;
	v25 =	vshrl.u32 v13, $0x6  }
0x1da: {  	v14 =	vor.u32 v14, v16;
	v16 =	vor.u32 v17, v18;
	v28 =	vshll.u32 v13, $0x1A  }
0x1db: {  	v17 =	vor.u32 v19, v20;
	v18 =	vor.u32 v21, v22;
	v19 =	vor.u32 v23, v24  }
0x1dc: {  	v3 =	vadd.s32 v3, v8;
	v8 =	vor.u32 v26, v27;
	v20 =	vor.u32 v25, v28  }
0x1dd: {  	v4 =	vadd.s32 v4, v9;
	v2 =	vadd.s32 v2, v10;
	v1 =	vadd.s32 v1, v11  }
0x1de: {  	v5 =	vadd.s32 v5, v12;
	v7 =	vadd.s32 v7, v15;
	v6 =	vadd.s32 v6, v13  }
0x1df: {  	v9 =	vxor.u32 v3, v14;
	v10 =	vxor.u32 v4, v16;
	v11 =	vxor.u32 v2, v17  }
0x1e0: {  	v12 =	vxor.u32 v1, v18;
	v13 =	vxor.u32 v5, v19;
	v8 =	vxor.u32 v7, v8  }
0x1e1: {  	v15 =	vshrl.u32 v9, $0x1A;
	v16 =	vshll.u32 v9, $0x6;
	v14 =	vxor.u32 v6, v20  }
0x1e2: {  	v17 =	vshrl.u32 v10, $0x1A;
	v18 =	vshll.u32 v10, $0x6;
	v19 =	vshrl.u32 v11, $0x1A  }
0x1e3: {  	v20 =	vshll.u32 v11, $0x6;
	v21 =	vshrl.u32 v12, $0x1A;
	v22 =	vshll.u32 v12, $0x6  }
0x1e4: {  	v23 =	vshrl.u32 v13, $0x1A;
	v24 =	vshll.u32 v13, $0x6;
	v25 =	vshrl.u32 v8, $0x1A  }
0x1e5: {  	v28 =	vshll.u32 v8, $0x6;
	v26 =	vshrl.u32 v14, $0x1A;
	v27 =	vshll.u32 v14, $0x6  }
0x1e6: {  	v15 =	vor.u32 v15, v16;
	v16 =	vor.u32 v17, v18;
	v17 =	vor.u32 v19, v20  }
0x1e7: {  	v18 =	vor.u32 v21, v22;
	v19 =	vor.u32 v23, v24;
	v20 =	vor.u32 v25, v28  }
0x1e8: {  	v3 =	vadd.s32 v3, v9;
	v4 =	vadd.s32 v4, v10;
	v21 =	vor.u32 v26, v27  }
0x1e9: {  	v2 =	vadd.s32 v2, v11;
	v1 =	vadd.s32 v1, v12;
	v5 =	vadd.s32 v5, v13  }
0x1ea: {  	v7 =	vadd.s32 v7, v8;
	v6 =	vadd.s32 v6, v14;
	v9 =	vxor.u32 v3, v15  }
0x1eb: {  	v8 =	vxor.u32 v4, v16;
	v10 =	vxor.u32 v2, v17;
	v11 =	vxor.u32 v1, v18  }
0x1ec: {  	v13 =	vxor.u32 v5, v19;
	v14 =	vxor.u32 v7, v20;
	v12 =	vxor.u32 v6, v21  }
0x1ed: {  	v9 =	vadd.s32 $0x3, v9;
	v8 =	vadd.s32 $0x3, v8;
	v10 =	vadd.s32 $0x3, v10  }
0x1ee: {  	v11 =	vadd.s32 $0x3, v11;
	v13 =	vadd.s32 $0x3, v13;
	v14 =	vadd.s32 $0x3, v14  }
0x1ef: {  	v15 =	vshrl.u32 v9, $0xF;
	v16 =	vshll.u32 v9, $0x11;
	v12 =	vadd.s32 $0x3, v12  }
0x1f0: {  	v17 =	vshrl.u32 v8, $0xF;
	v18 =	vshll.u32 v8, $0x11;
	v19 =	vshrl.u32 v10, $0xF  }
0x1f1: {  	v20 =	vshll.u32 v10, $0x11;
	v21 =	vshrl.u32 v11, $0xF;
	v22 =	vshll.u32 v11, $0x11  }
0x1f2: {  	v23 =	vshrl.u32 v13, $0xF;
	v24 =	vshll.u32 v13, $0x11;
	v25 =	vshrl.u32 v14, $0xF  }
0x1f3: {  	v28 =	vshll.u32 v14, $0x11;
	v26 =	vshrl.u32 v12, $0xF;
	v27 =	vshll.u32 v12, $0x11  }
0x1f4: {  	v15 =	vor.u32 v15, v16;
	v16 =	vor.u32 v17, v18;
	v17 =	vor.u32 v19, v20  }
0x1f5: {  	v18 =	vor.u32 v21, v22;
	v19 =	vor.u32 v23, v24;
	v20 =	vor.u32 v25, v28  }
0x1f6: {  	v3 =	vadd.s32 v3, v9;
	v4 =	vadd.s32 v4, v8;
	v21 =	vor.u32 v26, v27  }
0x1f7: {  	v2 =	vadd.s32 v2, v10;
	v1 =	vadd.s32 v1, v11;
	v5 =	vadd.s32 v5, v13  }
0x1f8: {  	v7 =	vadd.s32 v7, v14;
	v6 =	vadd.s32 v6, v12;
	v8 =	vxor.u32 v3, v15  }
0x1f9: {  	v9 =	vxor.u32 v4, v16;
	v10 =	vxor.u32 v2, v17;
	v11 =	vxor.u32 v1, v18  }
0x1fa: {  	v13 =	vxor.u32 v5, v19;
	v14 =	vxor.u32 v7, v20;
	v12 =	vxor.u32 v6, v21  }
0x1fb: {  	v15 =	vshrl.u32 v8, $0x3;
	v16 =	vshll.u32 v8, $0x1D;
	v17 =	vshrl.u32 v9, $0x3  }
0x1fc: {  	v18 =	vshll.u32 v9, $0x1D;
	v19 =	vshrl.u32 v10, $0x3;
	v20 =	vshll.u32 v10, $0x1D  }
0x1fd: {  	v21 =	vshrl.u32 v11, $0x3;
	v22 =	vshll.u32 v11, $0x1D;
	v23 =	vshrl.u32 v13, $0x3  }
0x1fe: {  	v24 =	vshll.u32 v13, $0x1D;
	v25 =	vshrl.u32 v14, $0x3;
	v26 =	vshll.u32 v14, $0x1D  }
0x1ff: {  	v15 =	vor.u32 v15, v16;
	v27 =	vshrl.u32 v12, $0x3;
	v28 =	vshll.u32 v12, $0x1D  }
0x200: {  	v16 =	vor.u32 v17, v18;
	v17 =	vor.u32 v19, v20;
	v18 =	vor.u32 v21, v22  }
0x201: {  	v20 =	vor.u32 v23, v24;
	v21 =	vor.u32 v25, v26;
	v19 =	vor.u32 v27, v28  }
0x202: {  	v3 =	vadd.s32 v3, v8;
	v4 =	vadd.s32 v4, v9;
	v2 =	vadd.s32 v2, v10  }
0x203: {  	v1 =	vadd.s32 v1, v11;
	v5 =	vadd.s32 v5, v13;
	v7 =	vadd.s32 v7, v14  }
0x204: {  	v6 =	vadd.s32 v6, v12;
	v8 =	vxor.u32 v3, v15;
	v9 =	vxor.u32 v4, v16  }
0x205: {  	v10 =	vxor.u32 v2, v17;
	v11 =	vxor.u32 v1, v18;
	v12 =	vxor.u32 v5, v20  }
0x206: {  	v14 =	vshrl.u32 v8, $0x10;
	v15 =	vxor.u32 v7, v21;
	v13 =	vxor.u32 v6, v19  }
0x207: {  	v16 =	vshll.u32 v8, $0x10;
	v17 =	vshrl.u32 v9, $0x10;
	v18 =	vshll.u32 v9, $0x10  }
0x208: {  	v19 =	vshrl.u32 v10, $0x10;
	v20 =	vshll.u32 v10, $0x10;
	v21 =	vshrl.u32 v11, $0x10  }
0x209: {  	v22 =	vshll.u32 v11, $0x10;
	v23 =	vshrl.u32 v12, $0x10;
	v24 =	vshll.u32 v12, $0x10  }
0x20a: {  	v26 =	vshrl.u32 v15, $0x10;
	v27 =	vshll.u32 v15, $0x10;
	v25 =	vshrl.u32 v13, $0x10  }
0x20b: {  	v14 =	vor.u32 v14, v16;
	v16 =	vor.u32 v17, v18;
	v28 =	vshll.u32 v13, $0x10  }
0x20c: {  	v17 =	vor.u32 v19, v20;
	v18 =	vor.u32 v21, v22;
	v19 =	vor.u32 v23, v24  }
0x20d: {  	v3 =	vadd.s32 v3, v8;
	v8 =	vor.u32 v26, v27;
	v20 =	vor.u32 v25, v28  }
0x20e: {  	v4 =	vadd.s32 v4, v9;
	v2 =	vadd.s32 v2, v10;
	v1 =	vadd.s32 v1, v11  }
0x20f: {  	v5 =	vadd.s32 v5, v12;
	v7 =	vadd.s32 v7, v15;
	v6 =	vadd.s32 v6, v13  }
0x210: {  	v9 =	vxor.u32 v3, v14;
	v10 =	vxor.u32 v4, v16;
	v11 =	vxor.u32 v2, v17  }
0x211: {  	v12 =	vxor.u32 v1, v18;
	v13 =	vxor.u32 v5, v19;
	v8 =	vxor.u32 v7, v8  }
0x212: {  	v15 =	vshrl.u32 v9, $0x8;
	v16 =	vshll.u32 v9, $0x18;
	v14 =	vxor.u32 v6, v20  }
0x213: {  	v17 =	vshrl.u32 v10, $0x8;
	v18 =	vshll.u32 v10, $0x18;
	v19 =	vshrl.u32 v11, $0x8  }
0x214: {  	v20 =	vshll.u32 v11, $0x18;
	v21 =	vshrl.u32 v12, $0x8;
	v22 =	vshll.u32 v12, $0x18  }
0x215: {  	v23 =	vshrl.u32 v13, $0x8;
	v24 =	vshll.u32 v13, $0x18;
	v25 =	vshrl.u32 v8, $0x8  }
0x216: {  	v28 =	vshll.u32 v8, $0x18;
	v26 =	vshrl.u32 v14, $0x8;
	v27 =	vshll.u32 v14, $0x18  }
0x217: {  	v15 =	vor.u32 v15, v16;
	v16 =	vor.u32 v17, v18;
	v17 =	vor.u32 v19, v20  }
0x218: {  	v18 =	vor.u32 v21, v22;
	v19 =	vor.u32 v23, v24;
	v20 =	vor.u32 v25, v28  }
0x219: {  	v3 =	vadd.s32 v3, v9;
	v4 =	vadd.s32 v4, v10;
	v21 =	vor.u32 v26, v27  }
0x21a: {  	v2 =	vadd.s32 v2, v11;
	v1 =	vadd.s32 v1, v12;
	v5 =	vadd.s32 v5, v13  }
0x21b: {  	v7 =	vadd.s32 v7, v8;
	v6 =	vadd.s32 v6, v14;
	v9 =	vxor.u32 v3, v15  }
0x21c: {  	v8 =	vxor.u32 v4, v16;
	v10 =	vxor.u32 v2, v17;
	v11 =	vxor.u32 v1, v18  }
0x21d: {  	v13 =	vxor.u32 v5, v19;
	v14 =	vxor.u32 v7, v20;
	v12 =	vxor.u32 v6, v21  }
0x21e: {  	v9 =	vadd.s32 $0x1BD11BDE, v9;
	v8 =	vadd.s32 $0x1BD11BDE, v8;
	v10 =	vadd.s32 $0x1BD11BDE, v10  }
0x21f: {  	v11 =	vadd.s32 $0x1BD11BDE, v11;
	v13 =	vadd.s32 $0x1BD11BDE, v13;
	v14 =	vadd.s32 $0x1BD11BDE, v14  }
0x220: {  	v15 =	vshrl.u32 v9, $0x13;
	v16 =	vshll.u32 v9, $0xD;
	v12 =	vadd.s32 $0x1BD11BDE, v12  }
0x221: {  	v17 =	vshrl.u32 v8, $0x13;
	v18 =	vshll.u32 v8, $0xD;
	v19 =	vshrl.u32 v10, $0x13  }
0x222: {  	v20 =	vshll.u32 v10, $0xD;
	v21 =	vshrl.u32 v11, $0x13;
	v22 =	vshll.u32 v11, $0xD  }
0x223: {  	v23 =	vshrl.u32 v13, $0x13;
	v24 =	vshll.u32 v13, $0xD;
	v25 =	vshrl.u32 v14, $0x13  }
0x224: {  	v28 =	vshll.u32 v14, $0xD;
	v26 =	vshrl.u32 v12, $0x13;
	v27 =	vshll.u32 v12, $0xD  }
0x225: {  	v15 =	vor.u32 v15, v16;
	v16 =	vor.u32 v17, v18;
	v17 =	vor.u32 v19, v20  }
0x226: {  	v18 =	vor.u32 v21, v22;
	v19 =	vor.u32 v23, v24;
	v20 =	vor.u32 v25, v28  }
0x227: {  	v3 =	vadd.s32 v3, v9;
	v4 =	vadd.s32 v4, v8;
	v21 =	vor.u32 v26, v27  }
0x228: {  	v2 =	vadd.s32 v2, v10;
	v1 =	vadd.s32 v1, v11;
	v5 =	vadd.s32 v5, v13  }
0x229: {  	v7 =	vadd.s32 v7, v14;
	v6 =	vadd.s32 v6, v12;
	v8 =	vxor.u32 v3, v15  }
0x22a: {  	v9 =	vxor.u32 v4, v16;
	v10 =	vxor.u32 v2, v17;
	v11 =	vxor.u32 v1, v18  }
0x22b: {  	v13 =	vxor.u32 v5, v19;
	v14 =	vxor.u32 v7, v20;
	v12 =	vxor.u32 v6, v21  }
0x22c: {  	v15 =	vshrl.u32 v8, $0x11;
	v16 =	vshll.u32 v8, $0xF;
	v17 =	vshrl.u32 v9, $0x11  }
0x22d: {  	v18 =	vshll.u32 v9, $0xF;
	v19 =	vshrl.u32 v10, $0x11;
	v20 =	vshll.u32 v10, $0xF  }
0x22e: {  	v21 =	vshrl.u32 v11, $0x11;
	v22 =	vshll.u32 v11, $0xF;
	v23 =	vshrl.u32 v13, $0x11  }
0x22f: {  	v24 =	vshll.u32 v13, $0xF;
	v25 =	vshrl.u32 v14, $0x11;
	v26 =	vshll.u32 v14, $0xF  }
0x230: {  	v15 =	vor.u32 v15, v16;
	v27 =	vshrl.u32 v12, $0x11;
	v28 =	vshll.u32 v12, $0xF  }
0x231: {  	v16 =	vor.u32 v17, v18;
	v17 =	vor.u32 v19, v20;
	v18 =	vor.u32 v21, v22  }
0x232: {  	v20 =	vor.u32 v23, v24;
	v21 =	vor.u32 v25, v26;
	v19 =	vor.u32 v27, v28  }
0x233: {  	v3 =	vadd.s32 v3, v8;
	v4 =	vadd.s32 v4, v9;
	v2 =	vadd.s32 v2, v10  }
0x234: {  	v1 =	vadd.s32 v1, v11;
	v5 =	vadd.s32 v5, v13;
	v7 =	vadd.s32 v7, v14  }
0x235: {  	v6 =	vadd.s32 v6, v12;
	v8 =	vxor.u32 v3, v15;
	v9 =	vxor.u32 v4, v16  }
0x236: {  	v10 =	vxor.u32 v2, v17;
	v11 =	vxor.u32 v1, v18;
	v12 =	vxor.u32 v5, v20  }
0x237: {  	v14 =	vshrl.u32 v8, $0x6;
	v15 =	vxor.u32 v7, v21;
	v13 =	vxor.u32 v6, v19  }
0x238: {  	v16 =	vshll.u32 v8, $0x1A;
	v17 =	vshrl.u32 v9, $0x6;
	v18 =	vshll.u32 v9, $0x1A  }
0x239: {  	v19 =	vshrl.u32 v10, $0x6;
	v20 =	vshll.u32 v10, $0x1A;
	v21 =	vshrl.u32 v11, $0x6  }
0x23a: {  	v22 =	vshll.u32 v11, $0x1A;
	v23 =	vshrl.u32 v12, $0x6;
	v24 =	vshll.u32 v12, $0x1A  }
0x23b: {  	v26 =	vshrl.u32 v15, $0x6;
	v27 =	vshll.u32 v15, $0x1A;
	v25 =	vshrl.u32 v13, $0x6  }
0x23c: {  	v14 =	vor.u32 v14, v16;
	v16 =	vor.u32 v17, v18;
	v28 =	vshll.u32 v13, $0x1A  }
0x23d: {  	v17 =	vor.u32 v19, v20;
	v18 =	vor.u32 v21, v22;
	v19 =	vor.u32 v23, v24  }
0x23e: {  	v3 =	vadd.s32 v3, v8;
	v8 =	vor.u32 v26, v27;
	v20 =	vor.u32 v25, v28  }
0x23f: {  	v4 =	vadd.s32 v4, v9;
	v2 =	vadd.s32 v2, v10;
	v1 =	vadd.s32 v1, v11  }
0x240: {  	v5 =	vadd.s32 v5, v12;
	v7 =	vadd.s32 v7, v15;
	v6 =	vadd.s32 v6, v13  }
0x241: {  	v9 =	vxor.u32 v3, v14;
	v10 =	vxor.u32 v4, v16;
	v11 =	vxor.u32 v2, v17  }
0x242: {  	v12 =	vxor.u32 v1, v18;
	v13 =	vxor.u32 v5, v19;
	v8 =	vxor.u32 v7, v8  }
0x243: {  	v15 =	vshrl.u32 v9, $0x1A;
	v16 =	vshll.u32 v9, $0x6;
	v14 =	vxor.u32 v6, v20  }
0x244: {  	v17 =	vshrl.u32 v10, $0x1A;
	v18 =	vshll.u32 v10, $0x6;
	v19 =	vshrl.u32 v11, $0x1A  }
0x245: {  	v20 =	vshll.u32 v11, $0x6;
	v21 =	vshrl.u32 v12, $0x1A;
	v22 =	vshll.u32 v12, $0x6  }
0x246: {  	v23 =	vshrl.u32 v13, $0x1A;
	v24 =	vshll.u32 v13, $0x6;
	v25 =	vshrl.u32 v8, $0x1A  }
0x247: {  	v28 =	vshll.u32 v8, $0x6;
	v26 =	vshrl.u32 v14, $0x1A;
	v27 =	vshll.u32 v14, $0x6  }
0x248: {  	v15 =	vor.u32 v15, v16;
	v16 =	vor.u32 v17, v18;
	v17 =	vor.u32 v19, v20  }
0x249: {  	v18 =	vor.u32 v21, v22;
	v19 =	vor.u32 v23, v24;
	v20 =	vor.u32 v25, v28  }
0x24a: {  	v3 =	vadd.s32 v3, v9;
	v4 =	vadd.s32 v4, v10;
	v21 =	vor.u32 v26, v27  }
0x24b: {  	v2 =	vadd.s32 v2, v11;
	v1 =	vadd.s32 v1, v12;
	v5 =	vadd.s32 v5, v13  }
0x24c: {  	v7 =	vadd.s32 v7, v8;
	v6 =	vadd.s32 v6, v14;
	v9 =	vxor.u32 v3, v15  }
0x24d: {  	v8 =	vxor.u32 v4, v16;
	v10 =	vxor.u32 v2, v17;
	v11 =	vxor.u32 v1, v18  }
0x24e: {  	v13 =	vxor.u32 v5, v19;
	v14 =	vxor.u32 v7, v20;
	v12 =	vxor.u32 v6, v21  }
0x24f: {  	v9 =	vadd.s32 $0x5, v9;
	v8 =	vadd.s32 $0x5, v8;
	v10 =	vadd.s32 $0x5, v10  }
0x250: {  	v11 =	vadd.s32 $0x5, v11;
	v13 =	vadd.s32 $0x5, v13;
	v14 =	vadd.s32 $0x5, v14  }
.Ltmp0:
0x251: {  	v3 =	vadd.s32 $0x1BD11BDA, v3;
	v4 =	vadd.s32 $0x1BD11BDA, v4;
	v12 =	vadd.s32 $0x5, v12;
	(pc) =	sbr.rel @p1 .LBB2_4-.Ltmp0, $4  }
0x252: {  	v15 =	vadd.s32 $0x1BD11BDA, v5;
	v2 =	vadd.s32 $0x1BD11BDA, v2;
	v1 =	vadd.s32 $0x1BD11BDA, v1  }
0x253: {  	v7 =	vadd.s32 $0x1BD11BDA, v7;
	v6 =	vadd.s32 $0x1BD11BDA, v6;
	v3 =	vxor.u32 v3, v9  }
0x254: {  	v4 =	vxor.u32 v4, v8;
	v5 =	vxor.u32 v2, v10;
	[tilespmem:s15+$0xFFFFFFD0] =	vst v3;
	v3 =	vxor.u32 v1, v11  }
0x255: {  	s17 =	sadd.s32 s16, s13;
	s16 =	sadd.s32 $0x80, s16;
	v2 =	vxor.u32 v7, v14;
	v1 =	vxor.u32 v6, v12;
	[tilespmem:s15+$0xFFFFFFE0] =	vst v4;
	v4 =	vxor.u32 v15, v13  }
0x256: {  	s16 =	sadd.s32 $0x70, s17;
	v10 =	vmov s17;
	s23 =	sadd.s32 $0x10, s17  }
0x257: {  	s18 =	sadd.s32 $0x20, s17;
	s24 =	sadd.s32 $0x30, s17;
	s25 =	sadd.s32 $0x40, s17;
	v6 =	vmov s16;
	v9 =	vor.u32 s16, v0;
	v11 =	vmov s23  }
0x258: {  	s26 =	sadd.s32 $0x50, s17;
	s28 =	sadd.s32 $0x60, s17;
	v13 =	vmov s18;
	v55 =	vmov s24;
	v16 =	vmov s25  }
0x259: {  	v19 =	vor.u32 s25, v0;
	v57 =	vmov s26;
	v20 =	vmov s28  }
0x25a: {  	v23 =	vor.u32 s28, v0;
	v10 =	vshrl.u32 v10, $0x13;
	v7 =	vshrl.u32 v6, $0x13  }
0x25b: {  	v8 =	vshll.u32 v9, $0xD;
	v6 =	vor.u32 s17, v0;
	v11 =	vshrl.u32 v11, $0x13  }
0x25c: {  	v13 =	vshrl.u32 v13, $0x13;
	v16 =	vshrl.u32 v16, $0x13;
	v62 =	vshll.u32 v19, $0xD  }
0x25d: {  	v20 =	vshrl.u32 v20, $0x13;
	v33 =	vshll.u32 v23, $0xD;
	v8 =	vor.u32 v7, v8  }
0x25e: {  	v7 =	vor.u32 s23, v0;
	v30 =	vshll.u32 v6, $0xD;
	v16 =	vor.u32 v16, v62  }
0x25f: {  	v20 =	vor.u32 v20, v33;
	v12 =	vxor.u32 v9, v8;
	v8 =	vor.u32 s18, v0  }
0x260: {  	v59 =	vshll.u32 v7, $0xD;
	v10 =	vor.u32 v10, v30;
	v16 =	vxor.u32 v19, v16  }
0x261: {  	v20 =	vxor.u32 v23, v20;
	v14 =	vshrl.u32 v12, $0x11;
	v15 =	vshll.u32 v12, $0xF  }
0x262: {  	v12 =	vadd.s32 v9, v12;
	v9 =	vor.u32 s24, v0;
	v60 =	vshll.u32 v8, $0xD  }
0x263: {  	v11 =	vor.u32 v11, v59;
	v10 =	vxor.u32 v6, v10;
	v54 =	vshrl.u32 v16, $0x11  }
0x264: {  	v14 =	vor.u32 v14, v15;
	v15 =	vshrl.u32 v55, $0x13;
	v26 =	vshll.u32 v9, $0xD  }
0x265: {  	v13 =	vor.u32 v13, v60;
	v11 =	vxor.u32 v7, v11;
	v62 =	vshrl.u32 v10, $0x11  }
0x266: {  	v14 =	vxor.u32 v12, v14;
	v15 =	vor.u32 v15, v26;
	v13 =	vxor.u32 v8, v13  }
0x267: {  	v43 =	vshrl.u32 v11, $0x11;
	v44 =	vshll.u32 v11, $0xF;
	v7 =	vadd.s32 v7, v11  }
0x268: {  	v17 =	vshrl.u32 v14, $0x6;
	v18 =	vshll.u32 v14, $0x1A;
	v12 =	vadd.s32 v12, v14  }
0x269: {  	v15 =	vxor.u32 v9, v15;
	v47 =	vshrl.u32 v13, $0x11;
	v56 =	vor.u32 v17, v18  }
0x26a: {  	v49 =	vshll.u32 v13, $0xF;
	v8 =	vadd.s32 v8, v13;
	v14 =	vxor.u32 v12, v56  }
0x26b: {  	v18 =	vor.u32 s26, v0;
	v21 =	vshrl.u32 v14, $0x1A;
	v22 =	vshll.u32 v14, $0x6  }
0x26c: {  	v17 =	vshrl.u32 v57, $0x13;
	v12 =	vadd.s32 v12, v14;
	v58 =	vor.u32 v21, v22  }
0x26d: {  	v50 =	vshrl.u32 v15, $0x11;
	v51 =	vshll.u32 v15, $0xF;
	v14 =	vxor.u32 v12, v58  }
0x26e: {  	v9 =	vadd.s32 v9, v15;
	v15 =	vadd.s32 v23, v20;
	v14 =	vadd.s32 $0x1BD11BDB, v14  }
0x26f: {  	v28 =	vshll.u32 v18, $0xD;
	v24 =	vshrl.u32 v14, $0xF;
	v25 =	vshll.u32 v14, $0x11  }
0x270: {  	v56 =	vshll.u32 v16, $0xF;
	v12 =	vadd.s32 v12, v14;
	v61 =	vor.u32 v24, v25  }
0x271: {  	v16 =	vadd.s32 v19, v16;
	v17 =	vor.u32 v17, v28;
	v14 =	vxor.u32 v12, v61  }
0x272: {  	v17 =	vxor.u32 v18, v17;
	v63 =	vshrl.u32 v14, $0x3;
	v27 =	vshll.u32 v14, $0x1D  }
0x273: {  	v21 =	vor.u32 v43, v44;
	v12 =	vadd.s32 v12, v14;
	v32 =	vor.u32 v63, v27  }
0x274: {  	v57 =	vshrl.u32 v17, $0x11;
	v31 =	vshll.u32 v17, $0xF;
	v14 =	vxor.u32 v12, v32  }
0x275: {  	v58 =	vor.u32 v47, v49;
	v34 =	vshrl.u32 v14, $0x10;
	v29 =	vshll.u32 v14, $0x10  }
0x276: {  	v13 =	vadd.s32 v18, v17;
	v12 =	vadd.s32 v12, v14;
	v35 =	vor.u32 v34, v29  }
0x277: {  	v17 =	vxor.u32 v7, v21;
	v44 =	vxor.u32 v8, v58;
	v14 =	vxor.u32 v12, v35  }
0x278: {  	v7 =	vadd.s32 v7, v17;
	v36 =	vshrl.u32 v14, $0x8;
	v37 =	vshll.u32 v14, $0x18  }
0x279: {  	v25 =	vor.u32 v50, v51;
	v12 =	vadd.s32 v12, v14;
	v38 =	vor.u32 v36, v37  }
0x27a: {  	v8 =	vadd.s32 v8, v44;
	v47 =	vxor.u32 v9, v25;
	v14 =	vxor.u32 v12, v38  }
0x27b: {  	v61 =	vshrl.u32 v20, $0x11;
	v9 =	vadd.s32 v9, v47;
	v14 =	vadd.s32 $0x2, v14  }
0x27c: {  	v12 =	vadd.s32 v14, v12;
	v39 =	vshrl.u32 v14, $0x13;
	v14 =	vshll.u32 v14, $0xD  }
0x27d: {  	v63 =	vor.u32 v54, v56;
	v12 =	vadd.s32 $0x1BD11BDA, v12;
	v14 =	vor.u32 v39, v14  }
0x27e: {  	v56 =	vshll.u32 v17, $0x1A;
	v49 =	vxor.u32 v16, v63;
	v14 =	vxor.u32 v12, v14  }
0x27f: {  	v63 =	vshll.u32 v47, $0x1A;
	v40 =	vshrl.u32 v14, $0x11;
	v41 =	vshll.u32 v14, $0xF  }
0x280: {  	v29 =	vor.u32 v57, v31;
	v12 =	vadd.s32 v12, v14;
	v42 =	vor.u32 v40, v41  }
0x281: {  	v57 =	vshrl.u32 v44, $0x6;
	v35 =	vshll.u32 v20, $0xF;
	v14 =	vxor.u32 v12, v42  }
0x282: {  	v50 =	vxor.u32 v13, v29;
	v45 =	vshrl.u32 v14, $0x6;
	v46 =	vshll.u32 v14, $0x1A  }
0x283: {  	v36 =	vshll.u32 v10, $0xF;
	v12 =	vadd.s32 v12, v14;
	v48 =	vor.u32 v45, v46  }
0x284: {  	v13 =	vadd.s32 v13, v50;
	v26 =	vor.u32 v62, v36;
	v14 =	vxor.u32 v12, v48  }
0x285: {  	v62 =	vshrl.u32 v47, $0x6;
	v52 =	vshrl.u32 v14, $0x1A;
	v53 =	vshll.u32 v14, $0x6  }
0x286: {  	v25 =	vor.u32 v62, v63;
	v12 =	vadd.s32 v12, v14;
	v55 =	vor.u32 v52, v53  }
0x287: {  	v10 =	vadd.s32 v6, v10;
	v47 =	vxor.u32 v9, v25;
	v14 =	vxor.u32 v12, v55  }
0x288: {  	v36 =	vshll.u32 v49, $0x1A;
	v25 =	vshrl.u32 v47, $0x1A;
	v14 =	vadd.s32 $0x3, v14  }
0x289: {  	v9 =	vadd.s32 v9, v47;
	v59 =	vshrl.u32 v14, $0xF;
	v60 =	vshll.u32 v14, $0x11  }
0x28a: {  	v53 =	vxor.u32 v10, v26;
	v12 =	vadd.s32 v12, v14;
	v24 =	vor.u32 v59, v60  }
0x28b: {  	v55 =	vshrl.u32 v17, $0x6;
	v10 =	vadd.s32 v10, v53;
	v24 =	vxor.u32 v12, v24  }
0x28c: {  	v21 =	vor.u32 v55, v56;
	v33 =	vshrl.u32 v24, $0x3;
	v34 =	vshll.u32 v24, $0x1D  }
0x28d: {  	v14 =	vor.u32 v61, v35;
	v12 =	vadd.s32 v12, v24;
	v28 =	vor.u32 v33, v34  }
0x28e: {  	v14 =	vxor.u32 v15, v14;
	v60 =	vshll.u32 v44, $0x1A;
	v28 =	vxor.u32 v12, v28  }
0x28f: {  	v44 =	vadd.s32 v16, v49;
	v37 =	vshrl.u32 v28, $0x10;
	v38 =	vshll.u32 v28, $0x10  }
0x290: {  	v33 =	vshrl.u32 v49, $0x6;
	v12 =	vadd.s32 v12, v28;
	v24 =	vor.u32 v37, v38  }
0x291: {  	v37 =	vshrl.u32 v50, $0x6;
	v38 =	vshll.u32 v50, $0x1A;
	v39 =	vxor.u32 v12, v24  }
0x292: {  	v24 =	vor.u32 v57, v60;
	v22 =	vor.u32 v37, v38;
	v40 =	vshrl.u32 v39, $0x8  }
0x293: {  	v41 =	vshll.u32 v39, $0x18;
	v11 =	vadd.s32 v12, v39;
	v39 =	vshrl.u32 v14, $0x6  }
0x294: {  	v19 =	vxor.u32 v13, v22;
	v42 =	vor.u32 v40, v41;
	v40 =	vshll.u32 v14, $0x1A  }
0x295: {  	v41 =	vshrl.u32 v53, $0x6;
	v14 =	vadd.s32 v15, v14;
	v55 =	vshrl.u32 v19, $0x1A  }
0x296: {  	v56 =	vshll.u32 v19, $0x6;
	v62 =	vadd.s32 v13, v19;
	v12 =	vxor.u32 v11, v42  }
0x297: {  	v42 =	vshll.u32 v53, $0x1A;
	v26 =	vor.u32 v39, v40;
	v43 =	vadd.s32 $0x1BD11BDE, v12  }
0x298: {  	v49 =	vxor.u32 v14, v26;
	v45 =	vshrl.u32 v43, $0x13;
	v46 =	vshll.u32 v43, $0xD  }
0x299: {  	v6 =	vadd.s32 v11, v43;
	v43 =	vor.u32 v41, v42;
	v57 =	vshrl.u32 v49, $0x1A  }
0x29a: {  	v60 =	vshll.u32 v49, $0x6;
	v63 =	vadd.s32 v14, v49;
	v48 =	vor.u32 v45, v46  }
0x29b: {  	v45 =	vxor.u32 v7, v21;
	v46 =	vxor.u32 v8, v24;
	v22 =	vor.u32 v57, v60  }
0x29c: {  	v11 =	vxor.u32 v6, v48;
	v48 =	vxor.u32 v10, v43;
	v21 =	vshrl.u32 v45, $0x1A  }
0x29d: {  	v50 =	vshll.u32 v45, $0x6;
	v24 =	vshll.u32 v46, $0x6;
	v7 =	vadd.s32 v7, v45  }
0x29e: {  	v8 =	vadd.s32 v8, v46;
	v20 =	vxor.u32 v63, v22;
	v51 =	vshrl.u32 v11, $0x11  }
0x29f: {  	v52 =	vshll.u32 v11, $0xF;
	v6 =	vadd.s32 v6, v11;
	v21 =	vor.u32 v21, v50  }
0x2a0: {  	v10 =	vadd.s32 v10, v48;
	v20 =	vadd.s32 $0x1BD11BDB, v20;
	v54 =	vor.u32 v51, v52  }
0x2a1: {  	v51 =	vshrl.u32 v46, $0x1A;
	v52 =	vshll.u32 v47, $0x6;
	v32 =	vxor.u32 v7, v21  }
0x2a2: {  	v47 =	vshrl.u32 v20, $0xF;
	v50 =	vshll.u32 v20, $0x11;
	v13 =	vadd.s32 v63, v20  }
0x2a3: {  	v11 =	vxor.u32 v6, v54;
	v23 =	vor.u32 v51, v24;
	v25 =	vor.u32 v25, v52  }
0x2a4: {  	v14 =	vadd.s32 $0x1BD11BDB, v32;
	v22 =	vor.u32 v47, v50;
	v58 =	vshrl.u32 v11, $0x6  }
0x2a5: {  	v59 =	vshll.u32 v11, $0x1A;
	v6 =	vadd.s32 v6, v11;
	v15 =	vxor.u32 v8, v23  }
0x2a6: {  	v37 =	vshrl.u32 v14, $0xF;
	v38 =	vshll.u32 v14, $0x11;
	v7 =	vadd.s32 v7, v14  }
0x2a7: {  	v61 =	vor.u32 v58, v59;
	v58 =	vshrl.u32 v48, $0x1A;
	v59 =	vshll.u32 v48, $0x6  }
0x2a8: {  	v15 =	vadd.s32 $0x1BD11BDB, v15;
	v21 =	vor.u32 v37, v38;
	v11 =	vxor.u32 v6, v61  }
0x2a9: {  	v24 =	vor.u32 v58, v59;
	v61 =	vor.u32 v55, v56;
	v39 =	vshrl.u32 v15, $0xF  }
0x2aa: {  	v40 =	vshll.u32 v15, $0x11;
	v8 =	vadd.s32 v8, v15;
	v14 =	vxor.u32 v7, v21  }
0x2ab: {  	v34 =	vshrl.u32 v11, $0x1A;
	v35 =	vshll.u32 v11, $0x6;
	v6 =	vadd.s32 v6, v11  }
0x2ac: {  	v11 =	vor.u32 v33, v36;
	v33 =	vxor.u32 v9, v25;
	v36 =	vxor.u32 v10, v24  }
0x2ad: {  	v23 =	vor.u32 v39, v40;
	v52 =	vshrl.u32 v14, $0x3;
	v7 =	vadd.s32 v7, v14  }
0x2ae: {  	v29 =	vor.u32 v34, v35;
	v11 =	vxor.u32 v44, v11;
	v35 =	vxor.u32 v62, v61  }
0x2af: {  	v16 =	vadd.s32 $0x1BD11BDB, v33;
	v19 =	vadd.s32 $0x1BD11BDB, v36;
	v15 =	vxor.u32 v8, v23  }
0x2b0: {  	v29 =	vxor.u32 v6, v29;
	v6 =	vadd.s32 $0x1BD11BDA, v6;
	v53 =	vshrl.u32 v11, $0x1A  }
0x2b1: {  	v54 =	vshll.u32 v11, $0x6;
	v11 =	vadd.s32 v44, v11;
	v18 =	vadd.s32 $0x1BD11BDB, v35  }
0x2b2: {  	v41 =	vshrl.u32 v16, $0xF;
	v42 =	vshll.u32 v16, $0x11;
	v48 =	vshrl.u32 v19, $0xF  }
0x2b3: {  	v49 =	vshll.u32 v19, $0x11;
	v9 =	vadd.s32 v9, v16;
	v10 =	vadd.s32 v10, v19  }
0x2b4: {  	v23 =	vshrl.u32 v15, $0x3;
	v55 =	vshll.u32 v15, $0x1D;
	v8 =	vadd.s32 v8, v15  }
0x2b5: {  	v29 =	vadd.s32 $0x5, v29;
	v27 =	vor.u32 v53, v54;
	v45 =	vshrl.u32 v18, $0xF  }
0x2b6: {  	v46 =	vshll.u32 v18, $0x11;
	v25 =	vor.u32 v41, v42;
	v24 =	vor.u32 v48, v49  }
0x2b7: {  	v12 =	vadd.s32 v62, v18;
	v53 =	vxor.u32 v13, v22;
	v54 =	vshll.u32 v14, $0x1D  }
0x2b8: {  	v23 =	vor.u32 v23, v55;
	v6 =	vxor.u32 v6, v29;
	v34 =	vxor.u32 v11, v27  }
0x2b9: {  	v51 =	vor.u32 v45, v46;
	v16 =	vxor.u32 v9, v25;
	v19 =	vxor.u32 v10, v24  }
0x2ba: {  	v20 =	vor.u32 v52, v54;
	v61 =	vshrl.u32 v53, $0x3;
	v62 =	vshll.u32 v53, $0x1D  }
0x2bb: {  	v13 =	vadd.s32 v13, v53;
	v17 =	vadd.s32 $0x1BD11BDB, v34;
	v18 =	vxor.u32 v12, v51  }
0x2bc: {  	v25 =	vshrl.u32 v16, $0x3;
	v56 =	vshll.u32 v16, $0x1D;
	v60 =	vshrl.u32 v19, $0x3  }
0x2bd: {  	v63 =	vshll.u32 v19, $0x1D;
	v32 =	vor.u32 v61, v62;
	v9 =	vadd.s32 v9, v16  }
0x2be: {  	v10 =	vadd.s32 v10, v19;
	v33 =	vxor.u32 v7, v20;
	v34 =	vxor.u32 v8, v23  }
0x2bf: {  	v43 =	vshrl.u32 v17, $0xF;
	v44 =	vshll.u32 v17, $0x11;
	v11 =	vadd.s32 v11, v17  }
0x2c0: {  	v58 =	vshrl.u32 v18, $0x3;
	v59 =	vshll.u32 v18, $0x1D;
	v25 =	vor.u32 v25, v56  }
0x2c1: {  	v22 =	vor.u32 v60, v63;
	v12 =	vadd.s32 v12, v18;
	v14 =	vxor.u32 v13, v32  }
0x2c2: {  	v39 =	vshrl.u32 v33, $0x10;
	v40 =	vshll.u32 v33, $0x10;
	v23 =	vshrl.u32 v34, $0x10  }
0x2c3: {  	v41 =	vshll.u32 v34, $0x10;
	v7 =	vadd.s32 v7, v33;
	v8 =	vadd.s32 v8, v34  }
0x2c4: {  	v27 =	vor.u32 v43, v44;
	v29 =	vor.u32 v58, v59;
	v35 =	vxor.u32 v9, v25  }
0x2c5: {  	v38 =	vxor.u32 v10, v22;
	v21 =	vor.u32 v39, v40;
	v45 =	vshrl.u32 v14, $0x10  }
0x2c6: {  	v23 =	vor.u32 v23, v41;
	v48 =	vshll.u32 v14, $0x10;
	v13 =	vadd.s32 v13, v14  }
0x2c7: {  	v17 =	vxor.u32 v11, v27;
	v37 =	vxor.u32 v12, v29;
	v25 =	vshrl.u32 v35, $0x10  }
0x2c8: {  	v42 =	vshll.u32 v35, $0x10;
	v46 =	vshrl.u32 v38, $0x10;
	v47 =	vshll.u32 v38, $0x10  }
0x2c9: {  	v22 =	vor.u32 v45, v48;
	v9 =	vadd.s32 v9, v35;
	v10 =	vadd.s32 v10, v38  }
0x2ca: {  	v15 =	vxor.u32 v7, v21;
	v49 =	vxor.u32 v8, v23;
	v27 =	vshrl.u32 v17, $0x3  }
0x2cb: {  	v57 =	vshll.u32 v17, $0x1D;
	v11 =	vadd.s32 v11, v17;
	v29 =	vshrl.u32 v37, $0x10  }
0x2cc: {  	v44 =	vshll.u32 v37, $0x10;
	v25 =	vor.u32 v25, v42;
	v24 =	vor.u32 v46, v47  }
0x2cd: {  	v12 =	vadd.s32 v12, v37;
	v53 =	vxor.u32 v13, v22;
	v21 =	vshrl.u32 v15, $0x8  }
0x2ce: {  	v54 =	vshll.u32 v15, $0x18;
	v23 =	vshrl.u32 v49, $0x8;
	v55 =	vshll.u32 v49, $0x18  }
0x2cf: {  	v7 =	vadd.s32 v7, v15;
	v8 =	vadd.s32 v8, v49;
	v27 =	vor.u32 v27, v57  }
0x2d0: {  	v29 =	vor.u32 v29, v44;
	v50 =	vxor.u32 v9, v25;
	v52 =	vxor.u32 v10, v24  }
0x2d1: {  	v21 =	vor.u32 v21, v54;
	v59 =	vshrl.u32 v53, $0x8;
	v23 =	vor.u32 v23, v55  }
0x2d2: {  	v62 =	vshll.u32 v53, $0x18;
	v13 =	vadd.s32 v13, v53;
	v36 =	vxor.u32 v11, v27  }
0x2d3: {  	v19 =	vxor.u32 v12, v29;
	v25 =	vshrl.u32 v50, $0x8;
	v56 =	vshll.u32 v50, $0x18  }
0x2d4: {  	v60 =	vshrl.u32 v52, $0x8;
	v61 =	vshll.u32 v52, $0x18;
	v22 =	vor.u32 v59, v62  }
0x2d5: {  	v9 =	vadd.s32 v9, v50;
	v10 =	vadd.s32 v10, v52;
	v28 =	vxor.u32 v7, v21  }
0x2d6: {  	v27 =	vshrl.u32 v36, $0x10;
	v43 =	vshll.u32 v36, $0x10;
	v11 =	vadd.s32 v11, v36  }
0x2d7: {  	v29 =	vshrl.u32 v19, $0x8;
	v58 =	vshll.u32 v19, $0x18;
	v25 =	vor.u32 v25, v56  }
0x2d8: {  	v24 =	vor.u32 v60, v61;
	v12 =	vadd.s32 v12, v19;
	v14 =	vadd.s32 $0x2, v28  }
0x2d9: {  	v20 =	vxor.u32 v13, v22;
	v27 =	vor.u32 v27, v43;
	v63 =	vor.u32 v29, v58  }
0x2da: {  	v29 =	vxor.u32 v8, v23;
	v16 =	vxor.u32 v9, v25;
	v31 =	vxor.u32 v10, v24  }
0x2db: {  	v20 =	vadd.s32 $0x2, v20;
	v7 =	vadd.s32 v14, v7;
	v32 =	vshrl.u32 v14, $0x13  }
0x2dc: {  	v14 =	vshll.u32 v14, $0xD;
	v51 =	vxor.u32 v11, v27;
	v30 =	vxor.u32 v12, v63  }
0x2dd: {  	v15 =	vadd.s32 $0x2, v29;
	v16 =	vadd.s32 $0x2, v16;
	v19 =	vadd.s32 $0x2, v31  }
0x2de: {  	v13 =	vadd.s32 v20, v13;
	v37 =	vshrl.u32 v20, $0x13;
	v20 =	vshll.u32 v20, $0xD  }
0x2df: {  	v7 =	vadd.s32 $0x1BD11BDA, v7;
	v14 =	vor.u32 v32, v14;
	v27 =	vshrl.u32 v51, $0x8  }
0x2e0: {  	v57 =	vshll.u32 v51, $0x18;
	v11 =	vadd.s32 v11, v51;
	v18 =	vadd.s32 $0x2, v30  }
0x2e1: {  	v8 =	vadd.s32 v15, v8;
	v33 =	vshrl.u32 v15, $0x13;
	v15 =	vshll.u32 v15, $0xD  }
0x2e2: {  	v9 =	vadd.s32 v16, v9;
	v34 =	vshrl.u32 v16, $0x13;
	v16 =	vshll.u32 v16, $0xD  }
0x2e3: {  	v10 =	vadd.s32 v19, v10;
	v38 =	vshrl.u32 v19, $0x13;
	v19 =	vshll.u32 v19, $0xD  }
0x2e4: {  	v13 =	vadd.s32 $0x1BD11BDA, v13;
	v20 =	vor.u32 v37, v20;
	v14 =	vxor.u32 v7, v14  }
0x2e5: {  	v27 =	vor.u32 v27, v57;
	v12 =	vadd.s32 v18, v12;
	v36 =	vshrl.u32 v18, $0x13  }
0x2e6: {  	v18 =	vshll.u32 v18, $0xD;
	v8 =	vadd.s32 $0x1BD11BDA, v8;
	v15 =	vor.u32 v33, v15  }
0x2e7: {  	v9 =	vadd.s32 $0x1BD11BDA, v9;
	v16 =	vor.u32 v34, v16;
	v10 =	vadd.s32 $0x1BD11BDA, v10  }
0x2e8: {  	v19 =	vor.u32 v38, v19;
	v20 =	vxor.u32 v13, v20;
	v39 =	vshrl.u32 v14, $0x11  }
0x2e9: {  	v40 =	vshll.u32 v14, $0xF;
	v7 =	vadd.s32 v7, v14;
	v17 =	vxor.u32 v11, v27  }
0x2ea: {  	v12 =	vadd.s32 $0x1BD11BDA, v12;
	v18 =	vor.u32 v36, v18;
	v15 =	vxor.u32 v8, v15  }
0x2eb: {  	v16 =	vxor.u32 v9, v16;
	v19 =	vxor.u32 v10, v19;
	v21 =	vor.u32 v39, v40  }
0x2ec: {  	v49 =	vshrl.u32 v20, $0x11;
	v52 =	vshll.u32 v20, $0xF;
	v13 =	vadd.s32 v13, v20  }
0x2ed: {  	v17 =	vadd.s32 $0x2, v17;
	v18 =	vxor.u32 v12, v18;
	v41 =	vshrl.u32 v15, $0x11  }
0x2ee: {  	v42 =	vshll.u32 v15, $0xF;
	v43 =	vshrl.u32 v16, $0x11;
	v44 =	vshll.u32 v16, $0xF  }
0x2ef: {  	v50 =	vshrl.u32 v19, $0x11;
	v51 =	vshll.u32 v19, $0xF;
	v22 =	vor.u32 v49, v52  }
0x2f0: {  	v8 =	vadd.s32 v8, v15;
	v9 =	vadd.s32 v9, v16;
	v10 =	vadd.s32 v10, v19  }
0x2f1: {  	v14 =	vxor.u32 v7, v21;
	v11 =	vadd.s32 v17, v11;
	v35 =	vshrl.u32 v17, $0x13  }
0x2f2: {  	v17 =	vshll.u32 v17, $0xD;
	v47 =	vshrl.u32 v18, $0x11;
	v48 =	vshll.u32 v18, $0xF  }
0x2f3: {  	v23 =	vor.u32 v41, v42;
	v25 =	vor.u32 v43, v44;
	v24 =	vor.u32 v50, v51  }
0x2f4: {  	v12 =	vadd.s32 v12, v18;
	v54 =	vshrl.u32 v14, $0x6;
	v55 =	vxor.u32 v13, v22  }
0x2f5: {  	v56 =	vshll.u32 v14, $0x1A;
	v7 =	vadd.s32 v7, v14;
	v11 =	vadd.s32 $0x1BD11BDA, v11  }
0x2f6: {  	v17 =	vor.u32 v35, v17;
	v53 =	vor.u32 v47, v48;
	v15 =	vxor.u32 v8, v23  }
0x2f7: {  	v16 =	vxor.u32 v9, v25;
	v19 =	vxor.u32 v10, v24;
	v20 =	vor.u32 v54, v56  }
0x2f8: {  	v63 =	vshrl.u32 v55, $0x6;
	v32 =	vshll.u32 v55, $0x1A;
	v13 =	vadd.s32 v13, v55  }
0x2f9: {  	v17 =	vxor.u32 v11, v17;
	v18 =	vxor.u32 v12, v53;
	v23 =	vshrl.u32 v15, $0x6  }
0x2fa: {  	v57 =	vshll.u32 v15, $0x1A;
	v25 =	vshrl.u32 v16, $0x6;
	v58 =	vshll.u32 v16, $0x1A  }
0x2fb: {  	v62 =	vshrl.u32 v19, $0x6;
	v33 =	vshll.u32 v19, $0x1A;
	v34 =	vor.u32 v63, v32  }
0x2fc: {  	v8 =	vadd.s32 v8, v15;
	v9 =	vadd.s32 v9, v16;
	v10 =	vadd.s32 v10, v19  }
0x2fd: {  	v35 =	vxor.u32 v7, v20;
	v45 =	vshrl.u32 v17, $0x11;
	v46 =	vshll.u32 v17, $0xF  }
0x2fe: {  	v11 =	vadd.s32 v11, v17;
	v60 =	vshrl.u32 v18, $0x6;
	v61 =	vshll.u32 v18, $0x1A  }
0x2ff: {  	v23 =	vor.u32 v23, v57;
	v25 =	vor.u32 v25, v58;
	v22 =	vor.u32 v62, v33  }
0x300: {  	v12 =	vadd.s32 v12, v18;
	v14 =	vxor.u32 v13, v34;
	v41 =	vshrl.u32 v35, $0x1A  }
0x301: {  	v42 =	vshll.u32 v35, $0x6;
	v7 =	vadd.s32 v7, v35;
	v27 =	vor.u32 v45, v46  }
0x302: {  	v29 =	vor.u32 v60, v61;
	v36 =	vxor.u32 v8, v23;
	v37 =	vxor.u32 v9, v25  }
0x303: {  	v40 =	vxor.u32 v10, v22;
	v21 =	vor.u32 v41, v42;
	v47 =	vshrl.u32 v14, $0x1A  }
0x304: {  	v50 =	vshll.u32 v14, $0x6;
	v13 =	vadd.s32 v13, v14;
	v17 =	vxor.u32 v11, v27  }
0x305: {  	v39 =	vxor.u32 v12, v29;
	v23 =	vshrl.u32 v36, $0x1A;
	v43 =	vshll.u32 v36, $0x6  }
0x306: {  	v25 =	vshrl.u32 v37, $0x1A;
	v44 =	vshll.u32 v37, $0x6;
	v48 =	vshrl.u32 v40, $0x1A  }
0x307: {  	v49 =	vshll.u32 v40, $0x6;
	v22 =	vor.u32 v47, v50;
	v8 =	vadd.s32 v8, v36  }
0x308: {  	v9 =	vadd.s32 v9, v37;
	v10 =	vadd.s32 v10, v40;
	v15 =	vxor.u32 v7, v21  }
0x309: {  	v27 =	vshrl.u32 v17, $0x6;
	v59 =	vshll.u32 v17, $0x1A;
	v11 =	vadd.s32 v11, v17  }
0x30a: {  	v29 =	vshrl.u32 v39, $0x1A;
	v46 =	vshll.u32 v39, $0x6;
	v23 =	vor.u32 v23, v43  }
0x30b: {  	v25 =	vor.u32 v25, v44;
	v24 =	vor.u32 v48, v49;
	v12 =	vadd.s32 v12, v39  }
0x30c: {  	v55 =	vxor.u32 v13, v22;
	v15 =	vadd.s32 $0x3, v15;
	v27 =	vor.u32 v27, v59  }
0x30d: {  	v29 =	vor.u32 v29, v46;
	v51 =	vxor.u32 v8, v23;
	v52 =	vxor.u32 v9, v25  }
0x30e: {  	v54 =	vxor.u32 v10, v24;
	v20 =	vadd.s32 $0x3, v55;
	v56 =	vshrl.u32 v15, $0xF  }
0x30f: {  	v57 =	vshll.u32 v15, $0x11;
	v7 =	vadd.s32 v7, v15;
	v38 =	vxor.u32 v11, v27  }
0x310: {  	v19 =	vxor.u32 v12, v29;
	v14 =	vadd.s32 $0x3, v51;
	v16 =	vadd.s32 $0x3, v52  }
0x311: {  	v18 =	vadd.s32 $0x3, v54;
	v21 =	vor.u32 v56, v57;
	v35 =	vshrl.u32 v20, $0xF  }
0x312: {  	v13 =	vadd.s32 v13, v20;
	v27 =	vshrl.u32 v38, $0x1A;
	v45 =	vshll.u32 v38, $0x6  }
0x313: {  	v11 =	vadd.s32 v11, v38;
	v19 =	vadd.s32 $0x3, v19;
	v58 =	vshrl.u32 v14, $0xF  }
0x314: {  	v59 =	vshll.u32 v14, $0x11;
	v60 =	vshrl.u32 v16, $0xF;
	v61 =	vshll.u32 v16, $0x11  }
0x315: {  	v36 =	vshrl.u32 v18, $0xF;
	v37 =	vshll.u32 v18, $0x11;
	v38 =	vshll.u32 v20, $0x11  }
0x316: {  	v8 =	vadd.s32 v8, v14;
	v9 =	vadd.s32 v9, v16;
	v10 =	vadd.s32 v10, v18  }
0x317: {  	v39 =	vxor.u32 v7, v21;
	v27 =	vor.u32 v27, v45;
	v33 =	vshrl.u32 v19, $0xF  }
0x318: {  	v34 =	vshll.u32 v19, $0x11;
	v23 =	vor.u32 v58, v59;
	v25 =	vor.u32 v60, v61  }
0x319: {  	v22 =	vor.u32 v35, v38;
	v24 =	vor.u32 v36, v37;
	v12 =	vadd.s32 v12, v19  }
0x31a: {  	v21 =	vshrl.u32 v39, $0x3;
	v41 =	vshll.u32 v39, $0x1D;
	v7 =	vadd.s32 v7, v39  }
0x31b: {  	v53 =	vxor.u32 v11, v27;
	v29 =	vor.u32 v33, v34;
	v40 =	vxor.u32 v8, v23  }
0x31c: {  	v16 =	vxor.u32 v9, v25;
	v18 =	vxor.u32 v10, v24;
	v20 =	vxor.u32 v13, v22  }
0x31d: {  	v21 =	vor.u32 v21, v41;
	v17 =	vadd.s32 $0x3, v53;
	v19 =	vxor.u32 v12, v29  }
0x31e: {  	v23 =	vshrl.u32 v40, $0x3;
	v42 =	vshll.u32 v40, $0x1D;
	v25 =	vshrl.u32 v16, $0x3  }
0x31f: {  	v43 =	vshll.u32 v16, $0x1D;
	v46 =	vshrl.u32 v20, $0x3;
	v47 =	vshrl.u32 v18, $0x3  }
0x320: {  	v48 =	vshll.u32 v18, $0x1D;
	v49 =	vshll.u32 v20, $0x1D;
	v8 =	vadd.s32 v8, v40  }
0x321: {  	v9 =	vadd.s32 v9, v16;
	v13 =	vadd.s32 v13, v20;
	v10 =	vadd.s32 v10, v18  }
0x322: {  	v14 =	vxor.u32 v7, v21;
	v62 =	vshrl.u32 v17, $0xF;
	v63 =	vshll.u32 v17, $0x11  }
0x323: {  	v11 =	vadd.s32 v11, v17;
	v29 =	vshrl.u32 v19, $0x3;
	v45 =	vshll.u32 v19, $0x1D  }
0x324: {  	v23 =	vor.u32 v23, v42;
	v25 =	vor.u32 v25, v43;
	v24 =	vor.u32 v47, v48  }
0x325: {  	v22 =	vor.u32 v46, v49;
	v12 =	vadd.s32 v12, v19;
	v53 =	vshrl.u32 v14, $0x10  }
0x326: {  	v55 =	vshll.u32 v14, $0x10;
	v7 =	vadd.s32 v7, v14;
	v27 =	vor.u32 v62, v63  }
0x327: {  	v50 =	vor.u32 v29, v45;
	v15 =	vxor.u32 v8, v23;
	v16 =	vxor.u32 v9, v25  }
0x328: {  	v52 =	vxor.u32 v10, v24;
	v54 =	vxor.u32 v13, v22;
	v20 =	vor.u32 v53, v55  }
0x329: {  	v17 =	vxor.u32 v11, v27;
	v51 =	vxor.u32 v12, v50;
	v23 =	vshrl.u32 v15, $0x10  }
0x32a: {  	v56 =	vshll.u32 v15, $0x10;
	v25 =	vshrl.u32 v16, $0x10;
	v57 =	vshll.u32 v16, $0x10  }
0x32b: {  	v61 =	vshrl.u32 v52, $0x10;
	v62 =	vshrl.u32 v54, $0x10;
	v63 =	vshll.u32 v54, $0x10  }
0x32c: {  	v32 =	vshll.u32 v52, $0x10;
	v8 =	vadd.s32 v8, v15;
	v9 =	vadd.s32 v9, v16  }
0x32d: {  	v10 =	vadd.s32 v10, v52;
	v13 =	vadd.s32 v13, v54;
	v34 =	vxor.u32 v7, v20  }
0x32e: {  	v27 =	vshrl.u32 v17, $0x3;
	v44 =	vshll.u32 v17, $0x1D;
	v11 =	vadd.s32 v11, v17  }
0x32f: {  	v59 =	vshrl.u32 v51, $0x10;
	v60 =	vshll.u32 v51, $0x10;
	v23 =	vor.u32 v23, v56  }
0x330: {  	v25 =	vor.u32 v25, v57;
	v22 =	vor.u32 v61, v32;
	v33 =	vor.u32 v62, v63  }
0x331: {  	v12 =	vadd.s32 v12, v51;
	v40 =	vshrl.u32 v34, $0x8;
	v41 =	vshll.u32 v34, $0x18  }
0x332: {  	v7 =	vadd.s32 v7, v34;
	v27 =	vor.u32 v27, v44;
	v29 =	vor.u32 v59, v60  }
0x333: {  	v35 =	vxor.u32 v8, v23;
	v36 =	vxor.u32 v9, v25;
	v14 =	vxor.u32 v13, v33  }
0x334: {  	v39 =	vxor.u32 v10, v22;
	v21 =	vor.u32 v40, v41;
	v17 =	vxor.u32 v11, v27  }
0x335: {  	v38 =	vxor.u32 v12, v29;
	v23 =	vshrl.u32 v35, $0x8;
	v42 =	vshll.u32 v35, $0x18  }
0x336: {  	v25 =	vshrl.u32 v36, $0x8;
	v43 =	vshll.u32 v36, $0x18;
	v46 =	vshrl.u32 v14, $0x8  }
0x337: {  	v47 =	vshrl.u32 v39, $0x8;
	v48 =	vshll.u32 v39, $0x18;
	v49 =	vshll.u32 v14, $0x18  }
0x338: {  	v8 =	vadd.s32 v8, v35;
	v9 =	vadd.s32 v9, v36;
	v10 =	vadd.s32 v10, v39  }
0x339: {  	v15 =	vxor.u32 v7, v21;
	v13 =	vadd.s32 v13, v14;
	v27 =	vshrl.u32 v17, $0x10  }
0x33a: {  	v58 =	vshll.u32 v17, $0x10;
	v11 =	vadd.s32 v11, v17;
	v29 =	vshrl.u32 v38, $0x8  }
0x33b: {  	v45 =	vshll.u32 v38, $0x18;
	v23 =	vor.u32 v23, v42;
	v25 =	vor.u32 v25, v43  }
0x33c: {  	v22 =	vor.u32 v46, v49;
	v24 =	vor.u32 v47, v48;
	v12 =	vadd.s32 v12, v38  }
0x33d: {  	v15 =	vadd.s32 $0x1BD11BDE, v15;
	v27 =	vor.u32 v27, v58;
	v29 =	vor.u32 v29, v45  }
0x33e: {  	v50 =	vxor.u32 v8, v23;
	v51 =	vxor.u32 v9, v25;
	v53 =	vxor.u32 v10, v24  }
0x33f: {  	v54 =	vxor.u32 v13, v22;
	v55 =	vshrl.u32 v15, $0x13;
	v56 =	vshll.u32 v15, $0xD  }
0x340: {  	v7 =	vadd.s32 v7, v15;
	v37 =	vxor.u32 v11, v27;
	v19 =	vxor.u32 v12, v29  }
0x341: {  	v14 =	vadd.s32 $0x1BD11BDE, v50;
	v16 =	vadd.s32 $0x1BD11BDE, v51;
	v20 =	vadd.s32 $0x1BD11BDE, v54  }
0x342: {  	v18 =	vadd.s32 $0x1BD11BDE, v53;
	v21 =	vor.u32 v55, v56;
	v27 =	vshrl.u32 v37, $0x8  }
0x343: {  	v44 =	vshll.u32 v37, $0x18;
	v11 =	vadd.s32 v11, v37;
	v19 =	vadd.s32 $0x1BD11BDE, v19  }
0x344: {  	v57 =	vshrl.u32 v14, $0x13;
	v58 =	vshll.u32 v14, $0xD;
	v59 =	vshrl.u32 v16, $0x13  }
0x345: {  	v60 =	vshll.u32 v16, $0xD;
	v34 =	vshrl.u32 v20, $0x13;
	v35 =	vshrl.u32 v18, $0x13  }
0x346: {  	v36 =	vshll.u32 v18, $0xD;
	v37 =	vshll.u32 v20, $0xD;
	v8 =	vadd.s32 v8, v14  }
0x347: {  	v9 =	vadd.s32 v9, v16;
	v10 =	vadd.s32 v10, v18;
	v38 =	vxor.u32 v7, v21  }
0x348: {  	v13 =	vadd.s32 v13, v20;
	v27 =	vor.u32 v27, v44;
	v63 =	vshrl.u32 v19, $0x13  }
0x349: {  	v33 =	vshll.u32 v19, $0xD;
	v23 =	vor.u32 v57, v58;
	v25 =	vor.u32 v59, v60  }
0x34a: {  	v22 =	vor.u32 v34, v37;
	v24 =	vor.u32 v35, v36;
	v12 =	vadd.s32 v12, v19  }
0x34b: {  	v21 =	vshrl.u32 v38, $0x11;
	v40 =	vshll.u32 v38, $0xF;
	v7 =	vadd.s32 v7, v38  }
0x34c: {  	v52 =	vxor.u32 v11, v27;
	v29 =	vor.u32 v63, v33;
	v39 =	vxor.u32 v8, v23  }
0x34d: {  	v16 =	vxor.u32 v9, v25;
	v18 =	vxor.u32 v10, v24;
	v20 =	vxor.u32 v13, v22  }
0x34e: {  	v21 =	vor.u32 v21, v40;
	v17 =	vadd.s32 $0x1BD11BDE, v52;
	v19 =	vxor.u32 v12, v29  }
0x34f: {  	v23 =	vshrl.u32 v39, $0x11;
	v41 =	vshll.u32 v39, $0xF;
	v25 =	vshrl.u32 v16, $0x11  }
0x350: {  	v42 =	vshll.u32 v16, $0xF;
	v45 =	vshrl.u32 v20, $0x11;
	v46 =	vshrl.u32 v18, $0x11  }
0x351: {  	v47 =	vshll.u32 v18, $0xF;
	v48 =	vshll.u32 v20, $0xF;
	v8 =	vadd.s32 v8, v39  }
0x352: {  	v9 =	vadd.s32 v9, v16;
	v13 =	vadd.s32 v13, v20;
	v10 =	vadd.s32 v10, v18  }
0x353: {  	v14 =	vxor.u32 v7, v21;
	v61 =	vshrl.u32 v17, $0x13;
	v62 =	vshll.u32 v17, $0xD  }
0x354: {  	v11 =	vadd.s32 v11, v17;
	v29 =	vshrl.u32 v19, $0x11;
	v44 =	vshll.u32 v19, $0xF  }
0x355: {  	v23 =	vor.u32 v23, v41;
	v25 =	vor.u32 v25, v42;
	v24 =	vor.u32 v46, v47  }
0x356: {  	v22 =	vor.u32 v45, v48;
	v12 =	vadd.s32 v12, v19;
	v52 =	vshrl.u32 v14, $0x6  }
0x357: {  	v54 =	vshll.u32 v14, $0x1A;
	v7 =	vadd.s32 v7, v14;
	v27 =	vor.u32 v61, v62  }
0x358: {  	v49 =	vor.u32 v29, v44;
	v15 =	vxor.u32 v8, v23;
	v16 =	vxor.u32 v9, v25  }
0x359: {  	v51 =	vxor.u32 v10, v24;
	v53 =	vxor.u32 v13, v22;
	v20 =	vor.u32 v52, v54  }
0x35a: {  	v17 =	vxor.u32 v11, v27;
	v50 =	vxor.u32 v12, v49;
	v23 =	vshrl.u32 v15, $0x6  }
0x35b: {  	v55 =	vshll.u32 v15, $0x1A;
	v25 =	vshrl.u32 v16, $0x6;
	v56 =	vshll.u32 v16, $0x1A  }
0x35c: {  	v60 =	vshrl.u32 v51, $0x6;
	v61 =	vshrl.u32 v53, $0x6;
	v62 =	vshll.u32 v53, $0x1A  }
0x35d: {  	v63 =	vshll.u32 v51, $0x1A;
	v8 =	vadd.s32 v8, v15;
	v9 =	vadd.s32 v9, v16  }
0x35e: {  	v10 =	vadd.s32 v10, v51;
	v13 =	vadd.s32 v13, v53;
	v33 =	vxor.u32 v7, v20  }
0x35f: {  	v27 =	vshrl.u32 v17, $0x11;
	v43 =	vshll.u32 v17, $0xF;
	v11 =	vadd.s32 v11, v17  }
0x360: {  	v58 =	vshrl.u32 v50, $0x6;
	v59 =	vshll.u32 v50, $0x1A;
	v23 =	vor.u32 v23, v55  }
0x361: {  	v25 =	vor.u32 v25, v56;
	v22 =	vor.u32 v60, v63;
	v32 =	vor.u32 v61, v62  }
0x362: {  	v12 =	vadd.s32 v12, v50;
	v39 =	vshrl.u32 v33, $0x1A;
	v40 =	vshll.u32 v33, $0x6  }
0x363: {  	v7 =	vadd.s32 v7, v33;
	v27 =	vor.u32 v27, v43;
	v29 =	vor.u32 v58, v59  }
0x364: {  	v34 =	vxor.u32 v8, v23;
	v35 =	vxor.u32 v9, v25;
	v14 =	vxor.u32 v13, v32  }
0x365: {  	v38 =	vxor.u32 v10, v22;
	v21 =	vor.u32 v39, v40;
	v17 =	vxor.u32 v11, v27  }
0x366: {  	v37 =	vxor.u32 v12, v29;
	v23 =	vshrl.u32 v34, $0x1A;
	v41 =	vshll.u32 v34, $0x6  }
0x367: {  	v25 =	vshrl.u32 v35, $0x1A;
	v42 =	vshll.u32 v35, $0x6;
	v45 =	vshrl.u32 v14, $0x1A  }
0x368: {  	v46 =	vshrl.u32 v38, $0x1A;
	v47 =	vshll.u32 v38, $0x6;
	v48 =	vshll.u32 v14, $0x6  }
0x369: {  	v49 =	vadd.s32 v8, v34;
	v50 =	vadd.s32 v9, v35;
	v10 =	vadd.s32 v10, v38  }
0x36a: {  	v52 =	vxor.u32 v7, v21;
	v53 =	vadd.s32 v13, v14;
	v7 =	vadd.s32 $0x1BD11BDA, v7  }
0x36b: {  	v27 =	vshrl.u32 v17, $0x6;
	v57 =	vshll.u32 v17, $0x1A;
	v11 =	vadd.s32 v11, v17  }
0x36c: {  	v29 =	vshrl.u32 v37, $0x1A;
	v44 =	vshll.u32 v37, $0x6;
	v23 =	vor.u32 v23, v41  }
0x36d: {  	[tilespmem:s15+$0xFFFFFFF0] =	vst v5;
	v25 =	vor.u32 v25, v42;
	v22 =	vor.u32 v45, v48;
	v24 =	vor.u32 v46, v47  }
0x36e: {  	[tilespmem:s15+$0x0] =	vst v3;
	v3 =	vadd.s32 v12, v37;
	v5 =	vadd.s32 $0x1BD11BDA, v49;
	v8 =	vadd.s32 $0x1BD11BDA, v50  }
0x36f: {  	[tilespmem:s15+$0x10] =	vst v4;
	v4 =	vadd.s32 $0x1BD11BDA, v53;
	v27 =	vor.u32 v27, v57;
	v29 =	vor.u32 v29, v44  }
0x370: {  	v54 =	vxor.u32 v49, v23;
	v55 =	vxor.u32 v50, v25;
	v56 =	vxor.u32 v10, v24  }
0x371: {  	[tilespmem:s15+$0xFFFFFFC0] =	vst v1;
	v1 =	vxor.u32 v53, v22;
	v36 =	vxor.u32 v11, v27;
	v57 =	vxor.u32 v3, v29  }
0x372: {  	[tilespmem:s15+$0x20] =	vst v2;
	s29 =	sadd.s32 $0x80, s15;
	v58 =	vadd.s32 $0x5, v54;
	v59 =	vadd.s32 $0x5, v55;
	v1 =	vadd.s32 $0x5, v1  }
0x373: {  	[tilespmem:s29+$0x30] =	vst v6;
	v27 =	vshrl.u32 v36, $0x1A;
	v43 =	vshll.u32 v36, $0x6;
	v5 =	vxor.u32 v5, v58  }
0x374: {  	v51 =	vadd.s32 v11, v36;
	v61 =	vxor.u32 v8, v59;
	v27 =	vor.u32 v27, v43;
	[tilespmem:s29+$0xFFFFFFE0] =	vst v5  }
0x375: {  	v11 =	vadd.s32 $0x5, v52;
	v1 =	vxor.u32 v4, v1;
	[tilespmem:s29+$0xFFFFFFF0] =	vst v61;
	v2 =	vxor.u32 v51, v27  }
0x376: {  	v7 =	vxor.u32 v7, v11;
	v60 =	vadd.s32 $0x1BD11BDA, v51;
	[tilespmem:s29+$0x20] =	vst v1;
	v2 =	vadd.s32 $0x5, v2  }
0x377: {  	s30 =	sshll.u32 s14, $0x11;
	v3 =	vadd.s32 $0x1BD11BDA, v3;
	v62 =	vadd.s32 $0x5, v57;
	[tilespmem:s29+$0xFFFFFFD0] =	vst v7;
	v2 =	vxor.u32 v60, v2  }
0x378: {  	s14 =	sadd.s32 $0x1, s14;
	s16 =	sadd.s32 s12, s30;
	v63 =	vadd.s32 $0x1BD11BDA, v10;
	v3 =	vxor.u32 v3, v62;
	[tilespmem:s29+$0x0] =	vst v2;
	v2 =	vadd.s32 $0x5, v56  }
0x379: {  	p1 =	sne.s32 s14, $0x12;
	s16 =	sshrl.u32 s16, $0x3;
	[tilespmem:s29+$0x10] =	vst v3;
	v2 =	vxor.u32 v63, v2  }
.Ltmp1:
0x37a: {  	s31 =	sadd.s32 s3, s16;
	[tilespmem:s29+$0xFFFFFFC0] =	vst v2;
	(pc) =	sbr.rel @p1 .LBB2_3-.Ltmp1, $4  }
0x37b: {  	[hbm4b:s31+s8] =	stream.strided.scatter [tilespmem:s1], [sflag:$0x1], $0x4000, s9, s8, $0x38;
	[tilespmem:$0x4000] =	vst v63  }
0x37c: {  	_ =	swait.ge [sflag:s10], $0x4000  }
0x37d: {  	[sflag:s10] =	ssyncset.done $0x0  }
0x37e: {  	s13 =	sadd.s32 $0x4000, s13;
	[sflag:s10] =	ssyncadd.s32 $0xFFFFC000  }
.Ltmp2:
0x37f: {  	(pc) =	sbr.rel @p0 .LBB2_2-.Ltmp2, $2  }
0x380: {  	_ =	sdelay $0x2  }
0x381: {  	s12 =	simm.s32 $0x1;
	p1 =	por $0x0, $0x0  }
0x382: {  	s11 =	sadd.s32 $0x1, s11  }
0x383: {  	p0 =	sne.s32 s11, s6  }
.Ltmp3:
0x384: {  	_ = 	snop;
	(pc) =	sbr.rel @p0 .LBB2_1-.Ltmp3, $1  }
0x385: {  	_ =	sdelay $0x3  }
0x386: {  	_ =	sfence.sel $0x180000  }
0x387: {  	[bflag:$0x0] =	sbarrier.arrive $0xFFFF  }
0x388: {  	p0 =	sne.s32 s2, $0x0;
	_ =	strace $0x90000047  }
0x389: {  	s0 =	sadd.s32 @!p0 $0x100000, s0;
	[bflag:$0x2] =	sbarrier.arrive $0xFFFF  }
0x38a: {  	[sflag:s0] =	ssyncadd.tile.s32 @!p0 $0x1;
	_ =	shalt  }
.Lfunc_end2:
_tile_overlayer_lowered:
.L_overlay_start_2:
0x38b: {  	(tag) =	ssettag $0x2  }
0x38c: {  	s0 =	rddreg [dreg:$0x0];
	s2 =	stileid.u32  }
0x38d: {  	s1 =	rddreg [dreg:$0x1];
	p0 =	sne.s32 s2, $0x0  }
0x38e: {  	s3 =	rddreg [dreg:$0x2];
	[bflag:$0x3] =	sbarrier.arrive $0xFFFF;
	s2 =	simm.s32 @!p0 $0x1C01  }
0x38f: {  	[timem:s3], [sflag:s2] =	dma.local @!p0 [hbm:s0], s1  }
0x390: {  	s0 =	simm.s32 @!p0 $0x1  }
0x391: {  	_ =	swait.ge @!p0 [sflag:s0], s1  }
0x392: {  	s1 =	ssub.s32 @!p0 $0x0, s1;
	[sflag:s0] =	ssyncset.done @!p0 $0x0  }
0x393: {  	[sflag:s0] =	ssyncadd.s32 @!p0 s1  }
0x394: {  	[bflag:$0x3] =	sbarrier.arrive $0xFFFF  }
0x395: {  	_ =	shalt  }

</sc_bundles>
